<compile_context>
chip_gen: v7x
topology: tpu7x:2x2x1
jax: 0.10.2.dev20260603
libtpu: 0.0.44.dev20260713+nightly
codegen_flags: <defaults>
</compile_context>

<pallas_src>
import functools

import jax
import jax.numpy as jnp
from jax import lax
from jax.experimental import pallas as pl
from jax.experimental.pallas import tpu as pltpu
from jax.experimental.pallas import tpu_sc as plsc

DIM = 64
LANES = 16
NUM_CORES = 2
NUM_SUBCORES = 16
NUM_WORKERS = NUM_CORES * NUM_SUBCORES
CHUNK = 256
SUB = CHUNK // 128
NBUF = 4
GROUPS = 8
BLOCK = GROUPS * LANES
EPS = 1e-12


def _body(ids2_hbm, table_hbm, gamma_hbm, beta_hbm, out_hbm,
          idx_v, rows_v, obuf_v, gamma_v, beta_v, gsem, osem,
          *, per_w, n_chunks):
    wid = lax.axis_index("s") * NUM_CORES + lax.axis_index("c")
    base = wid * per_w
    base_c = wid * (per_w // 128)

    pltpu.sync_copy(gamma_hbm, gamma_v)
    pltpu.sync_copy(beta_hbm, beta_v)
    gs = [gamma_v[pl.ds(j * LANES, LANES)] for j in range(DIM // LANES)]
    bs = [beta_v[pl.ds(j * LANES, LANES)] for j in range(DIM // LANES)]
    lane = lax.iota(jnp.int32, LANES)

    def fire_gather(c, buf):
        pltpu.sync_copy(ids2_hbm.at[pl.ds(base_c + c * SUB, SUB)],
                        idx_v.at[buf])
        for j in range(SUB):
            pltpu.async_copy(
                table_hbm.at[idx_v.at[buf, j]],
                rows_v.at[buf, pl.ds(j * 128, 128)],
                gsem.at[buf],
            )

    def drain_gather(buf):
        for j in range(SUB):
            pltpu.make_async_copy(
                table_hbm.at[idx_v.at[buf, j]],
                rows_v.at[buf, pl.ds(j * 128, 128)],
                gsem.at[buf],
            ).wait()

    def fire_out(c, ob):
        pltpu.async_copy(
            obuf_v.at[ob],
            out_hbm.at[pl.ds(base + c * CHUNK, CHUNK), pl.ds(0, DIM)],
            osem.at[ob],
        )

    def wait_out(c, ob):
        pltpu.make_async_copy(
            obuf_v.at[ob],
            out_hbm.at[pl.ds(base + c * CHUNK, CHUNK), pl.ds(0, DIM)],
            osem.at[ob],
        ).wait()

    def ln_rows(buf, ob):
        bufv = jnp.full((LANES,), buf, jnp.int32)
        obv = jnp.full((LANES,), ob, jnp.int32)

        def block_body(blk, carry):
            rowvs = [blk * BLOCK + g * LANES + lane for g in range(GROUPS)]

            def p1_body(j, sums):
                jv = lax.bitwise_and(lane + j, DIM - 1)
                out = []
                for g in range(GROUPS):
                    v = plsc.load_gather(rows_v, [bufv, rowvs[g], jv])
                    out.append(sums[g] + v)
                    out.append(sums[GROUPS + g] + v * v)
                return tuple(out[0::2]) + tuple(out[1::2])

            zero = jnp.zeros((LANES,), jnp.float32)
            sums = lax.fori_loop(0, DIM, p1_body, (zero,) * (2 * GROUPS))

            scales = []
            shifts = []
            for g in range(GROUPS):
                mv = sums[g] * (1.0 / DIM)
                varv = jnp.maximum(
                    sums[GROUPS + g] * (1.0 / DIM) - mv * mv, 0.0) + EPS
                bits = 0x5F3759DF - lax.shift_right_logical(
                    plsc.bitcast(varv, jnp.int32), 1)
                y = plsc.bitcast(bits, jnp.float32)
                y = y * (1.5 - (0.5 * varv) * (y * y))
                y = y * (1.5 - (0.5 * varv) * (y * y))
                scales.append(y)
                shifts.append(-mv * y)

            def p2_body(j, carry2):
                jv = lax.bitwise_and(lane + j, DIM - 1)
                gj = plsc.load_gather(gamma_v, [jv])
                bj = plsc.load_gather(beta_v, [jv])
                vals = [plsc.load_gather(rows_v, [bufv, rowvs[g], jv])
                        for g in range(GROUPS)]
                outs = [(vals[g] * scales[g] + shifts[g]) * gj + bj
                        for g in range(GROUPS)]
                for g in range(GROUPS):
                    plsc.store_scatter(obuf_v, [obv, rowvs[g], jv], outs[g])
                return carry2

            lax.fori_loop(0, DIM, p2_body, 0)
            return carry

        lax.fori_loop(0, CHUNK // BLOCK, block_body, 0)

    fire_gather(0, 0)
    fire_gather(1, 1)

    def chunk_body(c, carry):
        buf = lax.rem(c, NBUF)
        buf2 = lax.rem(c + 2, NBUF)
        ob = lax.rem(c, 2)
        drain_gather(buf)

        @pl.when(c >= 2)
        def _():
            wait_out(c - 2, ob)

        ln_rows(buf, ob)
        fire_out(c, ob)

        @pl.when(c + 2 < n_chunks)
        def _():
            fire_gather(c + 2, buf2)

        return carry

    lax.fori_loop(0, n_chunks, chunk_body, 0)
    wait_out(n_chunks - 2, lax.rem(n_chunks - 2, 2))
    wait_out(n_chunks - 1, lax.rem(n_chunks - 1, 2))


def _launch(ids2, table2, gamma, beta):
    n = ids2.shape[0] * ids2.shape[1]
    per_w = n // NUM_WORKERS
    n_chunks = per_w // CHUNK
    mesh = plsc.VectorSubcoreMesh(core_axis_name="c", subcore_axis_name="s")
    kfn = pl.kernel(
        functools.partial(_body, per_w=per_w, n_chunks=n_chunks),
        out_type=jax.ShapeDtypeStruct((n, 128), jnp.float32),
        mesh=mesh,
        scratch_types=[
            pltpu.VMEM((NBUF, SUB, 128), jnp.int32),
            pltpu.VMEM((NBUF, CHUNK, DIM), jnp.float32),
            pltpu.VMEM((2, CHUNK, DIM), jnp.float32),
            pltpu.VMEM((DIM,), jnp.float32),
            pltpu.VMEM((DIM,), jnp.float32),
            pltpu.SemaphoreType.DMA((NBUF,)),
            pltpu.SemaphoreType.DMA((2,)),
        ],
        compiler_params=pltpu.CompilerParams(
            needs_layout_passes=False, use_tc_tiling_on_sc=False
        ),
    )
    return kfn(ids2, table2, gamma, beta)


def _transpose_body(tt_hbm, tail_hbm, out_hbm, in_v, tr_v, isem, osem,
                    *, nvt, tail_vt):
    wid = lax.axis_index("s") * NUM_CORES + lax.axis_index("c")
    lane = lax.iota(jnp.int32, LANES)
    rowts = [lax.shift_right_logical(k * LANES + lane, 1) for k in range(8)]
    colbs = [lax.shift_left(lax.bitwise_and(k * LANES + lane, 1), 6)
             for k in range(8)]
    vis = [k * LANES + lane for k in range(8)]
    n_mine = (nvt - wid + NUM_WORKERS - 1) // NUM_WORKERS

    def fire_in(i, buf):
        vt = wid + i * NUM_WORKERS
        pltpu.async_copy(tt_hbm.at[:, pl.ds(vt * 128, 128)], in_v.at[buf],
                        isem.at[buf])

    def vt_body(i, carry):
        buf = lax.rem(i, 2)
        vt = wid + i * NUM_WORKERS
        pltpu.make_async_copy(
            tt_hbm.at[:, pl.ds(vt * 128, 128)], in_v.at[buf],
            isem.at[buf]).wait()

        @pl.when(i >= 2)
        def _():
            pltpu.make_async_copy(
                tr_v.at[buf], out_hbm.at[pl.ds((vt - 2 * NUM_WORKERS) * 64, 64)],
                osem.at[buf]).wait()

        bufv = jnp.full((LANES,), buf, jnp.int32)

        def s_body(s, carry2):
            cvec = lax.bitwise_and(lane + s, DIM - 1)
            vals = [plsc.load_gather(in_v, [bufv, cvec, vis[k]])
                    for k in range(8)]
            for k in range(8):
                plsc.store_scatter(tr_v, [bufv, rowts[k], colbs[k] + cvec],
                                   vals[k])
            return carry2

        lax.fori_loop(0, DIM, s_body, 0)
        pltpu.async_copy(tr_v.at[buf], out_hbm.at[pl.ds(vt * 64, 64)],
                        osem.at[buf])

        @pl.when(i + 2 < n_mine)
        def _():
            fire_in(i + 2, buf)

        return carry

    @pl.when(n_mine >= 1)
    def _():
        fire_in(0, 0)

    @pl.when(n_mine >= 2)
    def _():
        fire_in(1, 1)

    lax.fori_loop(0, n_mine, vt_body, 0)

    def drain_tail(i, carry):
        vt = wid + i * NUM_WORKERS
        pltpu.make_async_copy(
            tr_v.at[lax.rem(i, 2)], out_hbm.at[pl.ds(vt * 64, 64)],
            osem.at[lax.rem(i, 2)]).wait()
        return carry

    lax.fori_loop(lax.max(n_mine - 2, 0), n_mine, drain_tail, 0)

    @pl.when(wid == 0)
    def _():
        pltpu.sync_copy(tail_hbm, in_v.at[0, pl.ds(0, 32)])
        pltpu.sync_copy(in_v.at[0, pl.ds(0, 32)],
                        out_hbm.at[pl.ds(tail_vt * 64, 32)])


def _relayout_table(table):
    v = table.shape[0]
    nvt = v // 128
    tail = table[nvt * 128:].reshape(32, 128)
    mesh = plsc.VectorSubcoreMesh(core_axis_name="c", subcore_axis_name="s")
    kfn = pl.kernel(
        functools.partial(_transpose_body, nvt=nvt, tail_vt=nvt),
        out_type=jax.ShapeDtypeStruct((v // 2, 128), jnp.float32),
        mesh=mesh,
        scratch_types=[
            pltpu.VMEM((2, DIM, 128), jnp.float32),
            pltpu.VMEM((2, DIM, 128), jnp.float32),
            pltpu.SemaphoreType.DMA((2,)),
            pltpu.SemaphoreType.DMA((2,)),
        ],
        compiler_params=pltpu.CompilerParams(
            needs_layout_passes=False, use_tc_tiling_on_sc=True
        ),
    )
    return kfn(table.T, tail)


def kernel(token_ids, table, gamma, beta):
    b, s = token_ids.shape
    n = b * s
    v = table.shape[0]
    ids2 = token_ids.astype(jnp.int32).reshape(n // 128, 128)
    table_p = _relayout_table(table).reshape(v, DIM)
    outp = _launch(ids2, table_p, gamma, beta)
    return outp.reshape(b, s, 128)[:, :, :DIM]

# --- scband reference (transcript-rebuilt; emitter-appended) ---
"""Pipeline reference for scband-mol-embeddings-37546604101658 (READ-ONLY COPY).

The authoritative reference and input builder live on the scoring server;
editing this copy changes nothing except your own understanding.
"""

import jax, jax.numpy as jnp
import numpy as np

VOCAB = 1000000
DIM = 64
PAD = 0
EPS = 1e-12

def setup_inputs(seed: int = 0) -> dict:
    key = jax.random.key(seed)
    k1, k2, k3, k4 = jax.random.split(key, 4)
    token_ids = jax.random.randint(k1, (4096, 200), 0, VOCAB, dtype=jnp.int64 if jax.config.jax_enable_x64 else jnp.int32)
    table = jax.random.normal(k2, (VOCAB, DIM), dtype=jnp.float32) * 0.02
    table = table.at[PAD].set(0.0)
    gamma = jnp.ones((DIM,), dtype=jnp.float32)
    beta = jnp.zeros((DIM,), dtype=jnp.float32)
    return {"token_ids": token_ids, "table": table, "gamma": gamma, "beta": beta}

def reference(token_ids, table, gamma, beta):
    # Embedding lookup (padding_idx row already zeroed in the table)
    emb = jnp.take(table, token_ids, axis=0)
    # LayerNorm over last dim (biased variance, as in torch.nn.LayerNorm)
    mean = jnp.mean(emb, axis=-1, keepdims=True)
    var = jnp.mean((emb - mean) ** 2, axis=-1, keepdims=True)
    normed = (emb - mean) / jnp.sqrt(var + EPS)
    out = normed * gamma + beta
    # Dropout is identity in eval mode
    return out

if __name__ == "__main__":
    import jax
    _d = setup_inputs()
    print(jax.jit(kernel)(*tuple(_d.values())))

</pallas_src>

<mosaic_0001>
#map = affine_map<(d0, d1) -> (0, 0)>
module attributes {stable_mosaic.version = 14 : i64} {
  func.func @_transpose_body(%arg0: i32, %arg1: i32, %arg2: memref<64x1000000xf32, #tpu.memory_space<hbm>>, %arg3: memref<32x128xf32, #tpu.memory_space<hbm>>, %arg4: memref<500000x128xf32, #tpu.memory_space<hbm>>, %arg5: memref<2x64x128xf32, #tpu.memory_space<vmem>>, %arg6: memref<2x64x128xf32, #tpu.memory_space<vmem>>, %arg7: memref<2x!tpu.dma_semaphore, #tpu.memory_space<semaphore_mem>>, %arg8: memref<2x!tpu.dma_semaphore, #tpu.memory_space<semaphore_mem>>) attributes {dimension_semantics = [#tpu.dimension_semantics<core_parallel>, #tpu.dimension_semantics<subcore_parallel>], iteration_bounds = array<i64: 2, 16>, scalar_prefetch = 0 : i64, scratch_operands = 4 : i64, tpu.core_type = #tpu.core_type<sc_vector_subcore>, window_params = [{transform_indices = #map}, {transform_indices = #map}, {transform_indices = #map}]} {
    %mul3A = arith.constant 2 : i32
    %mul3A_0 = arith.muli %arg1, %mul3A : i32
    %add3A = arith.addi %mul3A_0, %arg0 : i32
    %iota3A = tpu.iota {dimensions = array<i32: 0>} : vector<16xi32>
    %add3A_1 = arith.constant 0 : i32
    %add3A_2 = vector.broadcast %add3A_1 : i32 to vector<16xi32>
    %add3A_3 = arith.addi %add3A_2, %iota3A : vector<16xi32>
    %shift_right_logical3A = arith.constant 1 : i32
    %shift_right_logical3A_4 = vector.broadcast %shift_right_logical3A : i32 to vector<16xi32>
    %shift_right_logical3A_5 = arith.shrui %add3A_3, %shift_right_logical3A_4 : vector<16xi32>
    %add3A_6 = arith.constant 16 : i32
    %add3A_7 = vector.broadcast %add3A_6 : i32 to vector<16xi32>
    %add3A_8 = arith.addi %add3A_7, %iota3A : vector<16xi32>
    %shift_right_logical3A_9 = arith.constant 1 : i32
    %shift_right_logical3A_10 = vector.broadcast %shift_right_logical3A_9 : i32 to vector<16xi32>
    %shift_right_logical3A_11 = arith.shrui %add3A_8, %shift_right_logical3A_10 : vector<16xi32>
    %add3A_12 = arith.constant 32 : i32
    %add3A_13 = vector.broadcast %add3A_12 : i32 to vector<16xi32>
    %add3A_14 = arith.addi %add3A_13, %iota3A : vector<16xi32>
    %shift_right_logical3A_15 = arith.constant 1 : i32
    %shift_right_logical3A_16 = vector.broadcast %shift_right_logical3A_15 : i32 to vector<16xi32>
    %shift_right_logical3A_17 = arith.shrui %add3A_14, %shift_right_logical3A_16 : vector<16xi32>
    %add3A_18 = arith.constant 48 : i32
    %add3A_19 = vector.broadcast %add3A_18 : i32 to vector<16xi32>
    %add3A_20 = arith.addi %add3A_19, %iota3A : vector<16xi32>
    %shift_right_logical3A_21 = arith.constant 1 : i32
    %shift_right_logical3A_22 = vector.broadcast %shift_right_logical3A_21 : i32 to vector<16xi32>
    %shift_right_logical3A_23 = arith.shrui %add3A_20, %shift_right_logical3A_22 : vector<16xi32>
    %add3A_24 = arith.constant 64 : i32
    %add3A_25 = vector.broadcast %add3A_24 : i32 to vector<16xi32>
    %add3A_26 = arith.addi %add3A_25, %iota3A : vector<16xi32>
    %shift_right_logical3A_27 = arith.constant 1 : i32
    %shift_right_logical3A_28 = vector.broadcast %shift_right_logical3A_27 : i32 to vector<16xi32>
    %shift_right_logical3A_29 = arith.shrui %add3A_26, %shift_right_logical3A_28 : vector<16xi32>
    %add3A_30 = arith.constant 80 : i32
    %add3A_31 = vector.broadcast %add3A_30 : i32 to vector<16xi32>
    %add3A_32 = arith.addi %add3A_31, %iota3A : vector<16xi32>
    %shift_right_logical3A_33 = arith.constant 1 : i32
    %shift_right_logical3A_34 = vector.broadcast %shift_right_logical3A_33 : i32 to vector<16xi32>
    %shift_right_logical3A_35 = arith.shrui %add3A_32, %shift_right_logical3A_34 : vector<16xi32>
    %add3A_36 = arith.constant 96 : i32
    %add3A_37 = vector.broadcast %add3A_36 : i32 to vector<16xi32>
    %add3A_38 = arith.addi %add3A_37, %iota3A : vector<16xi32>
    %shift_right_logical3A_39 = arith.constant 1 : i32
    %shift_right_logical3A_40 = vector.broadcast %shift_right_logical3A_39 : i32 to vector<16xi32>
    %shift_right_logical3A_41 = arith.shrui %add3A_38, %shift_right_logical3A_40 : vector<16xi32>
    %add3A_42 = arith.constant 112 : i32
    %add3A_43 = vector.broadcast %add3A_42 : i32 to vector<16xi32>
    %add3A_44 = arith.addi %add3A_43, %iota3A : vector<16xi32>
    %shift_right_logical3A_45 = arith.constant 1 : i32
    %shift_right_logical3A_46 = vector.broadcast %shift_right_logical3A_45 : i32 to vector<16xi32>
    %shift_right_logical3A_47 = arith.shrui %add3A_44, %shift_right_logical3A_46 : vector<16xi32>
    %add3A_48 = arith.constant 0 : i32
    %add3A_49 = vector.broadcast %add3A_48 : i32 to vector<16xi32>
    %add3A_50 = arith.addi %add3A_49, %iota3A : vector<16xi32>
    %and3A = arith.constant 1 : i32
    %and3A_51 = vector.broadcast %and3A : i32 to vector<16xi32>
    %and3A_52 = arith.andi %add3A_50, %and3A_51 : vector<16xi32>
    %shift_left3A = arith.constant 6 : i32
    %shift_left3A_53 = vector.broadcast %shift_left3A : i32 to vector<16xi32>
    %shift_left3A_54 = arith.shli %and3A_52, %shift_left3A_53 : vector<16xi32>
    %add3A_55 = arith.constant 16 : i32
    %add3A_56 = vector.broadcast %add3A_55 : i32 to vector<16xi32>
    %add3A_57 = arith.addi %add3A_56, %iota3A : vector<16xi32>
    %and3A_58 = arith.constant 1 : i32
    %and3A_59 = vector.broadcast %and3A_58 : i32 to vector<16xi32>
    %and3A_60 = arith.andi %add3A_57, %and3A_59 : vector<16xi32>
    %shift_left3A_61 = arith.constant 6 : i32
    %shift_left3A_62 = vector.broadcast %shift_left3A_61 : i32 to vector<16xi32>
    %shift_left3A_63 = arith.shli %and3A_60, %shift_left3A_62 : vector<16xi32>
    %add3A_64 = arith.constant 32 : i32
    %add3A_65 = vector.broadcast %add3A_64 : i32 to vector<16xi32>
    %add3A_66 = arith.addi %add3A_65, %iota3A : vector<16xi32>
    %and3A_67 = arith.constant 1 : i32
    %and3A_68 = vector.broadcast %and3A_67 : i32 to vector<16xi32>
    %and3A_69 = arith.andi %add3A_66, %and3A_68 : vector<16xi32>
    %shift_left3A_70 = arith.constant 6 : i32
    %shift_left3A_71 = vector.broadcast %shift_left3A_70 : i32 to vector<16xi32>
    %shift_left3A_72 = arith.shli %and3A_69, %shift_left3A_71 : vector<16xi32>
    %add3A_73 = arith.constant 48 : i32
    %add3A_74 = vector.broadcast %add3A_73 : i32 to vector<16xi32>
    %add3A_75 = arith.addi %add3A_74, %iota3A : vector<16xi32>
    %and3A_76 = arith.constant 1 : i32
    %and3A_77 = vector.broadcast %and3A_76 : i32 to vector<16xi32>
    %and3A_78 = arith.andi %add3A_75, %and3A_77 : vector<16xi32>
    %shift_left3A_79 = arith.constant 6 : i32
    %shift_left3A_80 = vector.broadcast %shift_left3A_79 : i32 to vector<16xi32>
    %shift_left3A_81 = arith.shli %and3A_78, %shift_left3A_80 : vector<16xi32>
    %add3A_82 = arith.constant 64 : i32
    %add3A_83 = vector.broadcast %add3A_82 : i32 to vector<16xi32>
    %add3A_84 = arith.addi %add3A_83, %iota3A : vector<16xi32>
    %and3A_85 = arith.constant 1 : i32
    %and3A_86 = vector.broadcast %and3A_85 : i32 to vector<16xi32>
    %and3A_87 = arith.andi %add3A_84, %and3A_86 : vector<16xi32>
    %shift_left3A_88 = arith.constant 6 : i32
    %shift_left3A_89 = vector.broadcast %shift_left3A_88 : i32 to vector<16xi32>
    %shift_left3A_90 = arith.shli %and3A_87, %shift_left3A_89 : vector<16xi32>
    %add3A_91 = arith.constant 80 : i32
    %add3A_92 = vector.broadcast %add3A_91 : i32 to vector<16xi32>
    %add3A_93 = arith.addi %add3A_92, %iota3A : vector<16xi32>
    %and3A_94 = arith.constant 1 : i32
    %and3A_95 = vector.broadcast %and3A_94 : i32 to vector<16xi32>
    %and3A_96 = arith.andi %add3A_93, %and3A_95 : vector<16xi32>
    %shift_left3A_97 = arith.constant 6 : i32
    %shift_left3A_98 = vector.broadcast %shift_left3A_97 : i32 to vector<16xi32>
    %shift_left3A_99 = arith.shli %and3A_96, %shift_left3A_98 : vector<16xi32>
    %add3A_100 = arith.constant 96 : i32
    %add3A_101 = vector.broadcast %add3A_100 : i32 to vector<16xi32>
    %add3A_102 = arith.addi %add3A_101, %iota3A : vector<16xi32>
    %and3A_103 = arith.constant 1 : i32
    %and3A_104 = vector.broadcast %and3A_103 : i32 to vector<16xi32>
    %and3A_105 = arith.andi %add3A_102, %and3A_104 : vector<16xi32>
    %shift_left3A_106 = arith.constant 6 : i32
    %shift_left3A_107 = vector.broadcast %shift_left3A_106 : i32 to vector<16xi32>
    %shift_left3A_108 = arith.shli %and3A_105, %shift_left3A_107 : vector<16xi32>
    %add3A_109 = arith.constant 112 : i32
    %add3A_110 = vector.broadcast %add3A_109 : i32 to vector<16xi32>
    %add3A_111 = arith.addi %add3A_110, %iota3A : vector<16xi32>
    %and3A_112 = arith.constant 1 : i32
    %and3A_113 = vector.broadcast %and3A_112 : i32 to vector<16xi32>
    %and3A_114 = arith.andi %add3A_111, %and3A_113 : vector<16xi32>
    %shift_left3A_115 = arith.constant 6 : i32
    %shift_left3A_116 = vector.broadcast %shift_left3A_115 : i32 to vector<16xi32>
    %shift_left3A_117 = arith.shli %and3A_114, %shift_left3A_116 : vector<16xi32>
    %add3A_118 = arith.constant 0 : i32
    %add3A_119 = vector.broadcast %add3A_118 : i32 to vector<16xi32>
    %add3A_120 = arith.addi %add3A_119, %iota3A : vector<16xi32>
    %add3A_121 = arith.constant 16 : i32
    %add3A_122 = vector.broadcast %add3A_121 : i32 to vector<16xi32>
    %add3A_123 = arith.addi %add3A_122, %iota3A : vector<16xi32>
    %add3A_124 = arith.constant 32 : i32
    %add3A_125 = vector.broadcast %add3A_124 : i32 to vector<16xi32>
    %add3A_126 = arith.addi %add3A_125, %iota3A : vector<16xi32>
    %add3A_127 = arith.constant 48 : i32
    %add3A_128 = vector.broadcast %add3A_127 : i32 to vector<16xi32>
    %add3A_129 = arith.addi %add3A_128, %iota3A : vector<16xi32>
    %add3A_130 = arith.constant 64 : i32
    %add3A_131 = vector.broadcast %add3A_130 : i32 to vector<16xi32>
    %add3A_132 = arith.addi %add3A_131, %iota3A : vector<16xi32>
    %add3A_133 = arith.constant 80 : i32
    %add3A_134 = vector.broadcast %add3A_133 : i32 to vector<16xi32>
    %add3A_135 = arith.addi %add3A_134, %iota3A : vector<16xi32>
    %add3A_136 = arith.constant 96 : i32
    %add3A_137 = vector.broadcast %add3A_136 : i32 to vector<16xi32>
    %add3A_138 = arith.addi %add3A_137, %iota3A : vector<16xi32>
    %add3A_139 = arith.constant 112 : i32
    %add3A_140 = vector.broadcast %add3A_139 : i32 to vector<16xi32>
    %add3A_141 = arith.addi %add3A_140, %iota3A : vector<16xi32>
    %sub3A = arith.constant 7812 : i32
    %sub3A_142 = arith.subi %sub3A, %add3A : i32
    %add3A_143 = arith.constant 32 : i32
    %add3A_144 = arith.addi %sub3A_142, %add3A_143 : i32
    %sub3A_145 = arith.constant 1 : i32
    %sub3A_146 = arith.subi %add3A_144, %sub3A_145 : i32
    %jit3A = arith.constant 32 : i32
    %div3A = arith.divsi %sub3A_146, %jit3A : i32
    %sign3A = arith.constant 0 : i32
    %sign3A_147 = arith.cmpi sgt, %sub3A_146, %sign3A : i32
    %sign3A_148 = arith.extui %sign3A_147 : i1 to i32
    %sign3A_149 = arith.constant 0 : i32
    %sign3A_150 = arith.cmpi slt, %sub3A_146, %sign3A_149 : i32
    %sign3A_151 = arith.extui %sign3A_150 : i1 to i32
    %sign3A_152 = arith.subi %sign3A_148, %sign3A_151 : i32
    %sign3A_153 = arith.constant 0 : i32
    %sign3A_154 = arith.cmpi sgt, %jit3A, %sign3A_153 : i32
    %sign3A_155 = arith.extui %sign3A_154 : i1 to i32
    %sign3A_156 = arith.constant 0 : i32
    %sign3A_157 = arith.cmpi slt, %jit3A, %sign3A_156 : i32
    %sign3A_158 = arith.extui %sign3A_157 : i1 to i32
    %sign3A_159 = arith.subi %sign3A_155, %sign3A_158 : i32
    %ne3A = arith.cmpi ne, %sign3A_152, %sign3A_159 : i32
    %rem3A = arith.remsi %sub3A_146, %jit3A : i32
    %ne3A_160 = arith.constant 0 : i32
    %ne3A_161 = arith.cmpi ne, %rem3A, %ne3A_160 : i32
    %and3A_162 = arith.andi %ne3A, %ne3A_161 : i1
    %sub3A_163 = arith.constant 1 : i32
    %sub3A_164 = arith.subi %div3A, %sub3A_163 : i32
    %select_n3A = arith.select %and3A_162, %sub3A_164, %div3A : i32
    %ge3A = arith.constant 1 : i32
    %ge3A_165 = arith.cmpi sge, %select_n3A, %ge3A : i32
    %convert_element_type3A = arith.extui %ge3A_165 : i1 to i32
    %cond3A = arith.constant 0 : i32
    %cond3A_166 = arith.cmpi ne, %convert_element_type3A, %cond3A : i32
    scf.if %cond3A_166 {
      %add3A_197 = arith.constant 0 : i32
      %add3A_198 = arith.addi %add3A, %add3A_197 : i32
      %mul3A_199 = arith.constant 128 : i32
      %mul3A_200 = arith.muli %add3A_198, %mul3A_199 : i32
      %dma_start3A = arith.constant 0 : i32
      %dma_start3A_201 = arith.constant 0 : i32
      %dma_start3A_202 = arith.constant 0 : i32
      %dma_start3A_203 = arith.constant 0 : i32
      %dma_start3A_204 = tpu.memref_slice %arg5[%dma_start3A, %dma_start3A_202, %dma_start3A_203] : memref<2x64x128xf32, #tpu.memory_space<vmem>> -> memref<1x64x128xf32, #tpu.memory_space<vmem>>
      %dma_start3A_205 = tpu.memref_squeeze %dma_start3A_204 : memref<1x64x128xf32, #tpu.memory_space<vmem>> -> memref<64x128xf32, #tpu.memory_space<vmem>>
      %dma_start3A_206 = arith.constant 0 : i32
      %dma_start3A_207 = tpu.memref_slice %arg2[%dma_start3A_206, %mul3A_200] : memref<64x1000000xf32, #tpu.memory_space<hbm>> -> memref<64x128xf32, #tpu.memory_space<hbm>>
      %dma_start3A_208 = tpu.memref_slice %arg7[%dma_start3A_201] : memref<2x!tpu.dma_semaphore, #tpu.memory_space<semaphore_mem>> -> memref<1x!tpu.dma_semaphore, #tpu.memory_space<semaphore_mem>>
      %dma_start3A_209 = tpu.memref_squeeze %dma_start3A_208 : memref<1x!tpu.dma_semaphore, #tpu.memory_space<semaphore_mem>> -> memref<!tpu.dma_semaphore, #tpu.memory_space<semaphore_mem>>
      %dma_start3A_210 = arith.constant 0 : i32
      %dma_start3A_211 = arith.constant 0 : i32
      %dma_start3A_212 = tpu.memref_slice %arg5[%dma_start3A, %dma_start3A_210, %dma_start3A_211] : memref<2x64x128xf32, #tpu.memory_space<vmem>> -> memref<1x64x128xf32, #tpu.memory_space<vmem>>
      %dma_start3A_213 = tpu.memref_squeeze %dma_start3A_212 : memref<1x64x128xf32, #tpu.memory_space<vmem>> -> memref<64x128xf32, #tpu.memory_space<vmem>>
      %dma_start3A_214 = arith.constant 0 : i32
      %dma_start3A_215 = tpu.memref_slice %arg2[%dma_start3A_214, %mul3A_200] : memref<64x1000000xf32, #tpu.memory_space<hbm>> -> memref<64x128xf32, #tpu.memory_space<hbm>>
      tpu.enqueue_dma source(%dma_start3A_215 : memref<64x128xf32, #tpu.memory_space<hbm>>) target(%dma_start3A_213 : memref<64x128xf32, #tpu.memory_space<vmem>>) target_semaphore(%dma_start3A_209 : memref<!tpu.dma_semaphore, #tpu.memory_space<semaphore_mem>>)
    } else {
    }
    %ge3A_167 = arith.constant 2 : i32
    %ge3A_168 = arith.cmpi sge, %select_n3A, %ge3A_167 : i32
    %convert_element_type3A_169 = arith.extui %ge3A_168 : i1 to i32
    %cond3A_170 = arith.constant 0 : i32
    %cond3A_171 = arith.cmpi ne, %convert_element_type3A_169, %cond3A_170 : i32
    scf.if %cond3A_171 {
      %add3A_197 = arith.constant 32 : i32
      %add3A_198 = arith.addi %add3A, %add3A_197 : i32
      %mul3A_199 = arith.constant 128 : i32
      %mul3A_200 = arith.muli %add3A_198, %mul3A_199 : i32
      %dma_start3A = arith.constant 1 : i32
      %dma_start3A_201 = arith.constant 1 : i32
      %dma_start3A_202 = arith.constant 0 : i32
      %dma_start3A_203 = arith.constant 0 : i32
      %dma_start3A_204 = tpu.memref_slice %arg5[%dma_start3A, %dma_start3A_202, %dma_start3A_203] : memref<2x64x128xf32, #tpu.memory_space<vmem>> -> memref<1x64x128xf32, #tpu.memory_space<vmem>>
      %dma_start3A_205 = tpu.memref_squeeze %dma_start3A_204 : memref<1x64x128xf32, #tpu.memory_space<vmem>> -> memref<64x128xf32, #tpu.memory_space<vmem>>
      %dma_start3A_206 = arith.constant 0 : i32
      %dma_start3A_207 = tpu.memref_slice %arg2[%dma_start3A_206, %mul3A_200] : memref<64x1000000xf32, #tpu.memory_space<hbm>> -> memref<64x128xf32, #tpu.memory_space<hbm>>
      %dma_start3A_208 = tpu.memref_slice %arg7[%dma_start3A_201] : memref<2x!tpu.dma_semaphore, #tpu.memory_space<semaphore_mem>> -> memref<1x!tpu.dma_semaphore, #tpu.memory_space<semaphore_mem>>
      %dma_start3A_209 = tpu.memref_squeeze %dma_start3A_208 : memref<1x!tpu.dma_semaphore, #tpu.memory_space<semaphore_mem>> -> memref<!tpu.dma_semaphore, #tpu.memory_space<semaphore_mem>>
      %dma_start3A_210 = arith.constant 0 : i32
      %dma_start3A_211 = arith.constant 0 : i32
      %dma_start3A_212 = tpu.memref_slice %arg5[%dma_start3A, %dma_start3A_210, %dma_start3A_211] : memref<2x64x128xf32, #tpu.memory_space<vmem>> -> memref<1x64x128xf32, #tpu.memory_space<vmem>>
      %dma_start3A_213 = tpu.memref_squeeze %dma_start3A_212 : memref<1x64x128xf32, #tpu.memory_space<vmem>> -> memref<64x128xf32, #tpu.memory_space<vmem>>
      %dma_start3A_214 = arith.constant 0 : i32
      %dma_start3A_215 = tpu.memref_slice %arg2[%dma_start3A_214, %mul3A_200] : memref<64x1000000xf32, #tpu.memory_space<hbm>> -> memref<64x128xf32, #tpu.memory_space<hbm>>
      tpu.enqueue_dma source(%dma_start3A_215 : memref<64x128xf32, #tpu.memory_space<hbm>>) target(%dma_start3A_213 : memref<64x128xf32, #tpu.memory_space<vmem>>) target_semaphore(%dma_start3A_209 : memref<!tpu.dma_semaphore, #tpu.memory_space<semaphore_mem>>)
    } else {
    }
    %while3A = arith.constant 0 : i32
    %while3A_172 = arith.constant 0 : i32
    %while3A_173 = arith.subi %select_n3A, %while3A_172 : i32
    %while3A_174 = arith.addi %while3A_172, %while3A_173 : i32
    %while3A_175 = arith.constant 1 : i32
    %while3A_176 = arith.divsi %while3A_173, %while3A_175 : i32
    %while3A_177 = arith.muli %while3A_176, %while3A_175 : i32
    %while3A_178 = arith.addi %while3A_172, %while3A_177 : i32
    %while3A_179 = arith.constant 1 : i32
    scf.for %while3A_197 = %while3A_172 to %while3A_178 step %while3A_179  : i32 {
      %rem3A_198 = arith.constant 2 : i32
      %rem3A_199 = arith.remsi %while3A_197, %rem3A_198 : i32
      %mul3A_200 = arith.constant 32 : i32
      %mul3A_201 = arith.muli %while3A_197, %mul3A_200 : i32
      %add3A_202 = arith.addi %add3A, %mul3A_201 : i32
      %mul3A_203 = arith.constant 128 : i32
      %mul3A_204 = arith.muli %add3A_202, %mul3A_203 : i32
      %dma_wait3A = arith.constant 0 : i32
      %dma_wait3A_205 = arith.constant 0 : i32
      %dma_wait3A_206 = tpu.memref_slice %arg5[%rem3A_199, %dma_wait3A, %dma_wait3A_205] : memref<2x64x128xf32, #tpu.memory_space<vmem>> -> memref<1x64x128xf32, #tpu.memory_space<vmem>>
      %dma_wait3A_207 = tpu.memref_squeeze %dma_wait3A_206 : memref<1x64x128xf32, #tpu.memory_space<vmem>> -> memref<64x128xf32, #tpu.memory_space<vmem>>
      %dma_wait3A_208 = arith.constant 0 : i32
      %dma_wait3A_209 = tpu.memref_slice %arg2[%dma_wait3A_208, %mul3A_204] : memref<64x1000000xf32, #tpu.memory_space<hbm>> -> memref<64x128xf32, #tpu.memory_space<hbm>>
      %dma_wait3A_210 = tpu.memref_slice %arg7[%rem3A_199] : memref<2x!tpu.dma_semaphore, #tpu.memory_space<semaphore_mem>> -> memref<1x!tpu.dma_semaphore, #tpu.memory_space<semaphore_mem>>
      %dma_wait3A_211 = tpu.memref_squeeze %dma_wait3A_210 : memref<1x!tpu.dma_semaphore, #tpu.memory_space<semaphore_mem>> -> memref<!tpu.dma_semaphore, #tpu.memory_space<semaphore_mem>>
      %dma_wait3A_212 = arith.constant 0 : i32
      %dma_wait3A_213 = arith.constant 0 : i32
      %dma_wait3A_214 = tpu.memref_slice %arg5[%rem3A_199, %dma_wait3A_212, %dma_wait3A_213] : memref<2x64x128xf32, #tpu.memory_space<vmem>> -> memref<1x64x128xf32, #tpu.memory_space<vmem>>
      %dma_wait3A_215 = tpu.memref_squeeze %dma_wait3A_214 : memref<1x64x128xf32, #tpu.memory_space<vmem>> -> memref<64x128xf32, #tpu.memory_space<vmem>>
      %dma_wait3A_216 = arith.constant 0 : i32
      %dma_wait3A_217 = tpu.memref_slice %arg2[%dma_wait3A_216, %mul3A_204] : memref<64x1000000xf32, #tpu.memory_space<hbm>> -> memref<64x128xf32, #tpu.memory_space<hbm>>
      tpu.wait_dma2 semaphore(%dma_wait3A_211 : memref<!tpu.dma_semaphore, #tpu.memory_space<semaphore_mem>>) src(%dma_wait3A_217 : memref<64x128xf32, #tpu.memory_space<hbm>>) dst(%dma_wait3A_215 : memref<64x128xf32, #tpu.memory_space<vmem>>)
      %ge3A_218 = arith.constant 2 : i32
      %ge3A_219 = arith.cmpi sge, %while3A_197, %ge3A_218 : i32
      %convert_element_type3A_220 = arith.extui %ge3A_219 : i1 to i32
      %cond3A_221 = arith.constant 0 : i32
      %cond3A_222 = arith.cmpi ne, %convert_element_type3A_220, %cond3A_221 : i32
      scf.if %cond3A_222 {
        %sub3A_248 = arith.constant 64 : i32
        %sub3A_249 = arith.subi %add3A_202, %sub3A_248 : i32
        %mul3A_250 = arith.constant 64 : i32
        %mul3A_251 = arith.muli %sub3A_249, %mul3A_250 : i32
        %dma_wait3A_252 = arith.constant 0 : i32
        %dma_wait3A_253 = arith.constant 0 : i32
        %dma_wait3A_254 = tpu.memref_slice %arg6[%rem3A_199, %dma_wait3A_252, %dma_wait3A_253] : memref<2x64x128xf32, #tpu.memory_space<vmem>> -> memref<1x64x128xf32, #tpu.memory_space<vmem>>
        %dma_wait3A_255 = tpu.memref_squeeze %dma_wait3A_254 : memref<1x64x128xf32, #tpu.memory_space<vmem>> -> memref<64x128xf32, #tpu.memory_space<vmem>>
        %dma_wait3A_256 = arith.constant 0 : i32
        %dma_wait3A_257 = tpu.memref_slice %arg4[%mul3A_251, %dma_wait3A_256] : memref<500000x128xf32, #tpu.memory_space<hbm>> -> memref<64x128xf32, #tpu.memory_space<hbm>>
        %dma_wait3A_258 = tpu.memref_slice %arg8[%rem3A_199] : memref<2x!tpu.dma_semaphore, #tpu.memory_space<semaphore_mem>> -> memref<1x!tpu.dma_semaphore, #tpu.memory_space<semaphore_mem>>
        %dma_wait3A_259 = tpu.memref_squeeze %dma_wait3A_258 : memref<1x!tpu.dma_semaphore, #tpu.memory_space<semaphore_mem>> -> memref<!tpu.dma_semaphore, #tpu.memory_space<semaphore_mem>>
        %dma_wait3A_260 = arith.constant 0 : i32
        %dma_wait3A_261 = tpu.memref_slice %arg4[%mul3A_251, %dma_wait3A_260] : memref<500000x128xf32, #tpu.memory_space<hbm>> -> memref<64x128xf32, #tpu.memory_space<hbm>>
        %dma_wait3A_262 = arith.constant 0 : i32
        %dma_wait3A_263 = arith.constant 0 : i32
        %dma_wait3A_264 = tpu.memref_slice %arg6[%rem3A_199, %dma_wait3A_262, %dma_wait3A_263] : memref<2x64x128xf32, #tpu.memory_space<vmem>> -> memref<1x64x128xf32, #tpu.memory_space<vmem>>
        %dma_wait3A_265 = tpu.memref_squeeze %dma_wait3A_264 : memref<1x64x128xf32, #tpu.memory_space<vmem>> -> memref<64x128xf32, #tpu.memory_space<vmem>>
        tpu.wait_dma2 semaphore(%dma_wait3A_259 : memref<!tpu.dma_semaphore, #tpu.memory_space<semaphore_mem>>) src(%dma_wait3A_265 : memref<64x128xf32, #tpu.memory_space<vmem>>) dst(%dma_wait3A_261 : memref<64x128xf32, #tpu.memory_space<hbm>>)
      } else {
      }
      %broadcast_in_dim3A = vector.broadcast %rem3A_199 : i32 to vector<16xi32>
      %scan3A = arith.constant 0 : i32
      %scan3A_223 = arith.constant 0 : i32
      %scan3A_224 = arith.constant 64 : i32
      %scan3A_225 = arith.addi %scan3A_223, %scan3A_224 : i32
      %scan3A_226 = arith.constant 1 : i32
      scf.for %scan3A_248 = %scan3A_223 to %scan3A_225 step %scan3A_226  : i32 {
        %add3A_249 = vector.broadcast %scan3A_248 : i32 to vector<16xi32>
        %add3A_250 = arith.addi %iota3A, %add3A_249 : vector<16xi32>
        %and3A_251 = arith.constant 63 : i32
        %and3A_252 = vector.broadcast %and3A_251 : i32 to vector<16xi32>
        %and3A_253 = arith.andi %add3A_250, %and3A_252 : vector<16xi32>
        %gather3A = tpu.vector_load_idx %arg5[%broadcast_in_dim3A, %and3A_253, %add3A_120] : memref<2x64x128xf32, #tpu.memory_space<vmem>>[vector<16xi32>, vector<16xi32>, vector<16xi32>], vector<16xf32>,
        %gather3A_254 = tpu.vector_load_idx %arg5[%broadcast_in_dim3A, %and3A_253, %add3A_123] : memref<2x64x128xf32, #tpu.memory_space<vmem>>[vector<16xi32>, vector<16xi32>, vector<16xi32>], vector<16xf32>,
        %gather3A_255 = tpu.vector_load_idx %arg5[%broadcast_in_dim3A, %and3A_253, %add3A_126] : memref<2x64x128xf32, #tpu.memory_space<vmem>>[vector<16xi32>, vector<16xi32>, vector<16xi32>], vector<16xf32>,
        %gather3A_256 = tpu.vector_load_idx %arg5[%broadcast_in_dim3A, %and3A_253, %add3A_129] : memref<2x64x128xf32, #tpu.memory_space<vmem>>[vector<16xi32>, vector<16xi32>, vector<16xi32>], vector<16xf32>,
        %gather3A_257 = tpu.vector_load_idx %arg5[%broadcast_in_dim3A, %and3A_253, %add3A_132] : memref<2x64x128xf32, #tpu.memory_space<vmem>>[vector<16xi32>, vector<16xi32>, vector<16xi32>], vector<16xf32>,
        %gather3A_258 = tpu.vector_load_idx %arg5[%broadcast_in_dim3A, %and3A_253, %add3A_135] : memref<2x64x128xf32, #tpu.memory_space<vmem>>[vector<16xi32>, vector<16xi32>, vector<16xi32>], vector<16xf32>,
        %gather3A_259 = tpu.vector_load_idx %arg5[%broadcast_in_dim3A, %and3A_253, %add3A_138] : memref<2x64x128xf32, #tpu.memory_space<vmem>>[vector<16xi32>, vector<16xi32>, vector<16xi32>], vector<16xf32>,
        %gather3A_260 = tpu.vector_load_idx %arg5[%broadcast_in_dim3A, %and3A_253, %add3A_141] : memref<2x64x128xf32, #tpu.memory_space<vmem>>[vector<16xi32>, vector<16xi32>, vector<16xi32>], vector<16xf32>,
        %add3A_261 = arith.addi %shift_left3A_54, %and3A_253 : vector<16xi32>
        tpu.vector_store_idx %arg6[%broadcast_in_dim3A, %shift_right_logical3A_5, %add3A_261], %gather3A : memref<2x64x128xf32, #tpu.memory_space<vmem>>[vector<16xi32>, vector<16xi32>, vector<16xi32>], vector<16xf32>,
        %add3A_262 = arith.addi %shift_left3A_63, %and3A_253 : vector<16xi32>
        tpu.vector_store_idx %arg6[%broadcast_in_dim3A, %shift_right_logical3A_11, %add3A_262], %gather3A_254 : memref<2x64x128xf32, #tpu.memory_space<vmem>>[vector<16xi32>, vector<16xi32>, vector<16xi32>], vector<16xf32>,
        %add3A_263 = arith.addi %shift_left3A_72, %and3A_253 : vector<16xi32>
        tpu.vector_store_idx %arg6[%broadcast_in_dim3A, %shift_right_logical3A_17, %add3A_263], %gather3A_255 : memref<2x64x128xf32, #tpu.memory_space<vmem>>[vector<16xi32>, vector<16xi32>, vector<16xi32>], vector<16xf32>,
        %add3A_264 = arith.addi %shift_left3A_81, %and3A_253 : vector<16xi32>
        tpu.vector_store_idx %arg6[%broadcast_in_dim3A, %shift_right_logical3A_23, %add3A_264], %gather3A_256 : memref<2x64x128xf32, #tpu.memory_space<vmem>>[vector<16xi32>, vector<16xi32>, vector<16xi32>], vector<16xf32>,
        %add3A_265 = arith.addi %shift_left3A_90, %and3A_253 : vector<16xi32>
        tpu.vector_store_idx %arg6[%broadcast_in_dim3A, %shift_right_logical3A_29, %add3A_265], %gather3A_257 : memref<2x64x128xf32, #tpu.memory_space<vmem>>[vector<16xi32>, vector<16xi32>, vector<16xi32>], vector<16xf32>,
        %add3A_266 = arith.addi %shift_left3A_99, %and3A_253 : vector<16xi32>
        tpu.vector_store_idx %arg6[%broadcast_in_dim3A, %shift_right_logical3A_35, %add3A_266], %gather3A_258 : memref<2x64x128xf32, #tpu.memory_space<vmem>>[vector<16xi32>, vector<16xi32>, vector<16xi32>], vector<16xf32>,
        %add3A_267 = arith.addi %shift_left3A_108, %and3A_253 : vector<16xi32>
        tpu.vector_store_idx %arg6[%broadcast_in_dim3A, %shift_right_logical3A_41, %add3A_267], %gather3A_259 : memref<2x64x128xf32, #tpu.memory_space<vmem>>[vector<16xi32>, vector<16xi32>, vector<16xi32>], vector<16xf32>,
        %add3A_268 = arith.addi %shift_left3A_117, %and3A_253 : vector<16xi32>
        tpu.vector_store_idx %arg6[%broadcast_in_dim3A, %shift_right_logical3A_47, %add3A_268], %gather3A_260 : memref<2x64x128xf32, #tpu.memory_space<vmem>>[vector<16xi32>, vector<16xi32>, vector<16xi32>], vector<16xf32>,
      }
      %scan3A_227 = arith.constant 64 : i32
      %mul3A_228 = arith.constant 64 : i32
      %mul3A_229 = arith.muli %add3A_202, %mul3A_228 : i32
      %dma_start3A = arith.constant 0 : i32
      %dma_start3A_230 = arith.constant 0 : i32
      %dma_start3A_231 = tpu.memref_slice %arg6[%rem3A_199, %dma_start3A, %dma_start3A_230] : memref<2x64x128xf32, #tpu.memory_space<vmem>> -> memref<1x64x128xf32, #tpu.memory_space<vmem>>
      %dma_start3A_232 = tpu.memref_squeeze %dma_start3A_231 : memref<1x64x128xf32, #tpu.memory_space<vmem>> -> memref<64x128xf32, #tpu.memory_space<vmem>>
      %dma_start3A_233 = arith.constant 0 : i32
      %dma_start3A_234 = tpu.memref_slice %arg4[%mul3A_229, %dma_start3A_233] : memref<500000x128xf32, #tpu.memory_space<hbm>> -> memref<64x128xf32, #tpu.memory_space<hbm>>
      %dma_start3A_235 = tpu.memref_slice %arg8[%rem3A_199] : memref<2x!tpu.dma_semaphore, #tpu.memory_space<semaphore_mem>> -> memref<1x!tpu.dma_semaphore, #tpu.memory_space<semaphore_mem>>
      %dma_start3A_236 = tpu.memref_squeeze %dma_start3A_235 : memref<1x!tpu.dma_semaphore, #tpu.memory_space<semaphore_mem>> -> memref<!tpu.dma_semaphore, #tpu.memory_space<semaphore_mem>>
      %dma_start3A_237 = arith.constant 0 : i32
      %dma_start3A_238 = tpu.memref_slice %arg4[%mul3A_229, %dma_start3A_237] : memref<500000x128xf32, #tpu.memory_space<hbm>> -> memref<64x128xf32, #tpu.memory_space<hbm>>
      %dma_start3A_239 = arith.constant 0 : i32
      %dma_start3A_240 = arith.constant 0 : i32
      %dma_start3A_241 = tpu.memref_slice %arg6[%rem3A_199, %dma_start3A_239, %dma_start3A_240] : memref<2x64x128xf32, #tpu.memory_space<vmem>> -> memref<1x64x128xf32, #tpu.memory_space<vmem>>
      %dma_start3A_242 = tpu.memref_squeeze %dma_start3A_241 : memref<1x64x128xf32, #tpu.memory_space<vmem>> -> memref<64x128xf32, #tpu.memory_space<vmem>>
      tpu.enqueue_dma source(%dma_start3A_242 : memref<64x128xf32, #tpu.memory_space<vmem>>) target(%dma_start3A_238 : memref<64x128xf32, #tpu.memory_space<hbm>>) target_semaphore(%dma_start3A_236 : memref<!tpu.dma_semaphore, #tpu.memory_space<semaphore_mem>>)
      %add3A_243 = arith.constant 2 : i32
      %add3A_244 = arith.addi %while3A_197, %add3A_243 : i32
      %lt3A = arith.cmpi slt, %add3A_244, %select_n3A : i32
      %convert_element_type3A_245 = arith.extui %lt3A : i1 to i32
      %cond3A_246 = arith.constant 0 : i32
      %cond3A_247 = arith.cmpi ne, %convert_element_type3A_245, %cond3A_246 : i32
      scf.if %cond3A_247 {
        %add3A_248 = arith.constant 2 : i32
        %add3A_249 = arith.addi %while3A_197, %add3A_248 : i32
        %mul3A_250 = arith.constant 32 : i32
        %mul3A_251 = arith.muli %add3A_249, %mul3A_250 : i32
        %add3A_252 = arith.addi %add3A, %mul3A_251 : i32
        %mul3A_253 = arith.constant 128 : i32
        %mul3A_254 = arith.muli %add3A_252, %mul3A_253 : i32
        %dma_start3A_255 = arith.constant 0 : i32
        %dma_start3A_256 = arith.constant 0 : i32
        %dma_start3A_257 = tpu.memref_slice %arg5[%rem3A_199, %dma_start3A_255, %dma_start3A_256] : memref<2x64x128xf32, #tpu.memory_space<vmem>> -> memref<1x64x128xf32, #tpu.memory_space<vmem>>
        %dma_start3A_258 = tpu.memref_squeeze %dma_start3A_257 : memref<1x64x128xf32, #tpu.memory_space<vmem>> -> memref<64x128xf32, #tpu.memory_space<vmem>>
        %dma_start3A_259 = arith.constant 0 : i32
        %dma_start3A_260 = tpu.memref_slice %arg2[%dma_start3A_259, %mul3A_254] : memref<64x1000000xf32, #tpu.memory_space<hbm>> -> memref<64x128xf32, #tpu.memory_space<hbm>>
        %dma_start3A_261 = tpu.memref_slice %arg7[%rem3A_199] : memref<2x!tpu.dma_semaphore, #tpu.memory_space<semaphore_mem>> -> memref<1x!tpu.dma_semaphore, #tpu.memory_space<semaphore_mem>>
        %dma_start3A_262 = tpu.memref_squeeze %dma_start3A_261 : memref<1x!tpu.dma_semaphore, #tpu.memory_space<semaphore_mem>> -> memref<!tpu.dma_semaphore, #tpu.memory_space<semaphore_mem>>
        %dma_start3A_263 = arith.constant 0 : i32
        %dma_start3A_264 = arith.constant 0 : i32
        %dma_start3A_265 = tpu.memref_slice %arg5[%rem3A_199, %dma_start3A_263, %dma_start3A_264] : memref<2x64x128xf32, #tpu.memory_space<vmem>> -> memref<1x64x128xf32, #tpu.memory_space<vmem>>
        %dma_start3A_266 = tpu.memref_squeeze %dma_start3A_265 : memref<1x64x128xf32, #tpu.memory_space<vmem>> -> memref<64x128xf32, #tpu.memory_space<vmem>>
        %dma_start3A_267 = arith.constant 0 : i32
        %dma_start3A_268 = tpu.memref_slice %arg2[%dma_start3A_267, %mul3A_254] : memref<64x1000000xf32, #tpu.memory_space<hbm>> -> memref<64x128xf32, #tpu.memory_space<hbm>>
        tpu.enqueue_dma source(%dma_start3A_268 : memref<64x128xf32, #tpu.memory_space<hbm>>) target(%dma_start3A_266 : memref<64x128xf32, #tpu.memory_space<vmem>>) target_semaphore(%dma_start3A_262 : memref<!tpu.dma_semaphore, #tpu.memory_space<semaphore_mem>>)
      } else {
      }
    }
    %while3A_180 = arith.constant 1 : i32
    scf.for %while3A_197 = %while3A_178 to %while3A_174 step %while3A_180  : i32 {
      %rem3A_198 = arith.constant 2 : i32
      %rem3A_199 = arith.remsi %while3A_197, %rem3A_198 : i32
      %mul3A_200 = arith.constant 32 : i32
      %mul3A_201 = arith.muli %while3A_197, %mul3A_200 : i32
      %add3A_202 = arith.addi %add3A, %mul3A_201 : i32
      %mul3A_203 = arith.constant 128 : i32
      %mul3A_204 = arith.muli %add3A_202, %mul3A_203 : i32
      %dma_wait3A = arith.constant 0 : i32
      %dma_wait3A_205 = arith.constant 0 : i32
      %dma_wait3A_206 = tpu.memref_slice %arg5[%rem3A_199, %dma_wait3A, %dma_wait3A_205] : memref<2x64x128xf32, #tpu.memory_space<vmem>> -> memref<1x64x128xf32, #tpu.memory_space<vmem>>
      %dma_wait3A_207 = tpu.memref_squeeze %dma_wait3A_206 : memref<1x64x128xf32, #tpu.memory_space<vmem>> -> memref<64x128xf32, #tpu.memory_space<vmem>>
      %dma_wait3A_208 = arith.constant 0 : i32
      %dma_wait3A_209 = tpu.memref_slice %arg2[%dma_wait3A_208, %mul3A_204] : memref<64x1000000xf32, #tpu.memory_space<hbm>> -> memref<64x128xf32, #tpu.memory_space<hbm>>
      %dma_wait3A_210 = tpu.memref_slice %arg7[%rem3A_199] : memref<2x!tpu.dma_semaphore, #tpu.memory_space<semaphore_mem>> -> memref<1x!tpu.dma_semaphore, #tpu.memory_space<semaphore_mem>>
      %dma_wait3A_211 = tpu.memref_squeeze %dma_wait3A_210 : memref<1x!tpu.dma_semaphore, #tpu.memory_space<semaphore_mem>> -> memref<!tpu.dma_semaphore, #tpu.memory_space<semaphore_mem>>
      %dma_wait3A_212 = arith.constant 0 : i32
      %dma_wait3A_213 = arith.constant 0 : i32
      %dma_wait3A_214 = tpu.memref_slice %arg5[%rem3A_199, %dma_wait3A_212, %dma_wait3A_213] : memref<2x64x128xf32, #tpu.memory_space<vmem>> -> memref<1x64x128xf32, #tpu.memory_space<vmem>>
      %dma_wait3A_215 = tpu.memref_squeeze %dma_wait3A_214 : memref<1x64x128xf32, #tpu.memory_space<vmem>> -> memref<64x128xf32, #tpu.memory_space<vmem>>
      %dma_wait3A_216 = arith.constant 0 : i32
      %dma_wait3A_217 = tpu.memref_slice %arg2[%dma_wait3A_216, %mul3A_204] : memref<64x1000000xf32, #tpu.memory_space<hbm>> -> memref<64x128xf32, #tpu.memory_space<hbm>>
      tpu.wait_dma2 semaphore(%dma_wait3A_211 : memref<!tpu.dma_semaphore, #tpu.memory_space<semaphore_mem>>) src(%dma_wait3A_217 : memref<64x128xf32, #tpu.memory_space<hbm>>) dst(%dma_wait3A_215 : memref<64x128xf32, #tpu.memory_space<vmem>>)
      %ge3A_218 = arith.constant 2 : i32
      %ge3A_219 = arith.cmpi sge, %while3A_197, %ge3A_218 : i32
      %convert_element_type3A_220 = arith.extui %ge3A_219 : i1 to i32
      %cond3A_221 = arith.constant 0 : i32
      %cond3A_222 = arith.cmpi ne, %convert_element_type3A_220, %cond3A_221 : i32
      scf.if %cond3A_222 {
        %sub3A_248 = arith.constant 64 : i32
        %sub3A_249 = arith.subi %add3A_202, %sub3A_248 : i32
        %mul3A_250 = arith.constant 64 : i32
        %mul3A_251 = arith.muli %sub3A_249, %mul3A_250 : i32
        %dma_wait3A_252 = arith.constant 0 : i32
        %dma_wait3A_253 = arith.constant 0 : i32
        %dma_wait3A_254 = tpu.memref_slice %arg6[%rem3A_199, %dma_wait3A_252, %dma_wait3A_253] : memref<2x64x128xf32, #tpu.memory_space<vmem>> -> memref<1x64x128xf32, #tpu.memory_space<vmem>>
        %dma_wait3A_255 = tpu.memref_squeeze %dma_wait3A_254 : memref<1x64x128xf32, #tpu.memory_space<vmem>> -> memref<64x128xf32, #tpu.memory_space<vmem>>
        %dma_wait3A_256 = arith.constant 0 : i32
        %dma_wait3A_257 = tpu.memref_slice %arg4[%mul3A_251, %dma_wait3A_256] : memref<500000x128xf32, #tpu.memory_space<hbm>> -> memref<64x128xf32, #tpu.memory_space<hbm>>
        %dma_wait3A_258 = tpu.memref_slice %arg8[%rem3A_199] : memref<2x!tpu.dma_semaphore, #tpu.memory_space<semaphore_mem>> -> memref<1x!tpu.dma_semaphore, #tpu.memory_space<semaphore_mem>>
        %dma_wait3A_259 = tpu.memref_squeeze %dma_wait3A_258 : memref<1x!tpu.dma_semaphore, #tpu.memory_space<semaphore_mem>> -> memref<!tpu.dma_semaphore, #tpu.memory_space<semaphore_mem>>
        %dma_wait3A_260 = arith.constant 0 : i32
        %dma_wait3A_261 = tpu.memref_slice %arg4[%mul3A_251, %dma_wait3A_260] : memref<500000x128xf32, #tpu.memory_space<hbm>> -> memref<64x128xf32, #tpu.memory_space<hbm>>
        %dma_wait3A_262 = arith.constant 0 : i32
        %dma_wait3A_263 = arith.constant 0 : i32
        %dma_wait3A_264 = tpu.memref_slice %arg6[%rem3A_199, %dma_wait3A_262, %dma_wait3A_263] : memref<2x64x128xf32, #tpu.memory_space<vmem>> -> memref<1x64x128xf32, #tpu.memory_space<vmem>>
        %dma_wait3A_265 = tpu.memref_squeeze %dma_wait3A_264 : memref<1x64x128xf32, #tpu.memory_space<vmem>> -> memref<64x128xf32, #tpu.memory_space<vmem>>
        tpu.wait_dma2 semaphore(%dma_wait3A_259 : memref<!tpu.dma_semaphore, #tpu.memory_space<semaphore_mem>>) src(%dma_wait3A_265 : memref<64x128xf32, #tpu.memory_space<vmem>>) dst(%dma_wait3A_261 : memref<64x128xf32, #tpu.memory_space<hbm>>)
      } else {
      }
      %broadcast_in_dim3A = vector.broadcast %rem3A_199 : i32 to vector<16xi32>
      %scan3A = arith.constant 0 : i32
      %scan3A_223 = arith.constant 0 : i32
      %scan3A_224 = arith.constant 64 : i32
      %scan3A_225 = arith.addi %scan3A_223, %scan3A_224 : i32
      %scan3A_226 = arith.constant 1 : i32
      scf.for %scan3A_248 = %scan3A_223 to %scan3A_225 step %scan3A_226  : i32 {
        %add3A_249 = vector.broadcast %scan3A_248 : i32 to vector<16xi32>
        %add3A_250 = arith.addi %iota3A, %add3A_249 : vector<16xi32>
        %and3A_251 = arith.constant 63 : i32
        %and3A_252 = vector.broadcast %and3A_251 : i32 to vector<16xi32>
        %and3A_253 = arith.andi %add3A_250, %and3A_252 : vector<16xi32>
        %gather3A = tpu.vector_load_idx %arg5[%broadcast_in_dim3A, %and3A_253, %add3A_120] : memref<2x64x128xf32, #tpu.memory_space<vmem>>[vector<16xi32>, vector<16xi32>, vector<16xi32>], vector<16xf32>,
        %gather3A_254 = tpu.vector_load_idx %arg5[%broadcast_in_dim3A, %and3A_253, %add3A_123] : memref<2x64x128xf32, #tpu.memory_space<vmem>>[vector<16xi32>, vector<16xi32>, vector<16xi32>], vector<16xf32>,
        %gather3A_255 = tpu.vector_load_idx %arg5[%broadcast_in_dim3A, %and3A_253, %add3A_126] : memref<2x64x128xf32, #tpu.memory_space<vmem>>[vector<16xi32>, vector<16xi32>, vector<16xi32>], vector<16xf32>,
        %gather3A_256 = tpu.vector_load_idx %arg5[%broadcast_in_dim3A, %and3A_253, %add3A_129] : memref<2x64x128xf32, #tpu.memory_space<vmem>>[vector<16xi32>, vector<16xi32>, vector<16xi32>], vector<16xf32>,
        %gather3A_257 = tpu.vector_load_idx %arg5[%broadcast_in_dim3A, %and3A_253, %add3A_132] : memref<2x64x128xf32, #tpu.memory_space<vmem>>[vector<16xi32>, vector<16xi32>, vector<16xi32>], vector<16xf32>,
        %gather3A_258 = tpu.vector_load_idx %arg5[%broadcast_in_dim3A, %and3A_253, %add3A_135] : memref<2x64x128xf32, #tpu.memory_space<vmem>>[vector<16xi32>, vector<16xi32>, vector<16xi32>], vector<16xf32>,
        %gather3A_259 = tpu.vector_load_idx %arg5[%broadcast_in_dim3A, %and3A_253, %add3A_138] : memref<2x64x128xf32, #tpu.memory_space<vmem>>[vector<16xi32>, vector<16xi32>, vector<16xi32>], vector<16xf32>,
        %gather3A_260 = tpu.vector_load_idx %arg5[%broadcast_in_dim3A, %and3A_253, %add3A_141] : memref<2x64x128xf32, #tpu.memory_space<vmem>>[vector<16xi32>, vector<16xi32>, vector<16xi32>], vector<16xf32>,
        %add3A_261 = arith.addi %shift_left3A_54, %and3A_253 : vector<16xi32>
        tpu.vector_store_idx %arg6[%broadcast_in_dim3A, %shift_right_logical3A_5, %add3A_261], %gather3A : memref<2x64x128xf32, #tpu.memory_space<vmem>>[vector<16xi32>, vector<16xi32>, vector<16xi32>], vector<16xf32>,
        %add3A_262 = arith.addi %shift_left3A_63, %and3A_253 : vector<16xi32>
        tpu.vector_store_idx %arg6[%broadcast_in_dim3A, %shift_right_logical3A_11, %add3A_262], %gather3A_254 : memref<2x64x128xf32, #tpu.memory_space<vmem>>[vector<16xi32>, vector<16xi32>, vector<16xi32>], vector<16xf32>,
        %add3A_263 = arith.addi %shift_left3A_72, %and3A_253 : vector<16xi32>
        tpu.vector_store_idx %arg6[%broadcast_in_dim3A, %shift_right_logical3A_17, %add3A_263], %gather3A_255 : memref<2x64x128xf32, #tpu.memory_space<vmem>>[vector<16xi32>, vector<16xi32>, vector<16xi32>], vector<16xf32>,
        %add3A_264 = arith.addi %shift_left3A_81, %and3A_253 : vector<16xi32>
        tpu.vector_store_idx %arg6[%broadcast_in_dim3A, %shift_right_logical3A_23, %add3A_264], %gather3A_256 : memref<2x64x128xf32, #tpu.memory_space<vmem>>[vector<16xi32>, vector<16xi32>, vector<16xi32>], vector<16xf32>,
        %add3A_265 = arith.addi %shift_left3A_90, %and3A_253 : vector<16xi32>
        tpu.vector_store_idx %arg6[%broadcast_in_dim3A, %shift_right_logical3A_29, %add3A_265], %gather3A_257 : memref<2x64x128xf32, #tpu.memory_space<vmem>>[vector<16xi32>, vector<16xi32>, vector<16xi32>], vector<16xf32>,
        %add3A_266 = arith.addi %shift_left3A_99, %and3A_253 : vector<16xi32>
        tpu.vector_store_idx %arg6[%broadcast_in_dim3A, %shift_right_logical3A_35, %add3A_266], %gather3A_258 : memref<2x64x128xf32, #tpu.memory_space<vmem>>[vector<16xi32>, vector<16xi32>, vector<16xi32>], vector<16xf32>,
        %add3A_267 = arith.addi %shift_left3A_108, %and3A_253 : vector<16xi32>
        tpu.vector_store_idx %arg6[%broadcast_in_dim3A, %shift_right_logical3A_41, %add3A_267], %gather3A_259 : memref<2x64x128xf32, #tpu.memory_space<vmem>>[vector<16xi32>, vector<16xi32>, vector<16xi32>], vector<16xf32>,
        %add3A_268 = arith.addi %shift_left3A_117, %and3A_253 : vector<16xi32>
        tpu.vector_store_idx %arg6[%broadcast_in_dim3A, %shift_right_logical3A_47, %add3A_268], %gather3A_260 : memref<2x64x128xf32, #tpu.memory_space<vmem>>[vector<16xi32>, vector<16xi32>, vector<16xi32>], vector<16xf32>,
      }
      %scan3A_227 = arith.constant 64 : i32
      %mul3A_228 = arith.constant 64 : i32
      %mul3A_229 = arith.muli %add3A_202, %mul3A_228 : i32
      %dma_start3A = arith.constant 0 : i32
      %dma_start3A_230 = arith.constant 0 : i32
      %dma_start3A_231 = tpu.memref_slice %arg6[%rem3A_199, %dma_start3A, %dma_start3A_230] : memref<2x64x128xf32, #tpu.memory_space<vmem>> -> memref<1x64x128xf32, #tpu.memory_space<vmem>>
      %dma_start3A_232 = tpu.memref_squeeze %dma_start3A_231 : memref<1x64x128xf32, #tpu.memory_space<vmem>> -> memref<64x128xf32, #tpu.memory_space<vmem>>
      %dma_start3A_233 = arith.constant 0 : i32
      %dma_start3A_234 = tpu.memref_slice %arg4[%mul3A_229, %dma_start3A_233] : memref<500000x128xf32, #tpu.memory_space<hbm>> -> memref<64x128xf32, #tpu.memory_space<hbm>>
      %dma_start3A_235 = tpu.memref_slice %arg8[%rem3A_199] : memref<2x!tpu.dma_semaphore, #tpu.memory_space<semaphore_mem>> -> memref<1x!tpu.dma_semaphore, #tpu.memory_space<semaphore_mem>>
      %dma_start3A_236 = tpu.memref_squeeze %dma_start3A_235 : memref<1x!tpu.dma_semaphore, #tpu.memory_space<semaphore_mem>> -> memref<!tpu.dma_semaphore, #tpu.memory_space<semaphore_mem>>
      %dma_start3A_237 = arith.constant 0 : i32
      %dma_start3A_238 = tpu.memref_slice %arg4[%mul3A_229, %dma_start3A_237] : memref<500000x128xf32, #tpu.memory_space<hbm>> -> memref<64x128xf32, #tpu.memory_space<hbm>>
      %dma_start3A_239 = arith.constant 0 : i32
      %dma_start3A_240 = arith.constant 0 : i32
      %dma_start3A_241 = tpu.memref_slice %arg6[%rem3A_199, %dma_start3A_239, %dma_start3A_240] : memref<2x64x128xf32, #tpu.memory_space<vmem>> -> memref<1x64x128xf32, #tpu.memory_space<vmem>>
      %dma_start3A_242 = tpu.memref_squeeze %dma_start3A_241 : memref<1x64x128xf32, #tpu.memory_space<vmem>> -> memref<64x128xf32, #tpu.memory_space<vmem>>
      tpu.enqueue_dma source(%dma_start3A_242 : memref<64x128xf32, #tpu.memory_space<vmem>>) target(%dma_start3A_238 : memref<64x128xf32, #tpu.memory_space<hbm>>) target_semaphore(%dma_start3A_236 : memref<!tpu.dma_semaphore, #tpu.memory_space<semaphore_mem>>)
      %add3A_243 = arith.constant 2 : i32
      %add3A_244 = arith.addi %while3A_197, %add3A_243 : i32
      %lt3A = arith.cmpi slt, %add3A_244, %select_n3A : i32
      %convert_element_type3A_245 = arith.extui %lt3A : i1 to i32
      %cond3A_246 = arith.constant 0 : i32
      %cond3A_247 = arith.cmpi ne, %convert_element_type3A_245, %cond3A_246 : i32
      scf.if %cond3A_247 {
        %add3A_248 = arith.constant 2 : i32
        %add3A_249 = arith.addi %while3A_197, %add3A_248 : i32
        %mul3A_250 = arith.constant 32 : i32
        %mul3A_251 = arith.muli %add3A_249, %mul3A_250 : i32
        %add3A_252 = arith.addi %add3A, %mul3A_251 : i32
        %mul3A_253 = arith.constant 128 : i32
        %mul3A_254 = arith.muli %add3A_252, %mul3A_253 : i32
        %dma_start3A_255 = arith.constant 0 : i32
        %dma_start3A_256 = arith.constant 0 : i32
        %dma_start3A_257 = tpu.memref_slice %arg5[%rem3A_199, %dma_start3A_255, %dma_start3A_256] : memref<2x64x128xf32, #tpu.memory_space<vmem>> -> memref<1x64x128xf32, #tpu.memory_space<vmem>>
        %dma_start3A_258 = tpu.memref_squeeze %dma_start3A_257 : memref<1x64x128xf32, #tpu.memory_space<vmem>> -> memref<64x128xf32, #tpu.memory_space<vmem>>
        %dma_start3A_259 = arith.constant 0 : i32
        %dma_start3A_260 = tpu.memref_slice %arg2[%dma_start3A_259, %mul3A_254] : memref<64x1000000xf32, #tpu.memory_space<hbm>> -> memref<64x128xf32, #tpu.memory_space<hbm>>
        %dma_start3A_261 = tpu.memref_slice %arg7[%rem3A_199] : memref<2x!tpu.dma_semaphore, #tpu.memory_space<semaphore_mem>> -> memref<1x!tpu.dma_semaphore, #tpu.memory_space<semaphore_mem>>
        %dma_start3A_262 = tpu.memref_squeeze %dma_start3A_261 : memref<1x!tpu.dma_semaphore, #tpu.memory_space<semaphore_mem>> -> memref<!tpu.dma_semaphore, #tpu.memory_space<semaphore_mem>>
        %dma_start3A_263 = arith.constant 0 : i32
        %dma_start3A_264 = arith.constant 0 : i32
        %dma_start3A_265 = tpu.memref_slice %arg5[%rem3A_199, %dma_start3A_263, %dma_start3A_264] : memref<2x64x128xf32, #tpu.memory_space<vmem>> -> memref<1x64x128xf32, #tpu.memory_space<vmem>>
        %dma_start3A_266 = tpu.memref_squeeze %dma_start3A_265 : memref<1x64x128xf32, #tpu.memory_space<vmem>> -> memref<64x128xf32, #tpu.memory_space<vmem>>
        %dma_start3A_267 = arith.constant 0 : i32
        %dma_start3A_268 = tpu.memref_slice %arg2[%dma_start3A_267, %mul3A_254] : memref<64x1000000xf32, #tpu.memory_space<hbm>> -> memref<64x128xf32, #tpu.memory_space<hbm>>
        tpu.enqueue_dma source(%dma_start3A_268 : memref<64x128xf32, #tpu.memory_space<hbm>>) target(%dma_start3A_266 : memref<64x128xf32, #tpu.memory_space<vmem>>) target_semaphore(%dma_start3A_262 : memref<!tpu.dma_semaphore, #tpu.memory_space<semaphore_mem>>)
      } else {
      }
    }
    %sub3A_181 = arith.constant 2 : i32
    %sub3A_182 = arith.subi %select_n3A, %sub3A_181 : i32
    %max3A = arith.constant 0 : i32
    %max3A_183 = arith.maxsi %sub3A_182, %max3A : i32
    %while3A_184 = arith.constant 0 : i32
    %while3A_185 = arith.subi %select_n3A, %max3A_183 : i32
    %while3A_186 = arith.addi %max3A_183, %while3A_185 : i32
    %while3A_187 = arith.constant 1 : i32
    %while3A_188 = arith.divsi %while3A_185, %while3A_187 : i32
    %while3A_189 = arith.muli %while3A_188, %while3A_187 : i32
    %while3A_190 = arith.addi %max3A_183, %while3A_189 : i32
    %while3A_191 = arith.constant 1 : i32
    scf.for %while3A_197 = %max3A_183 to %while3A_190 step %while3A_191  : i32 {
      %mul3A_198 = arith.constant 32 : i32
      %mul3A_199 = arith.muli %while3A_197, %mul3A_198 : i32
      %add3A_200 = arith.addi %add3A, %mul3A_199 : i32
      %rem3A_201 = arith.constant 2 : i32
      %rem3A_202 = arith.remsi %while3A_197, %rem3A_201 : i32
      %mul3A_203 = arith.constant 64 : i32
      %mul3A_204 = arith.muli %add3A_200, %mul3A_203 : i32
      %rem3A_205 = arith.constant 2 : i32
      %rem3A_206 = arith.remsi %while3A_197, %rem3A_205 : i32
      %dma_wait3A = arith.constant 0 : i32
      %dma_wait3A_207 = arith.constant 0 : i32
      %dma_wait3A_208 = tpu.memref_slice %arg6[%rem3A_202, %dma_wait3A, %dma_wait3A_207] : memref<2x64x128xf32, #tpu.memory_space<vmem>> -> memref<1x64x128xf32, #tpu.memory_space<vmem>>
      %dma_wait3A_209 = tpu.memref_squeeze %dma_wait3A_208 : memref<1x64x128xf32, #tpu.memory_space<vmem>> -> memref<64x128xf32, #tpu.memory_space<vmem>>
      %dma_wait3A_210 = arith.constant 0 : i32
      %dma_wait3A_211 = tpu.memref_slice %arg4[%mul3A_204, %dma_wait3A_210] : memref<500000x128xf32, #tpu.memory_space<hbm>> -> memref<64x128xf32, #tpu.memory_space<hbm>>
      %dma_wait3A_212 = tpu.memref_slice %arg8[%rem3A_206] : memref<2x!tpu.dma_semaphore, #tpu.memory_space<semaphore_mem>> -> memref<1x!tpu.dma_semaphore, #tpu.memory_space<semaphore_mem>>
      %dma_wait3A_213 = tpu.memref_squeeze %dma_wait3A_212 : memref<1x!tpu.dma_semaphore, #tpu.memory_space<semaphore_mem>> -> memref<!tpu.dma_semaphore, #tpu.memory_space<semaphore_mem>>
      %dma_wait3A_214 = arith.constant 0 : i32
      %dma_wait3A_215 = tpu.memref_slice %arg4[%mul3A_204, %dma_wait3A_214] : memref<500000x128xf32, #tpu.memory_space<hbm>> -> memref<64x128xf32, #tpu.memory_space<hbm>>
      %dma_wait3A_216 = arith.constant 0 : i32
      %dma_wait3A_217 = arith.constant 0 : i32
      %dma_wait3A_218 = tpu.memref_slice %arg6[%rem3A_202, %dma_wait3A_216, %dma_wait3A_217] : memref<2x64x128xf32, #tpu.memory_space<vmem>> -> memref<1x64x128xf32, #tpu.memory_space<vmem>>
      %dma_wait3A_219 = tpu.memref_squeeze %dma_wait3A_218 : memref<1x64x128xf32, #tpu.memory_space<vmem>> -> memref<64x128xf32, #tpu.memory_space<vmem>>
      tpu.wait_dma2 semaphore(%dma_wait3A_213 : memref<!tpu.dma_semaphore, #tpu.memory_space<semaphore_mem>>) src(%dma_wait3A_219 : memref<64x128xf32, #tpu.memory_space<vmem>>) dst(%dma_wait3A_215 : memref<64x128xf32, #tpu.memory_space<hbm>>)
    }
    %while3A_192 = arith.constant 1 : i32
    scf.for %while3A_197 = %while3A_190 to %while3A_186 step %while3A_192  : i32 {
      %mul3A_198 = arith.constant 32 : i32
      %mul3A_199 = arith.muli %while3A_197, %mul3A_198 : i32
      %add3A_200 = arith.addi %add3A, %mul3A_199 : i32
      %rem3A_201 = arith.constant 2 : i32
      %rem3A_202 = arith.remsi %while3A_197, %rem3A_201 : i32
      %mul3A_203 = arith.constant 64 : i32
      %mul3A_204 = arith.muli %add3A_200, %mul3A_203 : i32
      %rem3A_205 = arith.constant 2 : i32
      %rem3A_206 = arith.remsi %while3A_197, %rem3A_205 : i32
      %dma_wait3A = arith.constant 0 : i32
      %dma_wait3A_207 = arith.constant 0 : i32
      %dma_wait3A_208 = tpu.memref_slice %arg6[%rem3A_202, %dma_wait3A, %dma_wait3A_207] : memref<2x64x128xf32, #tpu.memory_space<vmem>> -> memref<1x64x128xf32, #tpu.memory_space<vmem>>
      %dma_wait3A_209 = tpu.memref_squeeze %dma_wait3A_208 : memref<1x64x128xf32, #tpu.memory_space<vmem>> -> memref<64x128xf32, #tpu.memory_space<vmem>>
      %dma_wait3A_210 = arith.constant 0 : i32
      %dma_wait3A_211 = tpu.memref_slice %arg4[%mul3A_204, %dma_wait3A_210] : memref<500000x128xf32, #tpu.memory_space<hbm>> -> memref<64x128xf32, #tpu.memory_space<hbm>>
      %dma_wait3A_212 = tpu.memref_slice %arg8[%rem3A_206] : memref<2x!tpu.dma_semaphore, #tpu.memory_space<semaphore_mem>> -> memref<1x!tpu.dma_semaphore, #tpu.memory_space<semaphore_mem>>
      %dma_wait3A_213 = tpu.memref_squeeze %dma_wait3A_212 : memref<1x!tpu.dma_semaphore, #tpu.memory_space<semaphore_mem>> -> memref<!tpu.dma_semaphore, #tpu.memory_space<semaphore_mem>>
      %dma_wait3A_214 = arith.constant 0 : i32
      %dma_wait3A_215 = tpu.memref_slice %arg4[%mul3A_204, %dma_wait3A_214] : memref<500000x128xf32, #tpu.memory_space<hbm>> -> memref<64x128xf32, #tpu.memory_space<hbm>>
      %dma_wait3A_216 = arith.constant 0 : i32
      %dma_wait3A_217 = arith.constant 0 : i32
      %dma_wait3A_218 = tpu.memref_slice %arg6[%rem3A_202, %dma_wait3A_216, %dma_wait3A_217] : memref<2x64x128xf32, #tpu.memory_space<vmem>> -> memref<1x64x128xf32, #tpu.memory_space<vmem>>
      %dma_wait3A_219 = tpu.memref_squeeze %dma_wait3A_218 : memref<1x64x128xf32, #tpu.memory_space<vmem>> -> memref<64x128xf32, #tpu.memory_space<vmem>>
      tpu.wait_dma2 semaphore(%dma_wait3A_213 : memref<!tpu.dma_semaphore, #tpu.memory_space<semaphore_mem>>) src(%dma_wait3A_219 : memref<64x128xf32, #tpu.memory_space<vmem>>) dst(%dma_wait3A_215 : memref<64x128xf32, #tpu.memory_space<hbm>>)
    }
    %eq3A = arith.constant 0 : i32
    %eq3A_193 = arith.cmpi eq, %add3A, %eq3A : i32
    %convert_element_type3A_194 = arith.extui %eq3A_193 : i1 to i32
    %cond3A_195 = arith.constant 0 : i32
    %cond3A_196 = arith.cmpi ne, %convert_element_type3A_194, %cond3A_195 : i32
    scf.if %cond3A_196 {
      %run_scoped3A = arith.constant 0 : i32
      "tpu.region"() ({
        %run_scoped3A_198 = tpu.sem_alloc : memref<!tpu.dma_semaphore, #tpu.memory_space<semaphore_mem>>
        %dma_start3A = arith.constant 0 : i32
        %dma_start3A_199 = arith.constant 0 : i32
        %dma_start3A_200 = tpu.memref_slice %arg5[%run_scoped3A, %dma_start3A, %dma_start3A_199] : memref<2x64x128xf32, #tpu.memory_space<vmem>> -> memref<1x32x128xf32, #tpu.memory_space<vmem>>
        %dma_start3A_201 = tpu.memref_squeeze %dma_start3A_200 : memref<1x32x128xf32, #tpu.memory_space<vmem>> -> memref<32x128xf32, #tpu.memory_space<vmem>>
        %dma_start3A_202 = arith.constant 0 : i32
        %dma_start3A_203 = arith.constant 0 : i32
        %dma_start3A_204 = tpu.memref_slice %arg5[%run_scoped3A, %dma_start3A_202, %dma_start3A_203] : memref<2x64x128xf32, #tpu.memory_space<vmem>> -> memref<1x32x128xf32, #tpu.memory_space<vmem>>
        %dma_start3A_205 = tpu.memref_squeeze %dma_start3A_204 : memref<1x32x128xf32, #tpu.memory_space<vmem>> -> memref<32x128xf32, #tpu.memory_space<vmem>>
        tpu.enqueue_dma source(%arg3 : memref<32x128xf32, #tpu.memory_space<hbm>>) target(%dma_start3A_205 : memref<32x128xf32, #tpu.memory_space<vmem>>) target_semaphore(%run_scoped3A_198 : memref<!tpu.dma_semaphore, #tpu.memory_space<semaphore_mem>>)
        %dma_wait3A = arith.constant 0 : i32
        %dma_wait3A_206 = arith.constant 0 : i32
        %dma_wait3A_207 = tpu.memref_slice %arg5[%run_scoped3A, %dma_wait3A, %dma_wait3A_206] : memref<2x64x128xf32, #tpu.memory_space<vmem>> -> memref<1x32x128xf32, #tpu.memory_space<vmem>>
        %dma_wait3A_208 = tpu.memref_squeeze %dma_wait3A_207 : memref<1x32x128xf32, #tpu.memory_space<vmem>> -> memref<32x128xf32, #tpu.memory_space<vmem>>
        %dma_wait3A_209 = arith.constant 0 : i32
        %dma_wait3A_210 = arith.constant 0 : i32
        %dma_wait3A_211 = tpu.memref_slice %arg5[%run_scoped3A, %dma_wait3A_209, %dma_wait3A_210] : memref<2x64x128xf32, #tpu.memory_space<vmem>> -> memref<1x32x128xf32, #tpu.memory_space<vmem>>
        %dma_wait3A_212 = tpu.memref_squeeze %dma_wait3A_211 : memref<1x32x128xf32, #tpu.memory_space<vmem>> -> memref<32x128xf32, #tpu.memory_space<vmem>>
        tpu.wait_dma2 semaphore(%run_scoped3A_198 : memref<!tpu.dma_semaphore, #tpu.memory_space<semaphore_mem>>) src(%arg3 : memref<32x128xf32, #tpu.memory_space<hbm>>) dst(%dma_wait3A_212 : memref<32x128xf32, #tpu.memory_space<vmem>>)
        tpu.yield
      }) : () -> ()
      %run_scoped3A_197 = arith.constant 0 : i32
      "tpu.region"() ({
        %run_scoped3A_198 = tpu.sem_alloc : memref<!tpu.dma_semaphore, #tpu.memory_space<semaphore_mem>>
        %dma_start3A = arith.constant 0 : i32
        %dma_start3A_199 = arith.constant 0 : i32
        %dma_start3A_200 = tpu.memref_slice %arg5[%run_scoped3A_197, %dma_start3A, %dma_start3A_199] : memref<2x64x128xf32, #tpu.memory_space<vmem>> -> memref<1x32x128xf32, #tpu.memory_space<vmem>>
        %dma_start3A_201 = tpu.memref_squeeze %dma_start3A_200 : memref<1x32x128xf32, #tpu.memory_space<vmem>> -> memref<32x128xf32, #tpu.memory_space<vmem>>
        %dma_start3A_202 = arith.constant 499968 : i32
        %dma_start3A_203 = arith.constant 0 : i32
        %dma_start3A_204 = tpu.memref_slice %arg4[%dma_start3A_202, %dma_start3A_203] : memref<500000x128xf32, #tpu.memory_space<hbm>> -> memref<32x128xf32, #tpu.memory_space<hbm>>
        %dma_start3A_205 = arith.constant 499968 : i32
        %dma_start3A_206 = arith.constant 0 : i32
        %dma_start3A_207 = tpu.memref_slice %arg4[%dma_start3A_205, %dma_start3A_206] : memref<500000x128xf32, #tpu.memory_space<hbm>> -> memref<32x128xf32, #tpu.memory_space<hbm>>
        %dma_start3A_208 = arith.constant 0 : i32
        %dma_start3A_209 = arith.constant 0 : i32
        %dma_start3A_210 = tpu.memref_slice %arg5[%run_scoped3A_197, %dma_start3A_208, %dma_start3A_209] : memref<2x64x128xf32, #tpu.memory_space<vmem>> -> memref<1x32x128xf32, #tpu.memory_space<vmem>>
        %dma_start3A_211 = tpu.memref_squeeze %dma_start3A_210 : memref<1x32x128xf32, #tpu.memory_space<vmem>> -> memref<32x128xf32, #tpu.memory_space<vmem>>
        tpu.enqueue_dma source(%dma_start3A_211 : memref<32x128xf32, #tpu.memory_space<vmem>>) target(%dma_start3A_207 : memref<32x128xf32, #tpu.memory_space<hbm>>) target_semaphore(%run_scoped3A_198 : memref<!tpu.dma_semaphore, #tpu.memory_space<semaphore_mem>>)
        %dma_wait3A = arith.constant 0 : i32
        %dma_wait3A_212 = arith.constant 0 : i32
        %dma_wait3A_213 = tpu.memref_slice %arg5[%run_scoped3A_197, %dma_wait3A, %dma_wait3A_212] : memref<2x64x128xf32, #tpu.memory_space<vmem>> -> memref<1x32x128xf32, #tpu.memory_space<vmem>>
        %dma_wait3A_214 = tpu.memref_squeeze %dma_wait3A_213 : memref<1x32x128xf32, #tpu.memory_space<vmem>> -> memref<32x128xf32, #tpu.memory_space<vmem>>
        %dma_wait3A_215 = arith.constant 499968 : i32
        %dma_wait3A_216 = arith.constant 0 : i32
        %dma_wait3A_217 = tpu.memref_slice %arg4[%dma_wait3A_215, %dma_wait3A_216] : memref<500000x128xf32, #tpu.memory_space<hbm>> -> memref<32x128xf32, #tpu.memory_space<hbm>>
        %dma_wait3A_218 = arith.constant 499968 : i32
        %dma_wait3A_219 = arith.constant 0 : i32
        %dma_wait3A_220 = tpu.memref_slice %arg4[%dma_wait3A_218, %dma_wait3A_219] : memref<500000x128xf32, #tpu.memory_space<hbm>> -> memref<32x128xf32, #tpu.memory_space<hbm>>
        %dma_wait3A_221 = arith.constant 0 : i32
        %dma_wait3A_222 = arith.constant 0 : i32
        %dma_wait3A_223 = tpu.memref_slice %arg5[%run_scoped3A_197, %dma_wait3A_221, %dma_wait3A_222] : memref<2x64x128xf32, #tpu.memory_space<vmem>> -> memref<1x32x128xf32, #tpu.memory_space<vmem>>
        %dma_wait3A_224 = tpu.memref_squeeze %dma_wait3A_223 : memref<1x32x128xf32, #tpu.memory_space<vmem>> -> memref<32x128xf32, #tpu.memory_space<vmem>>
        tpu.wait_dma2 semaphore(%run_scoped3A_198 : memref<!tpu.dma_semaphore, #tpu.memory_space<semaphore_mem>>) src(%dma_wait3A_224 : memref<32x128xf32, #tpu.memory_space<vmem>>) dst(%dma_wait3A_220 : memref<32x128xf32, #tpu.memory_space<hbm>>)
        tpu.yield
      }) : () -> ()
    } else {
    }
    return
  }
}

#map = affine_map<(d0, d1) -> (0, 0)>
#map1 = affine_map<(d0, d1) -> (0)>
module attributes {stable_mosaic.version = 14 : i64} {
  func.func @_body(%arg0: i32, %arg1: i32, %arg2: memref<6400x128xi32, #tpu.memory_space<hbm>>, %arg3: memref<1000000x64xf32, #tpu.memory_space<hbm>>, %arg4: memref<64xf32, #tpu.memory_space<hbm>>, %arg5: memref<64xf32, #tpu.memory_space<hbm>>, %arg6: memref<819200x128xf32, #tpu.memory_space<hbm>>, %arg7: memref<4x2x128xi32, #tpu.memory_space<vmem>>, %arg8: memref<4x256x64xf32, #tpu.memory_space<vmem>>, %arg9: memref<2x256x64xf32, #tpu.memory_space<vmem>>, %arg10: memref<64xf32, #tpu.memory_space<vmem>>, %arg11: memref<64xf32, #tpu.memory_space<vmem>>, %arg12: memref<4x!tpu.dma_semaphore, #tpu.memory_space<semaphore_mem>>, %arg13: memref<2x!tpu.dma_semaphore, #tpu.memory_space<semaphore_mem>>) attributes {dimension_semantics = [#tpu.dimension_semantics<core_parallel>, #tpu.dimension_semantics<subcore_parallel>], iteration_bounds = array<i64: 2, 16>, scalar_prefetch = 0 : i64, scratch_operands = 7 : i64, tpu.core_type = #tpu.core_type<sc_vector_subcore>, window_params = [{transform_indices = #map}, {transform_indices = #map}, {transform_indices = #map1}, {transform_indices = #map1}, {transform_indices = #map}]} {
    %mul3A = arith.constant 2 : i32
    %mul3A_0 = arith.muli %arg1, %mul3A : i32
    %add3A = arith.addi %mul3A_0, %arg0 : i32
    %mul3A_1 = arith.constant 25600 : i32
    %mul3A_2 = arith.muli %add3A, %mul3A_1 : i32
    %mul3A_3 = arith.constant 200 : i32
    %mul3A_4 = arith.muli %add3A, %mul3A_3 : i32
    "tpu.region"() ({
      %run_scoped3A_129 = tpu.sem_alloc : memref<!tpu.dma_semaphore, #tpu.memory_space<semaphore_mem>>
      tpu.enqueue_dma source(%arg4 : memref<64xf32, #tpu.memory_space<hbm>>) target(%arg10 : memref<64xf32, #tpu.memory_space<vmem>>) target_semaphore(%run_scoped3A_129 : memref<!tpu.dma_semaphore, #tpu.memory_space<semaphore_mem>>)
      tpu.wait_dma2 semaphore(%run_scoped3A_129 : memref<!tpu.dma_semaphore, #tpu.memory_space<semaphore_mem>>) src(%arg4 : memref<64xf32, #tpu.memory_space<hbm>>) dst(%arg10 : memref<64xf32, #tpu.memory_space<vmem>>)
      tpu.yield
    }) : () -> ()
    "tpu.region"() ({
      %run_scoped3A_129 = tpu.sem_alloc : memref<!tpu.dma_semaphore, #tpu.memory_space<semaphore_mem>>
      tpu.enqueue_dma source(%arg5 : memref<64xf32, #tpu.memory_space<hbm>>) target(%arg11 : memref<64xf32, #tpu.memory_space<vmem>>) target_semaphore(%run_scoped3A_129 : memref<!tpu.dma_semaphore, #tpu.memory_space<semaphore_mem>>)
      tpu.wait_dma2 semaphore(%run_scoped3A_129 : memref<!tpu.dma_semaphore, #tpu.memory_space<semaphore_mem>>) src(%arg5 : memref<64xf32, #tpu.memory_space<hbm>>) dst(%arg11 : memref<64xf32, #tpu.memory_space<vmem>>)
      tpu.yield
    }) : () -> ()
    %get3A = arith.constant 0 : index
    %get3A_5 = tpu.vector_load %arg10[%get3A] {strides = array<i32>} : memref<64xf32, #tpu.memory_space<vmem>>, vector<16xf32>,
    %get3A_6 = arith.constant 16 : index
    %get3A_7 = tpu.vector_load %arg10[%get3A_6] {strides = array<i32>} : memref<64xf32, #tpu.memory_space<vmem>>, vector<16xf32>,
    %get3A_8 = arith.constant 32 : index
    %get3A_9 = tpu.vector_load %arg10[%get3A_8] {strides = array<i32>} : memref<64xf32, #tpu.memory_space<vmem>>, vector<16xf32>,
    %get3A_10 = arith.constant 48 : index
    %get3A_11 = tpu.vector_load %arg10[%get3A_10] {strides = array<i32>} : memref<64xf32, #tpu.memory_space<vmem>>, vector<16xf32>,
    %get3A_12 = arith.constant 0 : index
    %get3A_13 = tpu.vector_load %arg11[%get3A_12] {strides = array<i32>} : memref<64xf32, #tpu.memory_space<vmem>>, vector<16xf32>,
    %get3A_14 = arith.constant 16 : index
    %get3A_15 = tpu.vector_load %arg11[%get3A_14] {strides = array<i32>} : memref<64xf32, #tpu.memory_space<vmem>>, vector<16xf32>,
    %get3A_16 = arith.constant 32 : index
    %get3A_17 = tpu.vector_load %arg11[%get3A_16] {strides = array<i32>} : memref<64xf32, #tpu.memory_space<vmem>>, vector<16xf32>,
    %get3A_18 = arith.constant 48 : index
    %get3A_19 = tpu.vector_load %arg11[%get3A_18] {strides = array<i32>} : memref<64xf32, #tpu.memory_space<vmem>>, vector<16xf32>,
    %iota3A = tpu.iota {dimensions = array<i32: 0>} : vector<16xi32>
    %add3A_20 = arith.constant 0 : i32
    %add3A_21 = arith.addi %mul3A_4, %add3A_20 : i32
    %run_scoped3A = arith.constant 0 : i32
    "tpu.region"() ({
      %run_scoped3A_129 = tpu.sem_alloc : memref<!tpu.dma_semaphore, #tpu.memory_space<semaphore_mem>>
      %dma_start3A_130 = arith.constant 0 : i32
      %dma_start3A_131 = arith.constant 0 : i32
      %dma_start3A_132 = tpu.memref_slice %arg7[%run_scoped3A, %dma_start3A_130, %dma_start3A_131] : memref<4x2x128xi32, #tpu.memory_space<vmem>> -> memref<1x2x128xi32, #tpu.memory_space<vmem>>
      %dma_start3A_133 = tpu.memref_squeeze %dma_start3A_132 : memref<1x2x128xi32, #tpu.memory_space<vmem>> -> memref<2x128xi32, #tpu.memory_space<vmem>>
      %dma_start3A_134 = arith.constant 0 : i32
      %dma_start3A_135 = tpu.memref_slice %arg2[%add3A_21, %dma_start3A_134] : memref<6400x128xi32, #tpu.memory_space<hbm>> -> memref<2x128xi32, #tpu.memory_space<hbm>>
      %dma_start3A_136 = arith.constant 0 : i32
      %dma_start3A_137 = arith.constant 0 : i32
      %dma_start3A_138 = tpu.memref_slice %arg7[%run_scoped3A, %dma_start3A_136, %dma_start3A_137] : memref<4x2x128xi32, #tpu.memory_space<vmem>> -> memref<1x2x128xi32, #tpu.memory_space<vmem>>
      %dma_start3A_139 = tpu.memref_squeeze %dma_start3A_138 : memref<1x2x128xi32, #tpu.memory_space<vmem>> -> memref<2x128xi32, #tpu.memory_space<vmem>>
      %dma_start3A_140 = arith.constant 0 : i32
      %dma_start3A_141 = tpu.memref_slice %arg2[%add3A_21, %dma_start3A_140] : memref<6400x128xi32, #tpu.memory_space<hbm>> -> memref<2x128xi32, #tpu.memory_space<hbm>>
      tpu.enqueue_dma source(%dma_start3A_141 : memref<2x128xi32, #tpu.memory_space<hbm>>) target(%dma_start3A_139 : memref<2x128xi32, #tpu.memory_space<vmem>>) target_semaphore(%run_scoped3A_129 : memref<!tpu.dma_semaphore, #tpu.memory_space<semaphore_mem>>)
      %dma_wait3A_142 = arith.constant 0 : i32
      %dma_wait3A_143 = arith.constant 0 : i32
      %dma_wait3A_144 = tpu.memref_slice %arg7[%run_scoped3A, %dma_wait3A_142, %dma_wait3A_143] : memref<4x2x128xi32, #tpu.memory_space<vmem>> -> memref<1x2x128xi32, #tpu.memory_space<vmem>>
      %dma_wait3A_145 = tpu.memref_squeeze %dma_wait3A_144 : memref<1x2x128xi32, #tpu.memory_space<vmem>> -> memref<2x128xi32, #tpu.memory_space<vmem>>
      %dma_wait3A_146 = arith.constant 0 : i32
      %dma_wait3A_147 = tpu.memref_slice %arg2[%add3A_21, %dma_wait3A_146] : memref<6400x128xi32, #tpu.memory_space<hbm>> -> memref<2x128xi32, #tpu.memory_space<hbm>>
      %dma_wait3A_148 = arith.constant 0 : i32
      %dma_wait3A_149 = arith.constant 0 : i32
      %dma_wait3A_150 = tpu.memref_slice %arg7[%run_scoped3A, %dma_wait3A_148, %dma_wait3A_149] : memref<4x2x128xi32, #tpu.memory_space<vmem>> -> memref<1x2x128xi32, #tpu.memory_space<vmem>>
      %dma_wait3A_151 = tpu.memref_squeeze %dma_wait3A_150 : memref<1x2x128xi32, #tpu.memory_space<vmem>> -> memref<2x128xi32, #tpu.memory_space<vmem>>
      %dma_wait3A_152 = arith.constant 0 : i32
      %dma_wait3A_153 = tpu.memref_slice %arg2[%add3A_21, %dma_wait3A_152] : memref<6400x128xi32, #tpu.memory_space<hbm>> -> memref<2x128xi32, #tpu.memory_space<hbm>>
      tpu.wait_dma2 semaphore(%run_scoped3A_129 : memref<!tpu.dma_semaphore, #tpu.memory_space<semaphore_mem>>) src(%dma_wait3A_153 : memref<2x128xi32, #tpu.memory_space<hbm>>) dst(%dma_wait3A_151 : memref<2x128xi32, #tpu.memory_space<vmem>>)
      tpu.yield
    }) : () -> ()
    %dma_start3A = arith.constant 0 : i32
    %dma_start3A_22 = arith.constant 0 : i32
    %dma_start3A_23 = arith.constant 0 : i32
    %dma_start3A_24 = arith.constant 0 : i32
    %dma_start3A_25 = arith.constant 0 : i32
    %dma_start3A_26 = arith.constant 0 : i32
    %dma_start3A_27 = tpu.memref_slice %arg8[%dma_start3A_23, %dma_start3A_25, %dma_start3A_26] : memref<4x256x64xf32, #tpu.memory_space<vmem>> -> memref<1x128x64xf32, #tpu.memory_space<vmem>>
    %dma_start3A_28 = tpu.memref_squeeze %dma_start3A_27 : memref<1x128x64xf32, #tpu.memory_space<vmem>> -> memref<128x64xf32, #tpu.memory_space<vmem>>
    %dma_start3A_29 = arith.constant 0 : i32
    %dma_start3A_30 = tpu.memref_slice %arg7[%dma_start3A, %dma_start3A_22, %dma_start3A_29] : memref<4x2x128xi32, #tpu.memory_space<vmem>> -> memref<1x1x128xi32, #tpu.memory_space<vmem>>
    %dma_start3A_31 = tpu.memref_squeeze %dma_start3A_30 : memref<1x1x128xi32, #tpu.memory_space<vmem>> -> memref<128xi32, #tpu.memory_space<vmem>>
    %dma_start3A_32 = arith.constant 0 : i32
    %dma_start3A_33 = arith.constant 0 : i32
    %dma_start3A_34 = tpu.memref_slice %arg3[%dma_start3A_32, %dma_start3A_33] : memref<1000000x64xf32, #tpu.memory_space<hbm>> -> memref<1000000x64xf32, #tpu.memory_space<hbm>>
    %dma_start3A_35 = tpu.memref_slice %arg12[%dma_start3A_24] : memref<4x!tpu.dma_semaphore, #tpu.memory_space<semaphore_mem>> -> memref<1x!tpu.dma_semaphore, #tpu.memory_space<semaphore_mem>>
    %dma_start3A_36 = tpu.memref_squeeze %dma_start3A_35 : memref<1x!tpu.dma_semaphore, #tpu.memory_space<semaphore_mem>> -> memref<!tpu.dma_semaphore, #tpu.memory_space<semaphore_mem>>
    tpu.enqueue_indirect_dma source(%dma_start3A_34 : memref<1000000x64xf32, #tpu.memory_space<hbm>>) target(%dma_start3A_28 : memref<128x64xf32, #tpu.memory_space<vmem>>) offsets(%dma_start3A_31 : memref<128xi32, #tpu.memory_space<vmem>>) semaphore(%dma_start3A_36 : memref<!tpu.dma_semaphore, #tpu.memory_space<semaphore_mem>>)
    %dma_start3A_37 = arith.constant 0 : i32
    %dma_start3A_38 = arith.constant 1 : i32
    %dma_start3A_39 = arith.constant 0 : i32
    %dma_start3A_40 = arith.constant 0 : i32
    %dma_start3A_41 = arith.constant 128 : i32
    %dma_start3A_42 = arith.constant 0 : i32
    %dma_start3A_43 = tpu.memref_slice %arg8[%dma_start3A_39, %dma_start3A_41, %dma_start3A_42] : memref<4x256x64xf32, #tpu.memory_space<vmem>> -> memref<1x128x64xf32, #tpu.memory_space<vmem>>
    %dma_start3A_44 = tpu.memref_squeeze %dma_start3A_43 : memref<1x128x64xf32, #tpu.memory_space<vmem>> -> memref<128x64xf32, #tpu.memory_space<vmem>>
    %dma_start3A_45 = arith.constant 0 : i32
    %dma_start3A_46 = tpu.memref_slice %arg7[%dma_start3A_37, %dma_start3A_38, %dma_start3A_45] : memref<4x2x128xi32, #tpu.memory_space<vmem>> -> memref<1x1x128xi32, #tpu.memory_space<vmem>>
    %dma_start3A_47 = tpu.memref_squeeze %dma_start3A_46 : memref<1x1x128xi32, #tpu.memory_space<vmem>> -> memref<128xi32, #tpu.memory_space<vmem>>
    %dma_start3A_48 = arith.constant 0 : i32
    %dma_start3A_49 = arith.constant 0 : i32
    %dma_start3A_50 = tpu.memref_slice %arg3[%dma_start3A_48, %dma_start3A_49] : memref<1000000x64xf32, #tpu.memory_space<hbm>> -> memref<1000000x64xf32, #tpu.memory_space<hbm>>
    %dma_start3A_51 = tpu.memref_slice %arg12[%dma_start3A_40] : memref<4x!tpu.dma_semaphore, #tpu.memory_space<semaphore_mem>> -> memref<1x!tpu.dma_semaphore, #tpu.memory_space<semaphore_mem>>
    %dma_start3A_52 = tpu.memref_squeeze %dma_start3A_51 : memref<1x!tpu.dma_semaphore, #tpu.memory_space<semaphore_mem>> -> memref<!tpu.dma_semaphore, #tpu.memory_space<semaphore_mem>>
    tpu.enqueue_indirect_dma source(%dma_start3A_50 : memref<1000000x64xf32, #tpu.memory_space<hbm>>) target(%dma_start3A_44 : memref<128x64xf32, #tpu.memory_space<vmem>>) offsets(%dma_start3A_47 : memref<128xi32, #tpu.memory_space<vmem>>) semaphore(%dma_start3A_52 : memref<!tpu.dma_semaphore, #tpu.memory_space<semaphore_mem>>)
    %add3A_53 = arith.constant 2 : i32
    %add3A_54 = arith.addi %mul3A_4, %add3A_53 : i32
    %run_scoped3A_55 = arith.constant 1 : i32
    "tpu.region"() ({
      %run_scoped3A_129 = tpu.sem_alloc : memref<!tpu.dma_semaphore, #tpu.memory_space<semaphore_mem>>
      %dma_start3A_130 = arith.constant 0 : i32
      %dma_start3A_131 = arith.constant 0 : i32
      %dma_start3A_132 = tpu.memref_slice %arg7[%run_scoped3A_55, %dma_start3A_130, %dma_start3A_131] : memref<4x2x128xi32, #tpu.memory_space<vmem>> -> memref<1x2x128xi32, #tpu.memory_space<vmem>>
      %dma_start3A_133 = tpu.memref_squeeze %dma_start3A_132 : memref<1x2x128xi32, #tpu.memory_space<vmem>> -> memref<2x128xi32, #tpu.memory_space<vmem>>
      %dma_start3A_134 = arith.constant 0 : i32
      %dma_start3A_135 = tpu.memref_slice %arg2[%add3A_54, %dma_start3A_134] : memref<6400x128xi32, #tpu.memory_space<hbm>> -> memref<2x128xi32, #tpu.memory_space<hbm>>
      %dma_start3A_136 = arith.constant 0 : i32
      %dma_start3A_137 = arith.constant 0 : i32
      %dma_start3A_138 = tpu.memref_slice %arg7[%run_scoped3A_55, %dma_start3A_136, %dma_start3A_137] : memref<4x2x128xi32, #tpu.memory_space<vmem>> -> memref<1x2x128xi32, #tpu.memory_space<vmem>>
      %dma_start3A_139 = tpu.memref_squeeze %dma_start3A_138 : memref<1x2x128xi32, #tpu.memory_space<vmem>> -> memref<2x128xi32, #tpu.memory_space<vmem>>
      %dma_start3A_140 = arith.constant 0 : i32
      %dma_start3A_141 = tpu.memref_slice %arg2[%add3A_54, %dma_start3A_140] : memref<6400x128xi32, #tpu.memory_space<hbm>> -> memref<2x128xi32, #tpu.memory_space<hbm>>
      tpu.enqueue_dma source(%dma_start3A_141 : memref<2x128xi32, #tpu.memory_space<hbm>>) target(%dma_start3A_139 : memref<2x128xi32, #tpu.memory_space<vmem>>) target_semaphore(%run_scoped3A_129 : memref<!tpu.dma_semaphore, #tpu.memory_space<semaphore_mem>>)
      %dma_wait3A_142 = arith.constant 0 : i32
      %dma_wait3A_143 = arith.constant 0 : i32
      %dma_wait3A_144 = tpu.memref_slice %arg7[%run_scoped3A_55, %dma_wait3A_142, %dma_wait3A_143] : memref<4x2x128xi32, #tpu.memory_space<vmem>> -> memref<1x2x128xi32, #tpu.memory_space<vmem>>
      %dma_wait3A_145 = tpu.memref_squeeze %dma_wait3A_144 : memref<1x2x128xi32, #tpu.memory_space<vmem>> -> memref<2x128xi32, #tpu.memory_space<vmem>>
      %dma_wait3A_146 = arith.constant 0 : i32
      %dma_wait3A_147 = tpu.memref_slice %arg2[%add3A_54, %dma_wait3A_146] : memref<6400x128xi32, #tpu.memory_space<hbm>> -> memref<2x128xi32, #tpu.memory_space<hbm>>
      %dma_wait3A_148 = arith.constant 0 : i32
      %dma_wait3A_149 = arith.constant 0 : i32
      %dma_wait3A_150 = tpu.memref_slice %arg7[%run_scoped3A_55, %dma_wait3A_148, %dma_wait3A_149] : memref<4x2x128xi32, #tpu.memory_space<vmem>> -> memref<1x2x128xi32, #tpu.memory_space<vmem>>
      %dma_wait3A_151 = tpu.memref_squeeze %dma_wait3A_150 : memref<1x2x128xi32, #tpu.memory_space<vmem>> -> memref<2x128xi32, #tpu.memory_space<vmem>>
      %dma_wait3A_152 = arith.constant 0 : i32
      %dma_wait3A_153 = tpu.memref_slice %arg2[%add3A_54, %dma_wait3A_152] : memref<6400x128xi32, #tpu.memory_space<hbm>> -> memref<2x128xi32, #tpu.memory_space<hbm>>
      tpu.wait_dma2 semaphore(%run_scoped3A_129 : memref<!tpu.dma_semaphore, #tpu.memory_space<semaphore_mem>>) src(%dma_wait3A_153 : memref<2x128xi32, #tpu.memory_space<hbm>>) dst(%dma_wait3A_151 : memref<2x128xi32, #tpu.memory_space<vmem>>)
      tpu.yield
    }) : () -> ()
    %dma_start3A_56 = arith.constant 1 : i32
    %dma_start3A_57 = arith.constant 0 : i32
    %dma_start3A_58 = arith.constant 1 : i32
    %dma_start3A_59 = arith.constant 1 : i32
    %dma_start3A_60 = arith.constant 0 : i32
    %dma_start3A_61 = arith.constant 0 : i32
    %dma_start3A_62 = tpu.memref_slice %arg8[%dma_start3A_58, %dma_start3A_60, %dma_start3A_61] : memref<4x256x64xf32, #tpu.memory_space<vmem>> -> memref<1x128x64xf32, #tpu.memory_space<vmem>>
    %dma_start3A_63 = tpu.memref_squeeze %dma_start3A_62 : memref<1x128x64xf32, #tpu.memory_space<vmem>> -> memref<128x64xf32, #tpu.memory_space<vmem>>
    %dma_start3A_64 = arith.constant 0 : i32
    %dma_start3A_65 = tpu.memref_slice %arg7[%dma_start3A_56, %dma_start3A_57, %dma_start3A_64] : memref<4x2x128xi32, #tpu.memory_space<vmem>> -> memref<1x1x128xi32, #tpu.memory_space<vmem>>
    %dma_start3A_66 = tpu.memref_squeeze %dma_start3A_65 : memref<1x1x128xi32, #tpu.memory_space<vmem>> -> memref<128xi32, #tpu.memory_space<vmem>>
    %dma_start3A_67 = arith.constant 0 : i32
    %dma_start3A_68 = arith.constant 0 : i32
    %dma_start3A_69 = tpu.memref_slice %arg3[%dma_start3A_67, %dma_start3A_68] : memref<1000000x64xf32, #tpu.memory_space<hbm>> -> memref<1000000x64xf32, #tpu.memory_space<hbm>>
    %dma_start3A_70 = tpu.memref_slice %arg12[%dma_start3A_59] : memref<4x!tpu.dma_semaphore, #tpu.memory_space<semaphore_mem>> -> memref<1x!tpu.dma_semaphore, #tpu.memory_space<semaphore_mem>>
    %dma_start3A_71 = tpu.memref_squeeze %dma_start3A_70 : memref<1x!tpu.dma_semaphore, #tpu.memory_space<semaphore_mem>> -> memref<!tpu.dma_semaphore, #tpu.memory_space<semaphore_mem>>
    tpu.enqueue_indirect_dma source(%dma_start3A_69 : memref<1000000x64xf32, #tpu.memory_space<hbm>>) target(%dma_start3A_63 : memref<128x64xf32, #tpu.memory_space<vmem>>) offsets(%dma_start3A_66 : memref<128xi32, #tpu.memory_space<vmem>>) semaphore(%dma_start3A_71 : memref<!tpu.dma_semaphore, #tpu.memory_space<semaphore_mem>>)
    %dma_start3A_72 = arith.constant 1 : i32
    %dma_start3A_73 = arith.constant 1 : i32
    %dma_start3A_74 = arith.constant 1 : i32
    %dma_start3A_75 = arith.constant 1 : i32
    %dma_start3A_76 = arith.constant 128 : i32
    %dma_start3A_77 = arith.constant 0 : i32
    %dma_start3A_78 = tpu.memref_slice %arg8[%dma_start3A_74, %dma_start3A_76, %dma_start3A_77] : memref<4x256x64xf32, #tpu.memory_space<vmem>> -> memref<1x128x64xf32, #tpu.memory_space<vmem>>
    %dma_start3A_79 = tpu.memref_squeeze %dma_start3A_78 : memref<1x128x64xf32, #tpu.memory_space<vmem>> -> memref<128x64xf32, #tpu.memory_space<vmem>>
    %dma_start3A_80 = arith.constant 0 : i32
    %dma_start3A_81 = tpu.memref_slice %arg7[%dma_start3A_72, %dma_start3A_73, %dma_start3A_80] : memref<4x2x128xi32, #tpu.memory_space<vmem>> -> memref<1x1x128xi32, #tpu.memory_space<vmem>>
    %dma_start3A_82 = tpu.memref_squeeze %dma_start3A_81 : memref<1x1x128xi32, #tpu.memory_space<vmem>> -> memref<128xi32, #tpu.memory_space<vmem>>
    %dma_start3A_83 = arith.constant 0 : i32
    %dma_start3A_84 = arith.constant 0 : i32
    %dma_start3A_85 = tpu.memref_slice %arg3[%dma_start3A_83, %dma_start3A_84] : memref<1000000x64xf32, #tpu.memory_space<hbm>> -> memref<1000000x64xf32, #tpu.memory_space<hbm>>
    %dma_start3A_86 = tpu.memref_slice %arg12[%dma_start3A_75] : memref<4x!tpu.dma_semaphore, #tpu.memory_space<semaphore_mem>> -> memref<1x!tpu.dma_semaphore, #tpu.memory_space<semaphore_mem>>
    %dma_start3A_87 = tpu.memref_squeeze %dma_start3A_86 : memref<1x!tpu.dma_semaphore, #tpu.memory_space<semaphore_mem>> -> memref<!tpu.dma_semaphore, #tpu.memory_space<semaphore_mem>>
    tpu.enqueue_indirect_dma source(%dma_start3A_85 : memref<1000000x64xf32, #tpu.memory_space<hbm>>) target(%dma_start3A_79 : memref<128x64xf32, #tpu.memory_space<vmem>>) offsets(%dma_start3A_82 : memref<128xi32, #tpu.memory_space<vmem>>) semaphore(%dma_start3A_87 : memref<!tpu.dma_semaphore, #tpu.memory_space<semaphore_mem>>)
    %scan3A = arith.constant 0 : i32
    %scan3A_88 = arith.constant 0 : i32
    %scan3A_89 = arith.constant 100 : i32
    %scan3A_90 = arith.addi %scan3A_88, %scan3A_89 : i32
    %scan3A_91 = arith.constant 1 : i32
    scf.for %scan3A_129 = %scan3A_88 to %scan3A_90 step %scan3A_91  : i32 {
      %rem3A_130 = arith.constant 4 : i32
      %rem3A_131 = arith.remsi %scan3A_129, %rem3A_130 : i32
      %add3A_132 = arith.constant 2 : i32
      %add3A_133 = arith.addi %scan3A_129, %add3A_132 : i32
      %rem3A_134 = arith.constant 4 : i32
      %rem3A_135 = arith.remsi %add3A_133, %rem3A_134 : i32
      %rem3A_136 = arith.constant 2 : i32
      %rem3A_137 = arith.remsi %scan3A_129, %rem3A_136 : i32
      %dma_wait3A_138 = arith.constant 0 : i32
      %dma_wait3A_139 = arith.constant 0 : i32
      %dma_wait3A_140 = arith.constant 0 : i32
      %dma_wait3A_141 = tpu.memref_slice %arg8[%rem3A_131, %dma_wait3A_139, %dma_wait3A_140] : memref<4x256x64xf32, #tpu.memory_space<vmem>> -> memref<1x128x64xf32, #tpu.memory_space<vmem>>
      %dma_wait3A_142 = tpu.memref_squeeze %dma_wait3A_141 : memref<1x128x64xf32, #tpu.memory_space<vmem>> -> memref<128x64xf32, #tpu.memory_space<vmem>>
      %dma_wait3A_143 = arith.constant 0 : i32
      %dma_wait3A_144 = tpu.memref_slice %arg7[%rem3A_131, %dma_wait3A_138, %dma_wait3A_143] : memref<4x2x128xi32, #tpu.memory_space<vmem>> -> memref<1x1x128xi32, #tpu.memory_space<vmem>>
      %dma_wait3A_145 = tpu.memref_squeeze %dma_wait3A_144 : memref<1x1x128xi32, #tpu.memory_space<vmem>> -> memref<128xi32, #tpu.memory_space<vmem>>
      %dma_wait3A_146 = arith.constant 0 : i32
      %dma_wait3A_147 = arith.constant 0 : i32
      %dma_wait3A_148 = tpu.memref_slice %arg3[%dma_wait3A_146, %dma_wait3A_147] : memref<1000000x64xf32, #tpu.memory_space<hbm>> -> memref<1000000x64xf32, #tpu.memory_space<hbm>>
      %dma_wait3A_149 = tpu.memref_slice %arg12[%rem3A_131] : memref<4x!tpu.dma_semaphore, #tpu.memory_space<semaphore_mem>> -> memref<1x!tpu.dma_semaphore, #tpu.memory_space<semaphore_mem>>
      %dma_wait3A_150 = tpu.memref_squeeze %dma_wait3A_149 : memref<1x!tpu.dma_semaphore, #tpu.memory_space<semaphore_mem>> -> memref<!tpu.dma_semaphore, #tpu.memory_space<semaphore_mem>>
      tpu.wait_indirect_dma semaphore(%dma_wait3A_150 : memref<!tpu.dma_semaphore, #tpu.memory_space<semaphore_mem>>) src(%dma_wait3A_148 : memref<1000000x64xf32, #tpu.memory_space<hbm>>) dst(%dma_wait3A_142 : memref<128x64xf32, #tpu.memory_space<vmem>>)
      %dma_wait3A_151 = arith.constant 1 : i32
      %dma_wait3A_152 = arith.constant 128 : i32
      %dma_wait3A_153 = arith.constant 0 : i32
      %dma_wait3A_154 = tpu.memref_slice %arg8[%rem3A_131, %dma_wait3A_152, %dma_wait3A_153] : memref<4x256x64xf32, #tpu.memory_space<vmem>> -> memref<1x128x64xf32, #tpu.memory_space<vmem>>
      %dma_wait3A_155 = tpu.memref_squeeze %dma_wait3A_154 : memref<1x128x64xf32, #tpu.memory_space<vmem>> -> memref<128x64xf32, #tpu.memory_space<vmem>>
      %dma_wait3A_156 = arith.constant 0 : i32
      %dma_wait3A_157 = tpu.memref_slice %arg7[%rem3A_131, %dma_wait3A_151, %dma_wait3A_156] : memref<4x2x128xi32, #tpu.memory_space<vmem>> -> memref<1x1x128xi32, #tpu.memory_space<vmem>>
      %dma_wait3A_158 = tpu.memref_squeeze %dma_wait3A_157 : memref<1x1x128xi32, #tpu.memory_space<vmem>> -> memref<128xi32, #tpu.memory_space<vmem>>
      %dma_wait3A_159 = arith.constant 0 : i32
      %dma_wait3A_160 = arith.constant 0 : i32
      %dma_wait3A_161 = tpu.memref_slice %arg3[%dma_wait3A_159, %dma_wait3A_160] : memref<1000000x64xf32, #tpu.memory_space<hbm>> -> memref<1000000x64xf32, #tpu.memory_space<hbm>>
      %dma_wait3A_162 = tpu.memref_slice %arg12[%rem3A_131] : memref<4x!tpu.dma_semaphore, #tpu.memory_space<semaphore_mem>> -> memref<1x!tpu.dma_semaphore, #tpu.memory_space<semaphore_mem>>
      %dma_wait3A_163 = tpu.memref_squeeze %dma_wait3A_162 : memref<1x!tpu.dma_semaphore, #tpu.memory_space<semaphore_mem>> -> memref<!tpu.dma_semaphore, #tpu.memory_space<semaphore_mem>>
      tpu.wait_indirect_dma semaphore(%dma_wait3A_163 : memref<!tpu.dma_semaphore, #tpu.memory_space<semaphore_mem>>) src(%dma_wait3A_161 : memref<1000000x64xf32, #tpu.memory_space<hbm>>) dst(%dma_wait3A_155 : memref<128x64xf32, #tpu.memory_space<vmem>>)
      %ge3A = arith.constant 2 : i32
      %ge3A_164 = arith.cmpi sge, %scan3A_129, %ge3A : i32
      %convert_element_type3A = arith.extui %ge3A_164 : i1 to i32
      %cond3A = arith.constant 0 : i32
      %cond3A_165 = arith.cmpi ne, %convert_element_type3A, %cond3A : i32
      scf.if %cond3A_165 {
        %sub3A = arith.constant 2 : i32
        %sub3A_196 = arith.subi %scan3A_129, %sub3A : i32
        %mul3A_197 = arith.constant 256 : i32
        %mul3A_198 = arith.muli %sub3A_196, %mul3A_197 : i32
        %add3A_199 = arith.addi %mul3A_2, %mul3A_198 : i32
        %dma_wait3A_200 = arith.constant 0 : i32
        %dma_wait3A_201 = arith.constant 0 : i32
        %dma_wait3A_202 = tpu.memref_slice %arg9[%rem3A_137, %dma_wait3A_200, %dma_wait3A_201] : memref<2x256x64xf32, #tpu.memory_space<vmem>> -> memref<1x256x64xf32, #tpu.memory_space<vmem>>
        %dma_wait3A_203 = tpu.memref_squeeze %dma_wait3A_202 : memref<1x256x64xf32, #tpu.memory_space<vmem>> -> memref<256x64xf32, #tpu.memory_space<vmem>>
        %dma_wait3A_204 = arith.constant 0 : i32
        %dma_wait3A_205 = tpu.memref_slice %arg6[%add3A_199, %dma_wait3A_204] : memref<819200x128xf32, #tpu.memory_space<hbm>> -> memref<256x64xf32, #tpu.memory_space<hbm>>
        %dma_wait3A_206 = tpu.memref_slice %arg13[%rem3A_137] : memref<2x!tpu.dma_semaphore, #tpu.memory_space<semaphore_mem>> -> memref<1x!tpu.dma_semaphore, #tpu.memory_space<semaphore_mem>>
        %dma_wait3A_207 = tpu.memref_squeeze %dma_wait3A_206 : memref<1x!tpu.dma_semaphore, #tpu.memory_space<semaphore_mem>> -> memref<!tpu.dma_semaphore, #tpu.memory_space<semaphore_mem>>
        %dma_wait3A_208 = arith.constant 0 : i32
        %dma_wait3A_209 = tpu.memref_slice %arg6[%add3A_199, %dma_wait3A_208] : memref<819200x128xf32, #tpu.memory_space<hbm>> -> memref<256x64xf32, #tpu.memory_space<hbm>>
        %dma_wait3A_210 = arith.constant 0 : i32
        %dma_wait3A_211 = arith.constant 0 : i32
        %dma_wait3A_212 = tpu.memref_slice %arg9[%rem3A_137, %dma_wait3A_210, %dma_wait3A_211] : memref<2x256x64xf32, #tpu.memory_space<vmem>> -> memref<1x256x64xf32, #tpu.memory_space<vmem>>
        %dma_wait3A_213 = tpu.memref_squeeze %dma_wait3A_212 : memref<1x256x64xf32, #tpu.memory_space<vmem>> -> memref<256x64xf32, #tpu.memory_space<vmem>>
        tpu.wait_dma2 semaphore(%dma_wait3A_207 : memref<!tpu.dma_semaphore, #tpu.memory_space<semaphore_mem>>) src(%dma_wait3A_213 : memref<256x64xf32, #tpu.memory_space<vmem>>) dst(%dma_wait3A_209 : memref<256x64xf32, #tpu.memory_space<hbm>>)
      } else {
      }
      %broadcast_in_dim3A = vector.broadcast %rem3A_131 : i32 to vector<16xi32>
      %broadcast_in_dim3A_166 = vector.broadcast %rem3A_137 : i32 to vector<16xi32>
      %scan3A_167 = arith.constant 0 : i32
      %scan3A_168 = arith.constant 0 : i32
      %scan3A_169 = arith.constant 2 : i32
      %scan3A_170 = arith.addi %scan3A_168, %scan3A_169 : i32
      %scan3A_171 = arith.constant 1 : i32
      scf.for %scan3A_196 = %scan3A_168 to %scan3A_170 step %scan3A_171  : i32 {
        %mul3A_197 = arith.constant 128 : i32
        %mul3A_198 = arith.muli %scan3A_196, %mul3A_197 : i32
        %add3A_199 = arith.constant 0 : i32
        %add3A_200 = arith.addi %mul3A_198, %add3A_199 : i32
        %add3A_201 = vector.broadcast %add3A_200 : i32 to vector<16xi32>
        %add3A_202 = arith.addi %add3A_201, %iota3A : vector<16xi32>
        %mul3A_203 = arith.constant 128 : i32
        %mul3A_204 = arith.muli %scan3A_196, %mul3A_203 : i32
        %add3A_205 = arith.constant 16 : i32
        %add3A_206 = arith.addi %mul3A_204, %add3A_205 : i32
        %add3A_207 = vector.broadcast %add3A_206 : i32 to vector<16xi32>
        %add3A_208 = arith.addi %add3A_207, %iota3A : vector<16xi32>
        %mul3A_209 = arith.constant 128 : i32
        %mul3A_210 = arith.muli %scan3A_196, %mul3A_209 : i32
        %add3A_211 = arith.constant 32 : i32
        %add3A_212 = arith.addi %mul3A_210, %add3A_211 : i32
        %add3A_213 = vector.broadcast %add3A_212 : i32 to vector<16xi32>
        %add3A_214 = arith.addi %add3A_213, %iota3A : vector<16xi32>
        %mul3A_215 = arith.constant 128 : i32
        %mul3A_216 = arith.muli %scan3A_196, %mul3A_215 : i32
        %add3A_217 = arith.constant 48 : i32
        %add3A_218 = arith.addi %mul3A_216, %add3A_217 : i32
        %add3A_219 = vector.broadcast %add3A_218 : i32 to vector<16xi32>
        %add3A_220 = arith.addi %add3A_219, %iota3A : vector<16xi32>
        %mul3A_221 = arith.constant 128 : i32
        %mul3A_222 = arith.muli %scan3A_196, %mul3A_221 : i32
        %add3A_223 = arith.constant 64 : i32
        %add3A_224 = arith.addi %mul3A_222, %add3A_223 : i32
        %add3A_225 = vector.broadcast %add3A_224 : i32 to vector<16xi32>
        %add3A_226 = arith.addi %add3A_225, %iota3A : vector<16xi32>
        %mul3A_227 = arith.constant 128 : i32
        %mul3A_228 = arith.muli %scan3A_196, %mul3A_227 : i32
        %add3A_229 = arith.constant 80 : i32
        %add3A_230 = arith.addi %mul3A_228, %add3A_229 : i32
        %add3A_231 = vector.broadcast %add3A_230 : i32 to vector<16xi32>
        %add3A_232 = arith.addi %add3A_231, %iota3A : vector<16xi32>
        %mul3A_233 = arith.constant 128 : i32
        %mul3A_234 = arith.muli %scan3A_196, %mul3A_233 : i32
        %add3A_235 = arith.constant 96 : i32
        %add3A_236 = arith.addi %mul3A_234, %add3A_235 : i32
        %add3A_237 = vector.broadcast %add3A_236 : i32 to vector<16xi32>
        %add3A_238 = arith.addi %add3A_237, %iota3A : vector<16xi32>
        %mul3A_239 = arith.constant 128 : i32
        %mul3A_240 = arith.muli %scan3A_196, %mul3A_239 : i32
        %add3A_241 = arith.constant 112 : i32
        %add3A_242 = arith.addi %mul3A_240, %add3A_241 : i32
        %add3A_243 = vector.broadcast %add3A_242 : i32 to vector<16xi32>
        %add3A_244 = arith.addi %add3A_243, %iota3A : vector<16xi32>
        %broadcast_in_dim3A_245 = arith.constant 0.000000e+00 : f32
        %broadcast_in_dim3A_246 = vector.broadcast %broadcast_in_dim3A_245 : f32 to vector<16xf32>
        %scan3A_247 = arith.constant 0 : i32
        %scan3A_248 = arith.constant 64 : i32
        %scan3A_249 = arith.addi %scan3A_247, %scan3A_248 : i32
        %scan3A_250 = arith.constant 1 : i32
        %scan3A_251:16 = scf.for %scan3A_606 = %scan3A_247 to %scan3A_249 step %scan3A_250 iter_args(%scan3A_607 = %broadcast_in_dim3A_246, %scan3A_608 = %broadcast_in_dim3A_246, %scan3A_609 = %broadcast_in_dim3A_246, %scan3A_610 = %broadcast_in_dim3A_246, %scan3A_611 = %broadcast_in_dim3A_246, %scan3A_612 = %broadcast_in_dim3A_246, %scan3A_613 = %broadcast_in_dim3A_246, %scan3A_614 = %broadcast_in_dim3A_246, %scan3A_615 = %broadcast_in_dim3A_246, %scan3A_616 = %broadcast_in_dim3A_246, %scan3A_617 = %broadcast_in_dim3A_246, %scan3A_618 = %broadcast_in_dim3A_246, %scan3A_619 = %broadcast_in_dim3A_246, %scan3A_620 = %broadcast_in_dim3A_246, %scan3A_621 = %broadcast_in_dim3A_246, %scan3A_622 = %broadcast_in_dim3A_246) -> (vector<16xf32>, vector<16xf32>, vector<16xf32>, vector<16xf32>, vector<16xf32>, vector<16xf32>, vector<16xf32>, vector<16xf32>, vector<16xf32>, vector<16xf32>, vector<16xf32>, vector<16xf32>, vector<16xf32>, vector<16xf32>, vector<16xf32>, vector<16xf32>)  : i32 {
          %add3A_623 = vector.broadcast %scan3A_606 : i32 to vector<16xi32>
          %add3A_624 = arith.addi %iota3A, %add3A_623 : vector<16xi32>
          %and3A = arith.constant 63 : i32
          %and3A_625 = vector.broadcast %and3A : i32 to vector<16xi32>
          %and3A_626 = arith.andi %add3A_624, %and3A_625 : vector<16xi32>
          %gather3A = tpu.vector_load_idx %arg8[%broadcast_in_dim3A, %add3A_202, %and3A_626] : memref<4x256x64xf32, #tpu.memory_space<vmem>>[vector<16xi32>, vector<16xi32>, vector<16xi32>], vector<16xf32>,
          %add3A_627 = arith.addf %scan3A_607, %gather3A : vector<16xf32>
          %mul3A_628 = arith.mulf %gather3A, %gather3A : vector<16xf32>
          %add3A_629 = arith.addf %scan3A_615, %mul3A_628 : vector<16xf32>
          %gather3A_630 = tpu.vector_load_idx %arg8[%broadcast_in_dim3A, %add3A_208, %and3A_626] : memref<4x256x64xf32, #tpu.memory_space<vmem>>[vector<16xi32>, vector<16xi32>, vector<16xi32>], vector<16xf32>,
          %add3A_631 = arith.addf %scan3A_608, %gather3A_630 : vector<16xf32>
          %mul3A_632 = arith.mulf %gather3A_630, %gather3A_630 : vector<16xf32>
          %add3A_633 = arith.addf %scan3A_616, %mul3A_632 : vector<16xf32>
          %gather3A_634 = tpu.vector_load_idx %arg8[%broadcast_in_dim3A, %add3A_214, %and3A_626] : memref<4x256x64xf32, #tpu.memory_space<vmem>>[vector<16xi32>, vector<16xi32>, vector<16xi32>], vector<16xf32>,
          %add3A_635 = arith.addf %scan3A_609, %gather3A_634 : vector<16xf32>
          %mul3A_636 = arith.mulf %gather3A_634, %gather3A_634 : vector<16xf32>
          %add3A_637 = arith.addf %scan3A_617, %mul3A_636 : vector<16xf32>
          %gather3A_638 = tpu.vector_load_idx %arg8[%broadcast_in_dim3A, %add3A_220, %and3A_626] : memref<4x256x64xf32, #tpu.memory_space<vmem>>[vector<16xi32>, vector<16xi32>, vector<16xi32>], vector<16xf32>,
          %add3A_639 = arith.addf %scan3A_610, %gather3A_638 : vector<16xf32>
          %mul3A_640 = arith.mulf %gather3A_638, %gather3A_638 : vector<16xf32>
          %add3A_641 = arith.addf %scan3A_618, %mul3A_640 : vector<16xf32>
          %gather3A_642 = tpu.vector_load_idx %arg8[%broadcast_in_dim3A, %add3A_226, %and3A_626] : memref<4x256x64xf32, #tpu.memory_space<vmem>>[vector<16xi32>, vector<16xi32>, vector<16xi32>], vector<16xf32>,
          %add3A_643 = arith.addf %scan3A_611, %gather3A_642 : vector<16xf32>
          %mul3A_644 = arith.mulf %gather3A_642, %gather3A_642 : vector<16xf32>
          %add3A_645 = arith.addf %scan3A_619, %mul3A_644 : vector<16xf32>
          %gather3A_646 = tpu.vector_load_idx %arg8[%broadcast_in_dim3A, %add3A_232, %and3A_626] : memref<4x256x64xf32, #tpu.memory_space<vmem>>[vector<16xi32>, vector<16xi32>, vector<16xi32>], vector<16xf32>,
          %add3A_647 = arith.addf %scan3A_612, %gather3A_646 : vector<16xf32>
          %mul3A_648 = arith.mulf %gather3A_646, %gather3A_646 : vector<16xf32>
          %add3A_649 = arith.addf %scan3A_620, %mul3A_648 : vector<16xf32>
          %gather3A_650 = tpu.vector_load_idx %arg8[%broadcast_in_dim3A, %add3A_238, %and3A_626] : memref<4x256x64xf32, #tpu.memory_space<vmem>>[vector<16xi32>, vector<16xi32>, vector<16xi32>], vector<16xf32>,
          %add3A_651 = arith.addf %scan3A_613, %gather3A_650 : vector<16xf32>
          %mul3A_652 = arith.mulf %gather3A_650, %gather3A_650 : vector<16xf32>
          %add3A_653 = arith.addf %scan3A_621, %mul3A_652 : vector<16xf32>
          %gather3A_654 = tpu.vector_load_idx %arg8[%broadcast_in_dim3A, %add3A_244, %and3A_626] : memref<4x256x64xf32, #tpu.memory_space<vmem>>[vector<16xi32>, vector<16xi32>, vector<16xi32>], vector<16xf32>,
          %add3A_655 = arith.addf %scan3A_614, %gather3A_654 : vector<16xf32>
          %mul3A_656 = arith.mulf %gather3A_654, %gather3A_654 : vector<16xf32>
          %add3A_657 = arith.addf %scan3A_622, %mul3A_656 : vector<16xf32>
          scf.yield %add3A_627, %add3A_631, %add3A_635, %add3A_639, %add3A_643, %add3A_647, %add3A_651, %add3A_655, %add3A_629, %add3A_633, %add3A_637, %add3A_641, %add3A_645, %add3A_649, %add3A_653, %add3A_657 : vector<16xf32>, vector<16xf32>, vector<16xf32>, vector<16xf32>, vector<16xf32>, vector<16xf32>, vector<16xf32>, vector<16xf32>, vector<16xf32>, vector<16xf32>, vector<16xf32>, vector<16xf32>, vector<16xf32>, vector<16xf32>, vector<16xf32>, vector<16xf32>
        }
        %scan3A_252 = arith.constant 64 : i32
        %mul3A_253 = arith.constant 1.562500e-02 : f32
        %mul3A_254 = vector.broadcast %mul3A_253 : f32 to vector<16xf32>
        %mul3A_255 = arith.mulf %scan3A_251#0, %mul3A_254 : vector<16xf32>
        %mul3A_256 = arith.constant 1.562500e-02 : f32
        %mul3A_257 = vector.broadcast %mul3A_256 : f32 to vector<16xf32>
        %mul3A_258 = arith.mulf %scan3A_251#8, %mul3A_257 : vector<16xf32>
        %mul3A_259 = arith.mulf %mul3A_255, %mul3A_255 : vector<16xf32>
        %sub3A = arith.subf %mul3A_258, %mul3A_259 : vector<16xf32>
        %max3A = arith.constant 0.000000e+00 : f32
        %max3A_260 = vector.broadcast %max3A : f32 to vector<16xf32>
        %max3A_261 = arith.maximumf %sub3A, %max3A_260 : vector<16xf32>
        %add3A_262 = arith.constant 9.99999996E-13 : f32
        %add3A_263 = vector.broadcast %add3A_262 : f32 to vector<16xf32>
        %add3A_264 = arith.addf %max3A_261, %add3A_263 : vector<16xf32>
        %bitcast3A = vector.bitcast %add3A_264 : vector<16xf32> to vector<16xi32>
        %shift_right_logical3A = arith.constant 1 : i32
        %shift_right_logical3A_265 = vector.broadcast %shift_right_logical3A : i32 to vector<16xi32>
        %shift_right_logical3A_266 = arith.shrui %bitcast3A, %shift_right_logical3A_265 : vector<16xi32>
        %sub3A_267 = arith.constant 1597463007 : i32
        %sub3A_268 = vector.broadcast %sub3A_267 : i32 to vector<16xi32>
        %sub3A_269 = arith.subi %sub3A_268, %shift_right_logical3A_266 : vector<16xi32>
        %bitcast3A_270 = vector.bitcast %sub3A_269 : vector<16xi32> to vector<16xf32>
        %mul3A_271 = arith.constant 5.000000e-01 : f32
        %mul3A_272 = vector.broadcast %mul3A_271 : f32 to vector<16xf32>
        %mul3A_273 = arith.mulf %mul3A_272, %add3A_264 : vector<16xf32>
        %mul3A_274 = arith.mulf %bitcast3A_270, %bitcast3A_270 : vector<16xf32>
        %mul3A_275 = arith.mulf %mul3A_273, %mul3A_274 : vector<16xf32>
        %sub3A_276 = arith.constant 1.500000e+00 : f32
        %sub3A_277 = vector.broadcast %sub3A_276 : f32 to vector<16xf32>
        %sub3A_278 = arith.subf %sub3A_277, %mul3A_275 : vector<16xf32>
        %mul3A_279 = arith.mulf %bitcast3A_270, %sub3A_278 : vector<16xf32>
        %mul3A_280 = arith.constant 5.000000e-01 : f32
        %mul3A_281 = vector.broadcast %mul3A_280 : f32 to vector<16xf32>
        %mul3A_282 = arith.mulf %mul3A_281, %add3A_264 : vector<16xf32>
        %mul3A_283 = arith.mulf %mul3A_279, %mul3A_279 : vector<16xf32>
        %mul3A_284 = arith.mulf %mul3A_282, %mul3A_283 : vector<16xf32>
        %sub3A_285 = arith.constant 1.500000e+00 : f32
        %sub3A_286 = vector.broadcast %sub3A_285 : f32 to vector<16xf32>
        %sub3A_287 = arith.subf %sub3A_286, %mul3A_284 : vector<16xf32>
        %mul3A_288 = arith.mulf %mul3A_279, %sub3A_287 : vector<16xf32>
        %neg3A = arith.constant 0.000000e+00 : f32
        %neg3A_289 = vector.broadcast %neg3A : f32 to vector<16xf32>
        %neg3A_290 = arith.subf %neg3A_289, %mul3A_255 : vector<16xf32>
        %mul3A_291 = arith.mulf %neg3A_290, %mul3A_288 : vector<16xf32>
        %mul3A_292 = arith.constant 1.562500e-02 : f32
        %mul3A_293 = vector.broadcast %mul3A_292 : f32 to vector<16xf32>
        %mul3A_294 = arith.mulf %scan3A_251#1, %mul3A_293 : vector<16xf32>
        %mul3A_295 = arith.constant 1.562500e-02 : f32
        %mul3A_296 = vector.broadcast %mul3A_295 : f32 to vector<16xf32>
        %mul3A_297 = arith.mulf %scan3A_251#9, %mul3A_296 : vector<16xf32>
        %mul3A_298 = arith.mulf %mul3A_294, %mul3A_294 : vector<16xf32>
        %sub3A_299 = arith.subf %mul3A_297, %mul3A_298 : vector<16xf32>
        %max3A_300 = arith.constant 0.000000e+00 : f32
        %max3A_301 = vector.broadcast %max3A_300 : f32 to vector<16xf32>
        %max3A_302 = arith.maximumf %sub3A_299, %max3A_301 : vector<16xf32>
        %add3A_303 = arith.constant 9.99999996E-13 : f32
        %add3A_304 = vector.broadcast %add3A_303 : f32 to vector<16xf32>
        %add3A_305 = arith.addf %max3A_302, %add3A_304 : vector<16xf32>
        %bitcast3A_306 = vector.bitcast %add3A_305 : vector<16xf32> to vector<16xi32>
        %shift_right_logical3A_307 = arith.constant 1 : i32
        %shift_right_logical3A_308 = vector.broadcast %shift_right_logical3A_307 : i32 to vector<16xi32>
        %shift_right_logical3A_309 = arith.shrui %bitcast3A_306, %shift_right_logical3A_308 : vector<16xi32>
        %sub3A_310 = arith.constant 1597463007 : i32
        %sub3A_311 = vector.broadcast %sub3A_310 : i32 to vector<16xi32>
        %sub3A_312 = arith.subi %sub3A_311, %shift_right_logical3A_309 : vector<16xi32>
        %bitcast3A_313 = vector.bitcast %sub3A_312 : vector<16xi32> to vector<16xf32>
        %mul3A_314 = arith.constant 5.000000e-01 : f32
        %mul3A_315 = vector.broadcast %mul3A_314 : f32 to vector<16xf32>
        %mul3A_316 = arith.mulf %mul3A_315, %add3A_305 : vector<16xf32>
        %mul3A_317 = arith.mulf %bitcast3A_313, %bitcast3A_313 : vector<16xf32>
        %mul3A_318 = arith.mulf %mul3A_316, %mul3A_317 : vector<16xf32>
        %sub3A_319 = arith.constant 1.500000e+00 : f32
        %sub3A_320 = vector.broadcast %sub3A_319 : f32 to vector<16xf32>
        %sub3A_321 = arith.subf %sub3A_320, %mul3A_318 : vector<16xf32>
        %mul3A_322 = arith.mulf %bitcast3A_313, %sub3A_321 : vector<16xf32>
        %mul3A_323 = arith.constant 5.000000e-01 : f32
        %mul3A_324 = vector.broadcast %mul3A_323 : f32 to vector<16xf32>
        %mul3A_325 = arith.mulf %mul3A_324, %add3A_305 : vector<16xf32>
        %mul3A_326 = arith.mulf %mul3A_322, %mul3A_322 : vector<16xf32>
        %mul3A_327 = arith.mulf %mul3A_325, %mul3A_326 : vector<16xf32>
        %sub3A_328 = arith.constant 1.500000e+00 : f32
        %sub3A_329 = vector.broadcast %sub3A_328 : f32 to vector<16xf32>
        %sub3A_330 = arith.subf %sub3A_329, %mul3A_327 : vector<16xf32>
        %mul3A_331 = arith.mulf %mul3A_322, %sub3A_330 : vector<16xf32>
        %neg3A_332 = arith.constant 0.000000e+00 : f32
        %neg3A_333 = vector.broadcast %neg3A_332 : f32 to vector<16xf32>
        %neg3A_334 = arith.subf %neg3A_333, %mul3A_294 : vector<16xf32>
        %mul3A_335 = arith.mulf %neg3A_334, %mul3A_331 : vector<16xf32>
        %mul3A_336 = arith.constant 1.562500e-02 : f32
        %mul3A_337 = vector.broadcast %mul3A_336 : f32 to vector<16xf32>
        %mul3A_338 = arith.mulf %scan3A_251#2, %mul3A_337 : vector<16xf32>
        %mul3A_339 = arith.constant 1.562500e-02 : f32
        %mul3A_340 = vector.broadcast %mul3A_339 : f32 to vector<16xf32>
        %mul3A_341 = arith.mulf %scan3A_251#10, %mul3A_340 : vector<16xf32>
        %mul3A_342 = arith.mulf %mul3A_338, %mul3A_338 : vector<16xf32>
        %sub3A_343 = arith.subf %mul3A_341, %mul3A_342 : vector<16xf32>
        %max3A_344 = arith.constant 0.000000e+00 : f32
        %max3A_345 = vector.broadcast %max3A_344 : f32 to vector<16xf32>
        %max3A_346 = arith.maximumf %sub3A_343, %max3A_345 : vector<16xf32>
        %add3A_347 = arith.constant 9.99999996E-13 : f32
        %add3A_348 = vector.broadcast %add3A_347 : f32 to vector<16xf32>
        %add3A_349 = arith.addf %max3A_346, %add3A_348 : vector<16xf32>
        %bitcast3A_350 = vector.bitcast %add3A_349 : vector<16xf32> to vector<16xi32>
        %shift_right_logical3A_351 = arith.constant 1 : i32
        %shift_right_logical3A_352 = vector.broadcast %shift_right_logical3A_351 : i32 to vector<16xi32>
        %shift_right_logical3A_353 = arith.shrui %bitcast3A_350, %shift_right_logical3A_352 : vector<16xi32>
        %sub3A_354 = arith.constant 1597463007 : i32
        %sub3A_355 = vector.broadcast %sub3A_354 : i32 to vector<16xi32>
        %sub3A_356 = arith.subi %sub3A_355, %shift_right_logical3A_353 : vector<16xi32>
        %bitcast3A_357 = vector.bitcast %sub3A_356 : vector<16xi32> to vector<16xf32>
        %mul3A_358 = arith.constant 5.000000e-01 : f32
        %mul3A_359 = vector.broadcast %mul3A_358 : f32 to vector<16xf32>
        %mul3A_360 = arith.mulf %mul3A_359, %add3A_349 : vector<16xf32>
        %mul3A_361 = arith.mulf %bitcast3A_357, %bitcast3A_357 : vector<16xf32>
        %mul3A_362 = arith.mulf %mul3A_360, %mul3A_361 : vector<16xf32>
        %sub3A_363 = arith.constant 1.500000e+00 : f32
        %sub3A_364 = vector.broadcast %sub3A_363 : f32 to vector<16xf32>
        %sub3A_365 = arith.subf %sub3A_364, %mul3A_362 : vector<16xf32>
        %mul3A_366 = arith.mulf %bitcast3A_357, %sub3A_365 : vector<16xf32>
        %mul3A_367 = arith.constant 5.000000e-01 : f32
        %mul3A_368 = vector.broadcast %mul3A_367 : f32 to vector<16xf32>
        %mul3A_369 = arith.mulf %mul3A_368, %add3A_349 : vector<16xf32>
        %mul3A_370 = arith.mulf %mul3A_366, %mul3A_366 : vector<16xf32>
        %mul3A_371 = arith.mulf %mul3A_369, %mul3A_370 : vector<16xf32>
        %sub3A_372 = arith.constant 1.500000e+00 : f32
        %sub3A_373 = vector.broadcast %sub3A_372 : f32 to vector<16xf32>
        %sub3A_374 = arith.subf %sub3A_373, %mul3A_371 : vector<16xf32>
        %mul3A_375 = arith.mulf %mul3A_366, %sub3A_374 : vector<16xf32>
        %neg3A_376 = arith.constant 0.000000e+00 : f32
        %neg3A_377 = vector.broadcast %neg3A_376 : f32 to vector<16xf32>
        %neg3A_378 = arith.subf %neg3A_377, %mul3A_338 : vector<16xf32>
        %mul3A_379 = arith.mulf %neg3A_378, %mul3A_375 : vector<16xf32>
        %mul3A_380 = arith.constant 1.562500e-02 : f32
        %mul3A_381 = vector.broadcast %mul3A_380 : f32 to vector<16xf32>
        %mul3A_382 = arith.mulf %scan3A_251#3, %mul3A_381 : vector<16xf32>
        %mul3A_383 = arith.constant 1.562500e-02 : f32
        %mul3A_384 = vector.broadcast %mul3A_383 : f32 to vector<16xf32>
        %mul3A_385 = arith.mulf %scan3A_251#11, %mul3A_384 : vector<16xf32>
        %mul3A_386 = arith.mulf %mul3A_382, %mul3A_382 : vector<16xf32>
        %sub3A_387 = arith.subf %mul3A_385, %mul3A_386 : vector<16xf32>
        %max3A_388 = arith.constant 0.000000e+00 : f32
        %max3A_389 = vector.broadcast %max3A_388 : f32 to vector<16xf32>
        %max3A_390 = arith.maximumf %sub3A_387, %max3A_389 : vector<16xf32>
        %add3A_391 = arith.constant 9.99999996E-13 : f32
        %add3A_392 = vector.broadcast %add3A_391 : f32 to vector<16xf32>
        %add3A_393 = arith.addf %max3A_390, %add3A_392 : vector<16xf32>
        %bitcast3A_394 = vector.bitcast %add3A_393 : vector<16xf32> to vector<16xi32>
        %shift_right_logical3A_395 = arith.constant 1 : i32
        %shift_right_logical3A_396 = vector.broadcast %shift_right_logical3A_395 : i32 to vector<16xi32>
        %shift_right_logical3A_397 = arith.shrui %bitcast3A_394, %shift_right_logical3A_396 : vector<16xi32>
        %sub3A_398 = arith.constant 1597463007 : i32
        %sub3A_399 = vector.broadcast %sub3A_398 : i32 to vector<16xi32>
        %sub3A_400 = arith.subi %sub3A_399, %shift_right_logical3A_397 : vector<16xi32>
        %bitcast3A_401 = vector.bitcast %sub3A_400 : vector<16xi32> to vector<16xf32>
        %mul3A_402 = arith.constant 5.000000e-01 : f32
        %mul3A_403 = vector.broadcast %mul3A_402 : f32 to vector<16xf32>
        %mul3A_404 = arith.mulf %mul3A_403, %add3A_393 : vector<16xf32>
        %mul3A_405 = arith.mulf %bitcast3A_401, %bitcast3A_401 : vector<16xf32>
        %mul3A_406 = arith.mulf %mul3A_404, %mul3A_405 : vector<16xf32>
        %sub3A_407 = arith.constant 1.500000e+00 : f32
        %sub3A_408 = vector.broadcast %sub3A_407 : f32 to vector<16xf32>
        %sub3A_409 = arith.subf %sub3A_408, %mul3A_406 : vector<16xf32>
        %mul3A_410 = arith.mulf %bitcast3A_401, %sub3A_409 : vector<16xf32>
        %mul3A_411 = arith.constant 5.000000e-01 : f32
        %mul3A_412 = vector.broadcast %mul3A_411 : f32 to vector<16xf32>
        %mul3A_413 = arith.mulf %mul3A_412, %add3A_393 : vector<16xf32>
        %mul3A_414 = arith.mulf %mul3A_410, %mul3A_410 : vector<16xf32>
        %mul3A_415 = arith.mulf %mul3A_413, %mul3A_414 : vector<16xf32>
        %sub3A_416 = arith.constant 1.500000e+00 : f32
        %sub3A_417 = vector.broadcast %sub3A_416 : f32 to vector<16xf32>
        %sub3A_418 = arith.subf %sub3A_417, %mul3A_415 : vector<16xf32>
        %mul3A_419 = arith.mulf %mul3A_410, %sub3A_418 : vector<16xf32>
        %neg3A_420 = arith.constant 0.000000e+00 : f32
        %neg3A_421 = vector.broadcast %neg3A_420 : f32 to vector<16xf32>
        %neg3A_422 = arith.subf %neg3A_421, %mul3A_382 : vector<16xf32>
        %mul3A_423 = arith.mulf %neg3A_422, %mul3A_419 : vector<16xf32>
        %mul3A_424 = arith.constant 1.562500e-02 : f32
        %mul3A_425 = vector.broadcast %mul3A_424 : f32 to vector<16xf32>
        %mul3A_426 = arith.mulf %scan3A_251#4, %mul3A_425 : vector<16xf32>
        %mul3A_427 = arith.constant 1.562500e-02 : f32
        %mul3A_428 = vector.broadcast %mul3A_427 : f32 to vector<16xf32>
        %mul3A_429 = arith.mulf %scan3A_251#12, %mul3A_428 : vector<16xf32>
        %mul3A_430 = arith.mulf %mul3A_426, %mul3A_426 : vector<16xf32>
        %sub3A_431 = arith.subf %mul3A_429, %mul3A_430 : vector<16xf32>
        %max3A_432 = arith.constant 0.000000e+00 : f32
        %max3A_433 = vector.broadcast %max3A_432 : f32 to vector<16xf32>
        %max3A_434 = arith.maximumf %sub3A_431, %max3A_433 : vector<16xf32>
        %add3A_435 = arith.constant 9.99999996E-13 : f32
        %add3A_436 = vector.broadcast %add3A_435 : f32 to vector<16xf32>
        %add3A_437 = arith.addf %max3A_434, %add3A_436 : vector<16xf32>
        %bitcast3A_438 = vector.bitcast %add3A_437 : vector<16xf32> to vector<16xi32>
        %shift_right_logical3A_439 = arith.constant 1 : i32
        %shift_right_logical3A_440 = vector.broadcast %shift_right_logical3A_439 : i32 to vector<16xi32>
        %shift_right_logical3A_441 = arith.shrui %bitcast3A_438, %shift_right_logical3A_440 : vector<16xi32>
        %sub3A_442 = arith.constant 1597463007 : i32
        %sub3A_443 = vector.broadcast %sub3A_442 : i32 to vector<16xi32>
        %sub3A_444 = arith.subi %sub3A_443, %shift_right_logical3A_441 : vector<16xi32>
        %bitcast3A_445 = vector.bitcast %sub3A_444 : vector<16xi32> to vector<16xf32>
        %mul3A_446 = arith.constant 5.000000e-01 : f32
        %mul3A_447 = vector.broadcast %mul3A_446 : f32 to vector<16xf32>
        %mul3A_448 = arith.mulf %mul3A_447, %add3A_437 : vector<16xf32>
        %mul3A_449 = arith.mulf %bitcast3A_445, %bitcast3A_445 : vector<16xf32>
        %mul3A_450 = arith.mulf %mul3A_448, %mul3A_449 : vector<16xf32>
        %sub3A_451 = arith.constant 1.500000e+00 : f32
        %sub3A_452 = vector.broadcast %sub3A_451 : f32 to vector<16xf32>
        %sub3A_453 = arith.subf %sub3A_452, %mul3A_450 : vector<16xf32>
        %mul3A_454 = arith.mulf %bitcast3A_445, %sub3A_453 : vector<16xf32>
        %mul3A_455 = arith.constant 5.000000e-01 : f32
        %mul3A_456 = vector.broadcast %mul3A_455 : f32 to vector<16xf32>
        %mul3A_457 = arith.mulf %mul3A_456, %add3A_437 : vector<16xf32>
        %mul3A_458 = arith.mulf %mul3A_454, %mul3A_454 : vector<16xf32>
        %mul3A_459 = arith.mulf %mul3A_457, %mul3A_458 : vector<16xf32>
        %sub3A_460 = arith.constant 1.500000e+00 : f32
        %sub3A_461 = vector.broadcast %sub3A_460 : f32 to vector<16xf32>
        %sub3A_462 = arith.subf %sub3A_461, %mul3A_459 : vector<16xf32>
        %mul3A_463 = arith.mulf %mul3A_454, %sub3A_462 : vector<16xf32>
        %neg3A_464 = arith.constant 0.000000e+00 : f32
        %neg3A_465 = vector.broadcast %neg3A_464 : f32 to vector<16xf32>
        %neg3A_466 = arith.subf %neg3A_465, %mul3A_426 : vector<16xf32>
        %mul3A_467 = arith.mulf %neg3A_466, %mul3A_463 : vector<16xf32>
        %mul3A_468 = arith.constant 1.562500e-02 : f32
        %mul3A_469 = vector.broadcast %mul3A_468 : f32 to vector<16xf32>
        %mul3A_470 = arith.mulf %scan3A_251#5, %mul3A_469 : vector<16xf32>
        %mul3A_471 = arith.constant 1.562500e-02 : f32
        %mul3A_472 = vector.broadcast %mul3A_471 : f32 to vector<16xf32>
        %mul3A_473 = arith.mulf %scan3A_251#13, %mul3A_472 : vector<16xf32>
        %mul3A_474 = arith.mulf %mul3A_470, %mul3A_470 : vector<16xf32>
        %sub3A_475 = arith.subf %mul3A_473, %mul3A_474 : vector<16xf32>
        %max3A_476 = arith.constant 0.000000e+00 : f32
        %max3A_477 = vector.broadcast %max3A_476 : f32 to vector<16xf32>
        %max3A_478 = arith.maximumf %sub3A_475, %max3A_477 : vector<16xf32>
        %add3A_479 = arith.constant 9.99999996E-13 : f32
        %add3A_480 = vector.broadcast %add3A_479 : f32 to vector<16xf32>
        %add3A_481 = arith.addf %max3A_478, %add3A_480 : vector<16xf32>
        %bitcast3A_482 = vector.bitcast %add3A_481 : vector<16xf32> to vector<16xi32>
        %shift_right_logical3A_483 = arith.constant 1 : i32
        %shift_right_logical3A_484 = vector.broadcast %shift_right_logical3A_483 : i32 to vector<16xi32>
        %shift_right_logical3A_485 = arith.shrui %bitcast3A_482, %shift_right_logical3A_484 : vector<16xi32>
        %sub3A_486 = arith.constant 1597463007 : i32
        %sub3A_487 = vector.broadcast %sub3A_486 : i32 to vector<16xi32>
        %sub3A_488 = arith.subi %sub3A_487, %shift_right_logical3A_485 : vector<16xi32>
        %bitcast3A_489 = vector.bitcast %sub3A_488 : vector<16xi32> to vector<16xf32>
        %mul3A_490 = arith.constant 5.000000e-01 : f32
        %mul3A_491 = vector.broadcast %mul3A_490 : f32 to vector<16xf32>
        %mul3A_492 = arith.mulf %mul3A_491, %add3A_481 : vector<16xf32>
        %mul3A_493 = arith.mulf %bitcast3A_489, %bitcast3A_489 : vector<16xf32>
        %mul3A_494 = arith.mulf %mul3A_492, %mul3A_493 : vector<16xf32>
        %sub3A_495 = arith.constant 1.500000e+00 : f32
        %sub3A_496 = vector.broadcast %sub3A_495 : f32 to vector<16xf32>
        %sub3A_497 = arith.subf %sub3A_496, %mul3A_494 : vector<16xf32>
        %mul3A_498 = arith.mulf %bitcast3A_489, %sub3A_497 : vector<16xf32>
        %mul3A_499 = arith.constant 5.000000e-01 : f32
        %mul3A_500 = vector.broadcast %mul3A_499 : f32 to vector<16xf32>
        %mul3A_501 = arith.mulf %mul3A_500, %add3A_481 : vector<16xf32>
        %mul3A_502 = arith.mulf %mul3A_498, %mul3A_498 : vector<16xf32>
        %mul3A_503 = arith.mulf %mul3A_501, %mul3A_502 : vector<16xf32>
        %sub3A_504 = arith.constant 1.500000e+00 : f32
        %sub3A_505 = vector.broadcast %sub3A_504 : f32 to vector<16xf32>
        %sub3A_506 = arith.subf %sub3A_505, %mul3A_503 : vector<16xf32>
        %mul3A_507 = arith.mulf %mul3A_498, %sub3A_506 : vector<16xf32>
        %neg3A_508 = arith.constant 0.000000e+00 : f32
        %neg3A_509 = vector.broadcast %neg3A_508 : f32 to vector<16xf32>
        %neg3A_510 = arith.subf %neg3A_509, %mul3A_470 : vector<16xf32>
        %mul3A_511 = arith.mulf %neg3A_510, %mul3A_507 : vector<16xf32>
        %mul3A_512 = arith.constant 1.562500e-02 : f32
        %mul3A_513 = vector.broadcast %mul3A_512 : f32 to vector<16xf32>
        %mul3A_514 = arith.mulf %scan3A_251#6, %mul3A_513 : vector<16xf32>
        %mul3A_515 = arith.constant 1.562500e-02 : f32
        %mul3A_516 = vector.broadcast %mul3A_515 : f32 to vector<16xf32>
        %mul3A_517 = arith.mulf %scan3A_251#14, %mul3A_516 : vector<16xf32>
        %mul3A_518 = arith.mulf %mul3A_514, %mul3A_514 : vector<16xf32>
        %sub3A_519 = arith.subf %mul3A_517, %mul3A_518 : vector<16xf32>
        %max3A_520 = arith.constant 0.000000e+00 : f32
        %max3A_521 = vector.broadcast %max3A_520 : f32 to vector<16xf32>
        %max3A_522 = arith.maximumf %sub3A_519, %max3A_521 : vector<16xf32>
        %add3A_523 = arith.constant 9.99999996E-13 : f32
        %add3A_524 = vector.broadcast %add3A_523 : f32 to vector<16xf32>
        %add3A_525 = arith.addf %max3A_522, %add3A_524 : vector<16xf32>
        %bitcast3A_526 = vector.bitcast %add3A_525 : vector<16xf32> to vector<16xi32>
        %shift_right_logical3A_527 = arith.constant 1 : i32
        %shift_right_logical3A_528 = vector.broadcast %shift_right_logical3A_527 : i32 to vector<16xi32>
        %shift_right_logical3A_529 = arith.shrui %bitcast3A_526, %shift_right_logical3A_528 : vector<16xi32>
        %sub3A_530 = arith.constant 1597463007 : i32
        %sub3A_531 = vector.broadcast %sub3A_530 : i32 to vector<16xi32>
        %sub3A_532 = arith.subi %sub3A_531, %shift_right_logical3A_529 : vector<16xi32>
        %bitcast3A_533 = vector.bitcast %sub3A_532 : vector<16xi32> to vector<16xf32>
        %mul3A_534 = arith.constant 5.000000e-01 : f32
        %mul3A_535 = vector.broadcast %mul3A_534 : f32 to vector<16xf32>
        %mul3A_536 = arith.mulf %mul3A_535, %add3A_525 : vector<16xf32>
        %mul3A_537 = arith.mulf %bitcast3A_533, %bitcast3A_533 : vector<16xf32>
        %mul3A_538 = arith.mulf %mul3A_536, %mul3A_537 : vector<16xf32>
        %sub3A_539 = arith.constant 1.500000e+00 : f32
        %sub3A_540 = vector.broadcast %sub3A_539 : f32 to vector<16xf32>
        %sub3A_541 = arith.subf %sub3A_540, %mul3A_538 : vector<16xf32>
        %mul3A_542 = arith.mulf %bitcast3A_533, %sub3A_541 : vector<16xf32>
        %mul3A_543 = arith.constant 5.000000e-01 : f32
        %mul3A_544 = vector.broadcast %mul3A_543 : f32 to vector<16xf32>
        %mul3A_545 = arith.mulf %mul3A_544, %add3A_525 : vector<16xf32>
        %mul3A_546 = arith.mulf %mul3A_542, %mul3A_542 : vector<16xf32>
        %mul3A_547 = arith.mulf %mul3A_545, %mul3A_546 : vector<16xf32>
        %sub3A_548 = arith.constant 1.500000e+00 : f32
        %sub3A_549 = vector.broadcast %sub3A_548 : f32 to vector<16xf32>
        %sub3A_550 = arith.subf %sub3A_549, %mul3A_547 : vector<16xf32>
        %mul3A_551 = arith.mulf %mul3A_542, %sub3A_550 : vector<16xf32>
        %neg3A_552 = arith.constant 0.000000e+00 : f32
        %neg3A_553 = vector.broadcast %neg3A_552 : f32 to vector<16xf32>
        %neg3A_554 = arith.subf %neg3A_553, %mul3A_514 : vector<16xf32>
        %mul3A_555 = arith.mulf %neg3A_554, %mul3A_551 : vector<16xf32>
        %mul3A_556 = arith.constant 1.562500e-02 : f32
        %mul3A_557 = vector.broadcast %mul3A_556 : f32 to vector<16xf32>
        %mul3A_558 = arith.mulf %scan3A_251#7, %mul3A_557 : vector<16xf32>
        %mul3A_559 = arith.constant 1.562500e-02 : f32
        %mul3A_560 = vector.broadcast %mul3A_559 : f32 to vector<16xf32>
        %mul3A_561 = arith.mulf %scan3A_251#15, %mul3A_560 : vector<16xf32>
        %mul3A_562 = arith.mulf %mul3A_558, %mul3A_558 : vector<16xf32>
        %sub3A_563 = arith.subf %mul3A_561, %mul3A_562 : vector<16xf32>
        %max3A_564 = arith.constant 0.000000e+00 : f32
        %max3A_565 = vector.broadcast %max3A_564 : f32 to vector<16xf32>
        %max3A_566 = arith.maximumf %sub3A_563, %max3A_565 : vector<16xf32>
        %add3A_567 = arith.constant 9.99999996E-13 : f32
        %add3A_568 = vector.broadcast %add3A_567 : f32 to vector<16xf32>
        %add3A_569 = arith.addf %max3A_566, %add3A_568 : vector<16xf32>
        %bitcast3A_570 = vector.bitcast %add3A_569 : vector<16xf32> to vector<16xi32>
        %shift_right_logical3A_571 = arith.constant 1 : i32
        %shift_right_logical3A_572 = vector.broadcast %shift_right_logical3A_571 : i32 to vector<16xi32>
        %shift_right_logical3A_573 = arith.shrui %bitcast3A_570, %shift_right_logical3A_572 : vector<16xi32>
        %sub3A_574 = arith.constant 1597463007 : i32
        %sub3A_575 = vector.broadcast %sub3A_574 : i32 to vector<16xi32>
        %sub3A_576 = arith.subi %sub3A_575, %shift_right_logical3A_573 : vector<16xi32>
        %bitcast3A_577 = vector.bitcast %sub3A_576 : vector<16xi32> to vector<16xf32>
        %mul3A_578 = arith.constant 5.000000e-01 : f32
        %mul3A_579 = vector.broadcast %mul3A_578 : f32 to vector<16xf32>
        %mul3A_580 = arith.mulf %mul3A_579, %add3A_569 : vector<16xf32>
        %mul3A_581 = arith.mulf %bitcast3A_577, %bitcast3A_577 : vector<16xf32>
        %mul3A_582 = arith.mulf %mul3A_580, %mul3A_581 : vector<16xf32>
        %sub3A_583 = arith.constant 1.500000e+00 : f32
        %sub3A_584 = vector.broadcast %sub3A_583 : f32 to vector<16xf32>
        %sub3A_585 = arith.subf %sub3A_584, %mul3A_582 : vector<16xf32>
        %mul3A_586 = arith.mulf %bitcast3A_577, %sub3A_585 : vector<16xf32>
        %mul3A_587 = arith.constant 5.000000e-01 : f32
        %mul3A_588 = vector.broadcast %mul3A_587 : f32 to vector<16xf32>
        %mul3A_589 = arith.mulf %mul3A_588, %add3A_569 : vector<16xf32>
        %mul3A_590 = arith.mulf %mul3A_586, %mul3A_586 : vector<16xf32>
        %mul3A_591 = arith.mulf %mul3A_589, %mul3A_590 : vector<16xf32>
        %sub3A_592 = arith.constant 1.500000e+00 : f32
        %sub3A_593 = vector.broadcast %sub3A_592 : f32 to vector<16xf32>
        %sub3A_594 = arith.subf %sub3A_593, %mul3A_591 : vector<16xf32>
        %mul3A_595 = arith.mulf %mul3A_586, %sub3A_594 : vector<16xf32>
        %neg3A_596 = arith.constant 0.000000e+00 : f32
        %neg3A_597 = vector.broadcast %neg3A_596 : f32 to vector<16xf32>
        %neg3A_598 = arith.subf %neg3A_597, %mul3A_558 : vector<16xf32>
        %mul3A_599 = arith.mulf %neg3A_598, %mul3A_595 : vector<16xf32>
        %scan3A_600 = arith.constant 0 : i32
        %scan3A_601 = arith.constant 0 : i32
        %scan3A_602 = arith.constant 64 : i32
        %scan3A_603 = arith.addi %scan3A_601, %scan3A_602 : i32
        %scan3A_604 = arith.constant 1 : i32
        scf.for %scan3A_606 = %scan3A_601 to %scan3A_603 step %scan3A_604  : i32 {
          %add3A_607 = vector.broadcast %scan3A_606 : i32 to vector<16xi32>
          %add3A_608 = arith.addi %iota3A, %add3A_607 : vector<16xi32>
          %and3A = arith.constant 63 : i32
          %and3A_609 = vector.broadcast %and3A : i32 to vector<16xi32>
          %and3A_610 = arith.andi %add3A_608, %and3A_609 : vector<16xi32>
          %gather3A = tpu.vector_load_idx %arg10[%and3A_610] : memref<64xf32, #tpu.memory_space<vmem>>[vector<16xi32>], vector<16xf32>,
          %gather3A_611 = tpu.vector_load_idx %arg11[%and3A_610] : memref<64xf32, #tpu.memory_space<vmem>>[vector<16xi32>], vector<16xf32>,
          %gather3A_612 = tpu.vector_load_idx %arg8[%broadcast_in_dim3A, %add3A_202, %and3A_610] : memref<4x256x64xf32, #tpu.memory_space<vmem>>[vector<16xi32>, vector<16xi32>, vector<16xi32>], vector<16xf32>,
          %gather3A_613 = tpu.vector_load_idx %arg8[%broadcast_in_dim3A, %add3A_208, %and3A_610] : memref<4x256x64xf32, #tpu.memory_space<vmem>>[vector<16xi32>, vector<16xi32>, vector<16xi32>], vector<16xf32>,
          %gather3A_614 = tpu.vector_load_idx %arg8[%broadcast_in_dim3A, %add3A_214, %and3A_610] : memref<4x256x64xf32, #tpu.memory_space<vmem>>[vector<16xi32>, vector<16xi32>, vector<16xi32>], vector<16xf32>,
          %gather3A_615 = tpu.vector_load_idx %arg8[%broadcast_in_dim3A, %add3A_220, %and3A_610] : memref<4x256x64xf32, #tpu.memory_space<vmem>>[vector<16xi32>, vector<16xi32>, vector<16xi32>], vector<16xf32>,
          %gather3A_616 = tpu.vector_load_idx %arg8[%broadcast_in_dim3A, %add3A_226, %and3A_610] : memref<4x256x64xf32, #tpu.memory_space<vmem>>[vector<16xi32>, vector<16xi32>, vector<16xi32>], vector<16xf32>,
          %gather3A_617 = tpu.vector_load_idx %arg8[%broadcast_in_dim3A, %add3A_232, %and3A_610] : memref<4x256x64xf32, #tpu.memory_space<vmem>>[vector<16xi32>, vector<16xi32>, vector<16xi32>], vector<16xf32>,
          %gather3A_618 = tpu.vector_load_idx %arg8[%broadcast_in_dim3A, %add3A_238, %and3A_610] : memref<4x256x64xf32, #tpu.memory_space<vmem>>[vector<16xi32>, vector<16xi32>, vector<16xi32>], vector<16xf32>,
          %gather3A_619 = tpu.vector_load_idx %arg8[%broadcast_in_dim3A, %add3A_244, %and3A_610] : memref<4x256x64xf32, #tpu.memory_space<vmem>>[vector<16xi32>, vector<16xi32>, vector<16xi32>], vector<16xf32>,
          %mul3A_620 = arith.mulf %gather3A_612, %mul3A_288 : vector<16xf32>
          %add3A_621 = arith.addf %mul3A_620, %mul3A_291 : vector<16xf32>
          %mul3A_622 = arith.mulf %add3A_621, %gather3A : vector<16xf32>
          %add3A_623 = arith.addf %mul3A_622, %gather3A_611 : vector<16xf32>
          %mul3A_624 = arith.mulf %gather3A_613, %mul3A_331 : vector<16xf32>
          %add3A_625 = arith.addf %mul3A_624, %mul3A_335 : vector<16xf32>
          %mul3A_626 = arith.mulf %add3A_625, %gather3A : vector<16xf32>
          %add3A_627 = arith.addf %mul3A_626, %gather3A_611 : vector<16xf32>
          %mul3A_628 = arith.mulf %gather3A_614, %mul3A_375 : vector<16xf32>
          %add3A_629 = arith.addf %mul3A_628, %mul3A_379 : vector<16xf32>
          %mul3A_630 = arith.mulf %add3A_629, %gather3A : vector<16xf32>
          %add3A_631 = arith.addf %mul3A_630, %gather3A_611 : vector<16xf32>
          %mul3A_632 = arith.mulf %gather3A_615, %mul3A_419 : vector<16xf32>
          %add3A_633 = arith.addf %mul3A_632, %mul3A_423 : vector<16xf32>
          %mul3A_634 = arith.mulf %add3A_633, %gather3A : vector<16xf32>
          %add3A_635 = arith.addf %mul3A_634, %gather3A_611 : vector<16xf32>
          %mul3A_636 = arith.mulf %gather3A_616, %mul3A_463 : vector<16xf32>
          %add3A_637 = arith.addf %mul3A_636, %mul3A_467 : vector<16xf32>
          %mul3A_638 = arith.mulf %add3A_637, %gather3A : vector<16xf32>
          %add3A_639 = arith.addf %mul3A_638, %gather3A_611 : vector<16xf32>
          %mul3A_640 = arith.mulf %gather3A_617, %mul3A_507 : vector<16xf32>
          %add3A_641 = arith.addf %mul3A_640, %mul3A_511 : vector<16xf32>
          %mul3A_642 = arith.mulf %add3A_641, %gather3A : vector<16xf32>
          %add3A_643 = arith.addf %mul3A_642, %gather3A_611 : vector<16xf32>
          %mul3A_644 = arith.mulf %gather3A_618, %mul3A_551 : vector<16xf32>
          %add3A_645 = arith.addf %mul3A_644, %mul3A_555 : vector<16xf32>
          %mul3A_646 = arith.mulf %add3A_645, %gather3A : vector<16xf32>
          %add3A_647 = arith.addf %mul3A_646, %gather3A_611 : vector<16xf32>
          %mul3A_648 = arith.mulf %gather3A_619, %mul3A_595 : vector<16xf32>
          %add3A_649 = arith.addf %mul3A_648, %mul3A_599 : vector<16xf32>
          %mul3A_650 = arith.mulf %add3A_649, %gather3A : vector<16xf32>
          %add3A_651 = arith.addf %mul3A_650, %gather3A_611 : vector<16xf32>
          tpu.vector_store_idx %arg9[%broadcast_in_dim3A_166, %add3A_202, %and3A_610], %add3A_623 : memref<2x256x64xf32, #tpu.memory_space<vmem>>[vector<16xi32>, vector<16xi32>, vector<16xi32>], vector<16xf32>,
          tpu.vector_store_idx %arg9[%broadcast_in_dim3A_166, %add3A_208, %and3A_610], %add3A_627 : memref<2x256x64xf32, #tpu.memory_space<vmem>>[vector<16xi32>, vector<16xi32>, vector<16xi32>], vector<16xf32>,
          tpu.vector_store_idx %arg9[%broadcast_in_dim3A_166, %add3A_214, %and3A_610], %add3A_631 : memref<2x256x64xf32, #tpu.memory_space<vmem>>[vector<16xi32>, vector<16xi32>, vector<16xi32>], vector<16xf32>,
          tpu.vector_store_idx %arg9[%broadcast_in_dim3A_166, %add3A_220, %and3A_610], %add3A_635 : memref<2x256x64xf32, #tpu.memory_space<vmem>>[vector<16xi32>, vector<16xi32>, vector<16xi32>], vector<16xf32>,
          tpu.vector_store_idx %arg9[%broadcast_in_dim3A_166, %add3A_226, %and3A_610], %add3A_639 : memref<2x256x64xf32, #tpu.memory_space<vmem>>[vector<16xi32>, vector<16xi32>, vector<16xi32>], vector<16xf32>,
          tpu.vector_store_idx %arg9[%broadcast_in_dim3A_166, %add3A_232, %and3A_610], %add3A_643 : memref<2x256x64xf32, #tpu.memory_space<vmem>>[vector<16xi32>, vector<16xi32>, vector<16xi32>], vector<16xf32>,
          tpu.vector_store_idx %arg9[%broadcast_in_dim3A_166, %add3A_238, %and3A_610], %add3A_647 : memref<2x256x64xf32, #tpu.memory_space<vmem>>[vector<16xi32>, vector<16xi32>, vector<16xi32>], vector<16xf32>,
          tpu.vector_store_idx %arg9[%broadcast_in_dim3A_166, %add3A_244, %and3A_610], %add3A_651 : memref<2x256x64xf32, #tpu.memory_space<vmem>>[vector<16xi32>, vector<16xi32>, vector<16xi32>], vector<16xf32>,
        }
        %scan3A_605 = arith.constant 64 : i32
      }
      %scan3A_172 = arith.constant 2 : i32
      %mul3A_173 = arith.constant 256 : i32
      %mul3A_174 = arith.muli %scan3A_129, %mul3A_173 : i32
      %add3A_175 = arith.addi %mul3A_2, %mul3A_174 : i32
      %dma_start3A_176 = arith.constant 0 : i32
      %dma_start3A_177 = arith.constant 0 : i32
      %dma_start3A_178 = tpu.memref_slice %arg9[%rem3A_137, %dma_start3A_176, %dma_start3A_177] : memref<2x256x64xf32, #tpu.memory_space<vmem>> -> memref<1x256x64xf32, #tpu.memory_space<vmem>>
      %dma_start3A_179 = tpu.memref_squeeze %dma_start3A_178 : memref<1x256x64xf32, #tpu.memory_space<vmem>> -> memref<256x64xf32, #tpu.memory_space<vmem>>
      %dma_start3A_180 = arith.constant 0 : i32
      %dma_start3A_181 = tpu.memref_slice %arg6[%add3A_175, %dma_start3A_180] : memref<819200x128xf32, #tpu.memory_space<hbm>> -> memref<256x64xf32, #tpu.memory_space<hbm>>
      %dma_start3A_182 = tpu.memref_slice %arg13[%rem3A_137] : memref<2x!tpu.dma_semaphore, #tpu.memory_space<semaphore_mem>> -> memref<1x!tpu.dma_semaphore, #tpu.memory_space<semaphore_mem>>
      %dma_start3A_183 = tpu.memref_squeeze %dma_start3A_182 : memref<1x!tpu.dma_semaphore, #tpu.memory_space<semaphore_mem>> -> memref<!tpu.dma_semaphore, #tpu.memory_space<semaphore_mem>>
      %dma_start3A_184 = arith.constant 0 : i32
      %dma_start3A_185 = tpu.memref_slice %arg6[%add3A_175, %dma_start3A_184] : memref<819200x128xf32, #tpu.memory_space<hbm>> -> memref<256x64xf32, #tpu.memory_space<hbm>>
      %dma_start3A_186 = arith.constant 0 : i32
      %dma_start3A_187 = arith.constant 0 : i32
      %dma_start3A_188 = tpu.memref_slice %arg9[%rem3A_137, %dma_start3A_186, %dma_start3A_187] : memref<2x256x64xf32, #tpu.memory_space<vmem>> -> memref<1x256x64xf32, #tpu.memory_space<vmem>>
      %dma_start3A_189 = tpu.memref_squeeze %dma_start3A_188 : memref<1x256x64xf32, #tpu.memory_space<vmem>> -> memref<256x64xf32, #tpu.memory_space<vmem>>
      tpu.enqueue_dma source(%dma_start3A_189 : memref<256x64xf32, #tpu.memory_space<vmem>>) target(%dma_start3A_185 : memref<256x64xf32, #tpu.memory_space<hbm>>) target_semaphore(%dma_start3A_183 : memref<!tpu.dma_semaphore, #tpu.memory_space<semaphore_mem>>)
      %add3A_190 = arith.constant 2 : i32
      %add3A_191 = arith.addi %scan3A_129, %add3A_190 : i32
      %lt3A = arith.constant 100 : i32
      %lt3A_192 = arith.cmpi slt, %add3A_191, %lt3A : i32
      %convert_element_type3A_193 = arith.extui %lt3A_192 : i1 to i32
      %cond3A_194 = arith.constant 0 : i32
      %cond3A_195 = arith.cmpi ne, %convert_element_type3A_193, %cond3A_194 : i32
      scf.if %cond3A_195 {
        %add3A_196 = arith.constant 2 : i32
        %add3A_197 = arith.addi %scan3A_129, %add3A_196 : i32
        %mul3A_198 = arith.constant 2 : i32
        %mul3A_199 = arith.muli %add3A_197, %mul3A_198 : i32
        %add3A_200 = arith.addi %mul3A_4, %mul3A_199 : i32
        "tpu.region"() ({
          %run_scoped3A_227 = tpu.sem_alloc : memref<!tpu.dma_semaphore, #tpu.memory_space<semaphore_mem>>
          %dma_start3A_228 = arith.constant 0 : i32
          %dma_start3A_229 = arith.constant 0 : i32
          %dma_start3A_230 = tpu.memref_slice %arg7[%rem3A_135, %dma_start3A_228, %dma_start3A_229] : memref<4x2x128xi32, #tpu.memory_space<vmem>> -> memref<1x2x128xi32, #tpu.memory_space<vmem>>
          %dma_start3A_231 = tpu.memref_squeeze %dma_start3A_230 : memref<1x2x128xi32, #tpu.memory_space<vmem>> -> memref<2x128xi32, #tpu.memory_space<vmem>>
          %dma_start3A_232 = arith.constant 0 : i32
          %dma_start3A_233 = tpu.memref_slice %arg2[%add3A_200, %dma_start3A_232] : memref<6400x128xi32, #tpu.memory_space<hbm>> -> memref<2x128xi32, #tpu.memory_space<hbm>>
          %dma_start3A_234 = arith.constant 0 : i32
          %dma_start3A_235 = arith.constant 0 : i32
          %dma_start3A_236 = tpu.memref_slice %arg7[%rem3A_135, %dma_start3A_234, %dma_start3A_235] : memref<4x2x128xi32, #tpu.memory_space<vmem>> -> memref<1x2x128xi32, #tpu.memory_space<vmem>>
          %dma_start3A_237 = tpu.memref_squeeze %dma_start3A_236 : memref<1x2x128xi32, #tpu.memory_space<vmem>> -> memref<2x128xi32, #tpu.memory_space<vmem>>
          %dma_start3A_238 = arith.constant 0 : i32
          %dma_start3A_239 = tpu.memref_slice %arg2[%add3A_200, %dma_start3A_238] : memref<6400x128xi32, #tpu.memory_space<hbm>> -> memref<2x128xi32, #tpu.memory_space<hbm>>
          tpu.enqueue_dma source(%dma_start3A_239 : memref<2x128xi32, #tpu.memory_space<hbm>>) target(%dma_start3A_237 : memref<2x128xi32, #tpu.memory_space<vmem>>) target_semaphore(%run_scoped3A_227 : memref<!tpu.dma_semaphore, #tpu.memory_space<semaphore_mem>>)
          %dma_wait3A_240 = arith.constant 0 : i32
          %dma_wait3A_241 = arith.constant 0 : i32
          %dma_wait3A_242 = tpu.memref_slice %arg7[%rem3A_135, %dma_wait3A_240, %dma_wait3A_241] : memref<4x2x128xi32, #tpu.memory_space<vmem>> -> memref<1x2x128xi32, #tpu.memory_space<vmem>>
          %dma_wait3A_243 = tpu.memref_squeeze %dma_wait3A_242 : memref<1x2x128xi32, #tpu.memory_space<vmem>> -> memref<2x128xi32, #tpu.memory_space<vmem>>
          %dma_wait3A_244 = arith.constant 0 : i32
          %dma_wait3A_245 = tpu.memref_slice %arg2[%add3A_200, %dma_wait3A_244] : memref<6400x128xi32, #tpu.memory_space<hbm>> -> memref<2x128xi32, #tpu.memory_space<hbm>>
          %dma_wait3A_246 = arith.constant 0 : i32
          %dma_wait3A_247 = arith.constant 0 : i32
          %dma_wait3A_248 = tpu.memref_slice %arg7[%rem3A_135, %dma_wait3A_246, %dma_wait3A_247] : memref<4x2x128xi32, #tpu.memory_space<vmem>> -> memref<1x2x128xi32, #tpu.memory_space<vmem>>
          %dma_wait3A_249 = tpu.memref_squeeze %dma_wait3A_248 : memref<1x2x128xi32, #tpu.memory_space<vmem>> -> memref<2x128xi32, #tpu.memory_space<vmem>>
          %dma_wait3A_250 = arith.constant 0 : i32
          %dma_wait3A_251 = tpu.memref_slice %arg2[%add3A_200, %dma_wait3A_250] : memref<6400x128xi32, #tpu.memory_space<hbm>> -> memref<2x128xi32, #tpu.memory_space<hbm>>
          tpu.wait_dma2 semaphore(%run_scoped3A_227 : memref<!tpu.dma_semaphore, #tpu.memory_space<semaphore_mem>>) src(%dma_wait3A_251 : memref<2x128xi32, #tpu.memory_space<hbm>>) dst(%dma_wait3A_249 : memref<2x128xi32, #tpu.memory_space<vmem>>)
          tpu.yield
        }) : () -> ()
        %dma_start3A_201 = arith.constant 0 : i32
        %dma_start3A_202 = arith.constant 0 : i32
        %dma_start3A_203 = arith.constant 0 : i32
        %dma_start3A_204 = tpu.memref_slice %arg8[%rem3A_135, %dma_start3A_202, %dma_start3A_203] : memref<4x256x64xf32, #tpu.memory_space<vmem>> -> memref<1x128x64xf32, #tpu.memory_space<vmem>>
        %dma_start3A_205 = tpu.memref_squeeze %dma_start3A_204 : memref<1x128x64xf32, #tpu.memory_space<vmem>> -> memref<128x64xf32, #tpu.memory_space<vmem>>
        %dma_start3A_206 = arith.constant 0 : i32
        %dma_start3A_207 = tpu.memref_slice %arg7[%rem3A_135, %dma_start3A_201, %dma_start3A_206] : memref<4x2x128xi32, #tpu.memory_space<vmem>> -> memref<1x1x128xi32, #tpu.memory_space<vmem>>
        %dma_start3A_208 = tpu.memref_squeeze %dma_start3A_207 : memref<1x1x128xi32, #tpu.memory_space<vmem>> -> memref<128xi32, #tpu.memory_space<vmem>>
        %dma_start3A_209 = arith.constant 0 : i32
        %dma_start3A_210 = arith.constant 0 : i32
        %dma_start3A_211 = tpu.memref_slice %arg3[%dma_start3A_209, %dma_start3A_210] : memref<1000000x64xf32, #tpu.memory_space<hbm>> -> memref<1000000x64xf32, #tpu.memory_space<hbm>>
        %dma_start3A_212 = tpu.memref_slice %arg12[%rem3A_135] : memref<4x!tpu.dma_semaphore, #tpu.memory_space<semaphore_mem>> -> memref<1x!tpu.dma_semaphore, #tpu.memory_space<semaphore_mem>>
        %dma_start3A_213 = tpu.memref_squeeze %dma_start3A_212 : memref<1x!tpu.dma_semaphore, #tpu.memory_space<semaphore_mem>> -> memref<!tpu.dma_semaphore, #tpu.memory_space<semaphore_mem>>
        tpu.enqueue_indirect_dma source(%dma_start3A_211 : memref<1000000x64xf32, #tpu.memory_space<hbm>>) target(%dma_start3A_205 : memref<128x64xf32, #tpu.memory_space<vmem>>) offsets(%dma_start3A_208 : memref<128xi32, #tpu.memory_space<vmem>>) semaphore(%dma_start3A_213 : memref<!tpu.dma_semaphore, #tpu.memory_space<semaphore_mem>>)
        %dma_start3A_214 = arith.constant 1 : i32
        %dma_start3A_215 = arith.constant 128 : i32
        %dma_start3A_216 = arith.constant 0 : i32
        %dma_start3A_217 = tpu.memref_slice %arg8[%rem3A_135, %dma_start3A_215, %dma_start3A_216] : memref<4x256x64xf32, #tpu.memory_space<vmem>> -> memref<1x128x64xf32, #tpu.memory_space<vmem>>
        %dma_start3A_218 = tpu.memref_squeeze %dma_start3A_217 : memref<1x128x64xf32, #tpu.memory_space<vmem>> -> memref<128x64xf32, #tpu.memory_space<vmem>>
        %dma_start3A_219 = arith.constant 0 : i32
        %dma_start3A_220 = tpu.memref_slice %arg7[%rem3A_135, %dma_start3A_214, %dma_start3A_219] : memref<4x2x128xi32, #tpu.memory_space<vmem>> -> memref<1x1x128xi32, #tpu.memory_space<vmem>>
        %dma_start3A_221 = tpu.memref_squeeze %dma_start3A_220 : memref<1x1x128xi32, #tpu.memory_space<vmem>> -> memref<128xi32, #tpu.memory_space<vmem>>
        %dma_start3A_222 = arith.constant 0 : i32
        %dma_start3A_223 = arith.constant 0 : i32
        %dma_start3A_224 = tpu.memref_slice %arg3[%dma_start3A_222, %dma_start3A_223] : memref<1000000x64xf32, #tpu.memory_space<hbm>> -> memref<1000000x64xf32, #tpu.memory_space<hbm>>
        %dma_start3A_225 = tpu.memref_slice %arg12[%rem3A_135] : memref<4x!tpu.dma_semaphore, #tpu.memory_space<semaphore_mem>> -> memref<1x!tpu.dma_semaphore, #tpu.memory_space<semaphore_mem>>
        %dma_start3A_226 = tpu.memref_squeeze %dma_start3A_225 : memref<1x!tpu.dma_semaphore, #tpu.memory_space<semaphore_mem>> -> memref<!tpu.dma_semaphore, #tpu.memory_space<semaphore_mem>>
        tpu.enqueue_indirect_dma source(%dma_start3A_224 : memref<1000000x64xf32, #tpu.memory_space<hbm>>) target(%dma_start3A_218 : memref<128x64xf32, #tpu.memory_space<vmem>>) offsets(%dma_start3A_221 : memref<128xi32, #tpu.memory_space<vmem>>) semaphore(%dma_start3A_226 : memref<!tpu.dma_semaphore, #tpu.memory_space<semaphore_mem>>)
      } else {
      }
    }
    %scan3A_92 = arith.constant 100 : i32
    %rem3A = arith.constant 98 : i32
    %rem3A_93 = arith.constant 2 : i32
    %rem3A_94 = arith.remsi %rem3A, %rem3A_93 : i32
    %add3A_95 = arith.constant 25088 : i32
    %add3A_96 = arith.addi %mul3A_2, %add3A_95 : i32
    %dma_wait3A = arith.constant 0 : i32
    %dma_wait3A_97 = arith.constant 0 : i32
    %dma_wait3A_98 = tpu.memref_slice %arg9[%rem3A_94, %dma_wait3A, %dma_wait3A_97] : memref<2x256x64xf32, #tpu.memory_space<vmem>> -> memref<1x256x64xf32, #tpu.memory_space<vmem>>
    %dma_wait3A_99 = tpu.memref_squeeze %dma_wait3A_98 : memref<1x256x64xf32, #tpu.memory_space<vmem>> -> memref<256x64xf32, #tpu.memory_space<vmem>>
    %dma_wait3A_100 = arith.constant 0 : i32
    %dma_wait3A_101 = tpu.memref_slice %arg6[%add3A_96, %dma_wait3A_100] : memref<819200x128xf32, #tpu.memory_space<hbm>> -> memref<256x64xf32, #tpu.memory_space<hbm>>
    %dma_wait3A_102 = tpu.memref_slice %arg13[%rem3A_94] : memref<2x!tpu.dma_semaphore, #tpu.memory_space<semaphore_mem>> -> memref<1x!tpu.dma_semaphore, #tpu.memory_space<semaphore_mem>>
    %dma_wait3A_103 = tpu.memref_squeeze %dma_wait3A_102 : memref<1x!tpu.dma_semaphore, #tpu.memory_space<semaphore_mem>> -> memref<!tpu.dma_semaphore, #tpu.memory_space<semaphore_mem>>
    %dma_wait3A_104 = arith.constant 0 : i32
    %dma_wait3A_105 = tpu.memref_slice %arg6[%add3A_96, %dma_wait3A_104] : memref<819200x128xf32, #tpu.memory_space<hbm>> -> memref<256x64xf32, #tpu.memory_space<hbm>>
    %dma_wait3A_106 = arith.constant 0 : i32
    %dma_wait3A_107 = arith.constant 0 : i32
    %dma_wait3A_108 = tpu.memref_slice %arg9[%rem3A_94, %dma_wait3A_106, %dma_wait3A_107] : memref<2x256x64xf32, #tpu.memory_space<vmem>> -> memref<1x256x64xf32, #tpu.memory_space<vmem>>
    %dma_wait3A_109 = tpu.memref_squeeze %dma_wait3A_108 : memref<1x256x64xf32, #tpu.memory_space<vmem>> -> memref<256x64xf32, #tpu.memory_space<vmem>>
    tpu.wait_dma2 semaphore(%dma_wait3A_103 : memref<!tpu.dma_semaphore, #tpu.memory_space<semaphore_mem>>) src(%dma_wait3A_109 : memref<256x64xf32, #tpu.memory_space<vmem>>) dst(%dma_wait3A_105 : memref<256x64xf32, #tpu.memory_space<hbm>>)
    %rem3A_110 = arith.constant 99 : i32
    %rem3A_111 = arith.constant 2 : i32
    %rem3A_112 = arith.remsi %rem3A_110, %rem3A_111 : i32
    %add3A_113 = arith.constant 25344 : i32
    %add3A_114 = arith.addi %mul3A_2, %add3A_113 : i32
    %dma_wait3A_115 = arith.constant 0 : i32
    %dma_wait3A_116 = arith.constant 0 : i32
    %dma_wait3A_117 = tpu.memref_slice %arg9[%rem3A_112, %dma_wait3A_115, %dma_wait3A_116] : memref<2x256x64xf32, #tpu.memory_space<vmem>> -> memref<1x256x64xf32, #tpu.memory_space<vmem>>
    %dma_wait3A_118 = tpu.memref_squeeze %dma_wait3A_117 : memref<1x256x64xf32, #tpu.memory_space<vmem>> -> memref<256x64xf32, #tpu.memory_space<vmem>>
    %dma_wait3A_119 = arith.constant 0 : i32
    %dma_wait3A_120 = tpu.memref_slice %arg6[%add3A_114, %dma_wait3A_119] : memref<819200x128xf32, #tpu.memory_space<hbm>> -> memref<256x64xf32, #tpu.memory_space<hbm>>
    %dma_wait3A_121 = tpu.memref_slice %arg13[%rem3A_112] : memref<2x!tpu.dma_semaphore, #tpu.memory_space<semaphore_mem>> -> memref<1x!tpu.dma_semaphore, #tpu.memory_space<semaphore_mem>>
    %dma_wait3A_122 = tpu.memref_squeeze %dma_wait3A_121 : memref<1x!tpu.dma_semaphore, #tpu.memory_space<semaphore_mem>> -> memref<!tpu.dma_semaphore, #tpu.memory_space<semaphore_mem>>
    %dma_wait3A_123 = arith.constant 0 : i32
    %dma_wait3A_124 = tpu.memref_slice %arg6[%add3A_114, %dma_wait3A_123] : memref<819200x128xf32, #tpu.memory_space<hbm>> -> memref<256x64xf32, #tpu.memory_space<hbm>>
    %dma_wait3A_125 = arith.constant 0 : i32
    %dma_wait3A_126 = arith.constant 0 : i32
    %dma_wait3A_127 = tpu.memref_slice %arg9[%rem3A_112, %dma_wait3A_125, %dma_wait3A_126] : memref<2x256x64xf32, #tpu.memory_space<vmem>> -> memref<1x256x64xf32, #tpu.memory_space<vmem>>
    %dma_wait3A_128 = tpu.memref_squeeze %dma_wait3A_127 : memref<1x256x64xf32, #tpu.memory_space<vmem>> -> memref<256x64xf32, #tpu.memory_space<vmem>>
    tpu.wait_dma2 semaphore(%dma_wait3A_122 : memref<!tpu.dma_semaphore, #tpu.memory_space<semaphore_mem>>) src(%dma_wait3A_128 : memref<256x64xf32, #tpu.memory_space<vmem>>) dst(%dma_wait3A_124 : memref<256x64xf32, #tpu.memory_space<hbm>>)
    return
  }
}

</mosaic_0001>

<sc_bundles>
// kernel: kernel.4.cloned.1.call-start
scs
__scs_entry_jumppad:
0x0: {  	(pc) =	sbr.rel $0x88, $3  }
0x1: {  	(tag) =	ssettag $0x0;
	lr =	simm.s32 $0x1  }
0x2: {  	[smem:$0x3F9D] =	sst lr;
	_ =	strace $0xD0000000  }
0x3: {  	_ = 	snop  }
0x4: {  	_ = 	snop  }
0x5: {  	_ = 	snop  }
0x6: {  	_ = 	snop  }
0x7: {  	_ = 	snop  }
__scs_overlays_trampoline_lowered:
0x8: {  	[smem:$0x3FAC] =	sst s0  }
0x9: {  	[smem:$0x3FAD] =	sst s1  }
0xa: {  	[smem:$0x3FAE] =	sst s2  }
0xb: {  	[smem:$0x3FAF] =	sst s3  }
0xc: {  	[smem:$0x3FB0] =	sst s4  }
0xd: {  	[smem:$0x3FB1] =	sst s5  }
0xe: {  	[smem:$0x3FB2] =	sst s6  }
0xf: {  	[smem:$0x3FB3] =	sst s7  }
0x10: {  	[smem:$0x3FB4] =	sst s8  }
0x11: {  	[smem:$0x3FB5] =	sst s9;
	s0 =	simm.s32 @!p0 $0x0  }
0x12: {  	s1 =	sld [smem:$0x3F9B];
	s0 =	simm.s32 @p0 $0x1  }
0x13: {  	[smem:$0x3FB6] =	sst s0;
	s0 =	simm.s32 @!p1 $0x0  }
0x14: {  	s2 =	sld [smem:$0x3F9A];
	s0 =	simm.s32 @p1 $0x1  }
0x15: {  	[smem:$0x3FB7] =	sst s0;
	s0 =	simm.s32 @!p2 $0x0  }
0x16: {  	s3 =	sld [smem:$0x3FDB];
	s0 =	simm.s32 @p2 $0x1  }
0x17: {  	s4 =	simm.s32 $0x1BF5;
	[smem:$0x3FB9] =	sst s0  }
0x18: {  	s0 =	sld [smem:$0x3F9C];
	_ =	swait.ge [sflag:s4], $0x0  }
0x19: {  	s7 =	sld [smem:$0x3F9D]  }
0x1a: {  	s8 =	sadd.s32 $0xFFFFE003, lr  }
0x1b: {  	s9 =	sadd.s32 $0xFFFFFEF7, lr;
	s5 =	simm.s32 $0xFFFFFFFF;
	p2 =	slt.u32 s8, $0xFFFFF086  }
0x1c: {  	p1 =	slt.u32 s9, $0xF7A;
	s5 =	simm.s32 @!p2 $0x0  }
0x1d: {  	s5 =	simm.s32 @p1 $0x1;
	p0 =	seq.s32 s7, s2  }
0x1e: {  	s7 =	smul.u32 @!p0 $0xF7A, s2;
	p2 =	seq.s32 @!p0 s5, $0x0  }
0x1f: {  	s9 =	smul.u32 $0xF7A, s1;
	s8 =	simm.s32 @!p0 $0x1BF5;
	p2 =	por !p2, p0  }
0x20: {  	[sflag:s8] =	ssyncset.s32 @!p0 $0xFFFFF086;
	s6 =	sadd.s32 @!p0 s3, s7;
	s7 =	simm.s32 @!p0 $0x108  }
0x21: {  	s3 =	sadd.s32 s3, s9;
	s6 =	sadd.s32 @!p0 $0x88, s6;
	s7 =	simm.s32 @p2 $0x1082  }
0x22: {  	[simem:s7], [sflag:s8] =	dma.local @!p0 [hbm:s6], $0xF7A  }
0x23: {  	s9 =	sor.u32 $0xD0000000, s2;
	s6 =	simm.s32 $0x108;
	_ =	swait.ge @!p0 [sflag:s8], $0x0  }
0x24: {  	s3 =	sadd.s32 $0x88, s3;
	s6 =	simm.s32 @!p1 $0x1082;
	[sflag:s4] =	ssyncset.s32 $0xFFFFF086  }
0x25: {  	[simem:s6], [sflag:s4] =	dma.local [hbm:s3], $0xF7A  }
0x26: {  	[smem:$0x3F9D] =	sst s1;
	(tag) =	ssettag s2;
	_ =	strace s9  }
0x27: {  	s1 =	sld [smem:$0x3FAD]  }
0x28: {  	s2 =	sld [smem:$0x3FAE]  }
0x29: {  	s4 =	sld [smem:$0x3FB0]  }
0x2a: {  	p0 =	seq.s32 s5, $0x0;
	s5 =	sld [smem:$0x3FB1]  }
0x2b: {  	s6 =	sld [smem:$0x3FB2]  }
0x2c: {  	s7 =	sld [smem:$0x3FB3]  }
0x2d: {  	s3 =	simm.s32 $0x108;
	s8 =	sld [smem:$0x3FB4]  }
0x2e: {  	s3 =	simm.s32 @!p0 $0x1082;
	s9 =	sld [smem:$0x3FB5]  }
0x2f: {  	lr =	sadd.s32 s0, s3;
	s0 =	sld [smem:$0x3FAC]  }
0x30: {  	s3 =	sld [smem:$0x3FAF]  }
0x31: {  	[smem:$0x3FB8] =	sst s10  }
0x32: {  	s10 =	sld [smem:$0x3FB6];
	_ =	sdelay $0x3  }
0x33: {  	p0 =	seq.s32 s10, $0x1;
	s10 =	sld [smem:$0x3FB8];
	_ =	sdelay $0x3  }
0x34: {  	[smem:$0x3FB8] =	sst s10  }
0x35: {  	s10 =	sld [smem:$0x3FB7];
	_ =	sdelay $0x3  }
0x36: {  	p1 =	seq.s32 s10, $0x1;
	s10 =	sld [smem:$0x3FB8];
	_ =	sdelay $0x3  }
0x37: {  	[smem:$0x3FB8] =	sst s10  }
0x38: {  	s10 =	sld [smem:$0x3FB9]  }
0x39: {  	_ = 	snop;
	(pc) =	sbr.ind lr, $3  }
0x3a: {  	_ = 	snop  }
0x3b: {  	_ = 	snop  }
0x3c: {  	p2 =	seq.s32 s10, $0x1;
	s10 =	sld [smem:$0x3FB8]  }
0x3d: {  	_ =	shalt  }
0x3e: {  	_ =	shalt  }
0x3f: {  	_ =	shalt  }
0x40: {  	_ =	shalt  }
0x41: {  	_ =	shalt  }
0x42: {  	_ =	shalt  }
0x43: {  	_ =	shalt  }
0x44: {  	_ =	shalt  }
0x45: {  	_ =	shalt  }
0x46: {  	_ =	shalt  }
0x47: {  	_ =	shalt  }
0x48: {  	_ =	shalt  }
0x49: {  	_ =	shalt  }
0x4a: {  	_ =	shalt  }
0x4b: {  	_ =	shalt  }
0x4c: {  	_ =	shalt  }
0x4d: {  	_ =	shalt  }
0x4e: {  	_ =	shalt  }
0x4f: {  	_ =	shalt  }
0x50: {  	_ =	shalt  }
0x51: {  	_ =	shalt  }
0x52: {  	_ =	shalt  }
0x53: {  	_ =	shalt  }
0x54: {  	_ =	shalt  }
0x55: {  	_ =	shalt  }
0x56: {  	_ =	shalt  }
0x57: {  	_ =	shalt  }
0x58: {  	_ =	shalt  }
0x59: {  	_ =	shalt  }
0x5a: {  	_ =	shalt  }
0x5b: {  	_ =	shalt  }
0x5c: {  	_ =	shalt  }
0x5d: {  	_ =	shalt  }
0x5e: {  	_ =	shalt  }
0x5f: {  	_ =	shalt  }
0x60: {  	_ =	shalt  }
0x61: {  	_ =	shalt  }
0x62: {  	_ =	shalt  }
0x63: {  	_ =	shalt  }
0x64: {  	_ =	shalt  }
0x65: {  	_ =	shalt  }
0x66: {  	_ =	shalt  }
0x67: {  	_ =	shalt  }
0x68: {  	_ =	shalt  }
0x69: {  	_ =	shalt  }
0x6a: {  	_ =	shalt  }
0x6b: {  	_ =	shalt  }
0x6c: {  	_ =	shalt  }
0x6d: {  	_ =	shalt  }
0x6e: {  	_ =	shalt  }
0x6f: {  	_ =	shalt  }
0x70: {  	_ =	shalt  }
0x71: {  	_ =	shalt  }
0x72: {  	_ =	shalt  }
0x73: {  	_ =	shalt  }
0x74: {  	_ =	shalt  }
0x75: {  	_ =	shalt  }
0x76: {  	_ =	shalt  }
0x77: {  	_ =	shalt  }
0x78: {  	_ =	shalt  }
0x79: {  	_ =	shalt  }
0x7a: {  	_ =	shalt  }
0x7b: {  	_ =	shalt  }
0x7c: {  	_ =	shalt  }
0x7d: {  	_ =	shalt  }
0x7e: {  	_ =	shalt  }
0x7f: {  	_ =	shalt  }
0x80: {  	_ =	shalt  }
0x81: {  	_ =	shalt  }
0x82: {  	_ =	shalt  }
0x83: {  	_ =	shalt  }
0x84: {  	_ =	shalt  }
0x85: {  	_ =	shalt  }
0x86: {  	_ =	shalt  }
0x87: {  	_ =	shalt  }
.Lfunc_end0:
.L_simem_size_0:
called_computation.1_lowered:
.L_overlay_start_0:
0x88: {  	s2 =	sld [smem:$0x3FD9]  }
0x89: {  	s3 =	sld [smem:$0x3FFE];
	_ =	sdelay $0x1  }
0x8a: {  	s1 =	srdreg.scid  }
0x8b: {  	s0 =	sand.u32 $0x1, s1  }
0x8c: {  	s17 =	sshll.u32 s0, $0xA;
	s2 =	sadd.s32 s3, s2  }
0x8d: {  	s2 =	sadd.s32 s2, s17  }
0x8e: {  	[smem:$0x3FC4] =	sst s2  }
0x8f: {  	_ = 	snop  }
0x90: {  	s2 =	sld [smem:$0x3FC8];
	(tm) =	ssettm $0x1  }
0x91: {  	s18 =	sld [smem:$0x3FFB];
	_ =	sdelay $0x3  }
0x92: {  	_ =	strace s18  }
0x93: {  	s3 =	sld [smem:$0x3FFC];
	_ =	sdelay $0x3  }
0x94: {  	_ =	strace s3  }
0x95: {  	s3 =	sld [smem:$0x3FFD];
	_ =	sdelay $0x3  }
0x96: {  	_ =	strace s3  }
0x97: {  	_ =	strace $0x8FFFFFFF  }
0x98: {  	s19 =	sld [smem:$0x3FDB];
	_ =	sdelay $0x1  }
0x99: {  	s4 =	simm.s32 $_scs_section_size  }
0x9a: {  	s5 =	simm.s32 $_size__tile_overlayer_lowered;
	s6 =	simm.s32 $_tile_overlayer_lowered  }
0x9b: {  	s22 =	simm.s32 $0x1BFF;
	s21 =	sshll.u32 s6, $0x1;
	s3 =	sadd.s32 s4, s19  }
0x9c: {  	s7 =	simm.s32 $0x0;
	s20 =	sshll.u32 s5, $0x1;
	s5 =	sadd.s32 s21, s3  }
0x9d: {  	[timem:s7], [sflag:s22] =	dma.local [hbm:s5], s20  }
0x9e: {  	_ =	swait.ge [sflag:s22], s20  }
0x9f: {  	s4 =	ssub.s32 $0x0, s20;
	[sflag:s22] =	ssyncset.done $0x0  }
0xa0: {  	[sflag:s22] =	ssyncadd.s32 s4;
	_ =	sdelay $0x1  }
0xa1: {  	s23 =	simm.s32 $0x1B8B  }
0xa2: {  	_ =	swait.ge [sflag:s23], $0x1  }
0xa3: {  	[sflag:s23] =	ssyncset.done $0x0  }
0xa4: {  	s25 =	simm.s32 $0x1B8E;
	s24 =	sld [smem:$0x3FFE];
	[sflag:s23] =	ssyncadd.s32 $0xFFFFFFFF  }
0xa5: {  	s26 =	simm.s32 $execute0_lowered;
	[smem:$0x3FD2] =	sst s25  }
0xa6: {  	s5 =	sshll.u32 s26, $0x1;
	_ =	strace $0x80000046;
	[dreg:$0x1] =	wrdreg $0xFFFFFFFF  }
0xa7: {  	s28 =	simm.s32 $_size_execute0_lowered;
	s3 =	sadd.s32 s3, s5;
	[dreg:$0x0] =	wrdreg $0x0  }
0xa8: {  	s5 =	sshll.u32 s28, $0x1;
	[dreg:$0x2] =	wrdreg s3  }
0xa9: {  	[dreg:$0x3] =	wrdreg s5  }
0xaa: {  	[dreg:$0x4] =	wrdreg $0xC0  }
0xab: {  	_ =	task [dreg:s7], $0x5FFFF  }
0xac: {  	[dreg:$0x1] =	wrdreg $0xFFFFFFFF  }
0xad: {  	[dreg:$0x0] =	wrdreg $0x60  }
0xae: {  	[dreg:$0x2] =	wrdreg s2  }
0xaf: {  	[dreg:$0x3] =	wrdreg s24  }
0xb0: {  	[dreg:$0x4] =	wrdreg $0x9  }
0xb1: {  	_ =	task.clear_ibuf [dreg:s7], $0x5FFFF;
	_ =	strace $0x90000046  }
0xb2: {  	s29 =	simm.s32 $0x9;
	_ =	strace $0x80000048  }
0xb3: {  	_ =	swait.ge [sflag:s29], $0x1  }
0xb4: {  	[sflag:s29] =	ssyncadd.s32 $0xFFFFFFFF  }
0xb5: {  	_ =	strace $0x90000048  }
0xb6: {  	_ =	sfence  }
0xb7: {  	s30 =	sld [smem:$0x0];
	_ =	sdelay $0x2  }
0xb8: {  	s31 =	sshll.u32 s1, $0xD;
	s1 =	sshrl.u32 s1, $0x2  }
0xb9: {  	s3 =	sand.u32 $0x4000, s31;
	s1 =	sadd.s32 s1, s30  }
0xba: {  	s0 =	sor.u32 s3, s0;
	s1 =	sshll.u32 s1, $0x11  }
0xbb: {  	s0 =	sor.u32 s1, s0  }
0xbc: {  	s0 =	sadd.s32 $0x8F2B, s0  }
0xbd: {  	[sflag:s0] =	ssyncadd.remote.s32 $0x1  }
0xbe: {  	_ =	sfence.sel $0xFFFF  }
0xbf: {  	[dreg:$0x0] =	wrdreg $0xFFFFFFFF;
	(pc) =	sbr.abs _section_cstart, $3  }
0xc0: {  	[dreg:$0x1] =	wrdreg $0xFFFFFFFF  }
0xc1: {  	_ =	task.clear_ibuf [dreg:s7], $0x2FFFF;
	_ =	strace $0x9FFFFFFF  }
0xc2: {  	(tm) =	ssettm $0x7FFFFFFF  }
0xc3: {  	_ =	shalt  }
tec
execute0_lowered:
.L_overlay_start_1:
0x0: {  	(tag) =	ssettag $0x1  }
0x1: {  	s1 =	rddreg [dreg:$0x0]  }
0x2: {  	s11 =	rddreg [dreg:$0x1]  }
0x3: {  	s0 =	rddreg [dreg:$0x2];
	s3 =	simm.s32 $0x0;
	s5 =	srdreg.scid  }
0x4: {  	s2 =	stileid.u32;
	s15 =	simm.s32 $0x400;
	s16 =	simm.s32 $0x7A1400  }
0x5: {  	s17 =	simm.s32 $0x2000;
	s18 =	simm.s32 $0x4000;
	[smem:$0x7FF] =	sst s3  }
0x6: {  	s4 =	sadd.s32 $0xE00, s11;
	s6 =	sand.u32 $0x1, s5;
	s7 =	sshll.u32 s2, $0x1  }
0x7: {  	v0 =	vlaneseq.u32;
	s5 =	sadd.s32 $0x1000, s11;
	s11 =	sadd.s32 $0x7A2000, s11;
	s8 =	ssub.s32 $0x2, s6  }
0x8: {  	v1 =	vshrl.u32 v0, $0x1;
	v9 =	vor.u32 $0x10, v0;
	v10 =	vor.u32 $0x20, v0;
	_ =	strace $0x80000047;
	s19 =	sor.u32 s6, s7;
	s31 =	sshrl.u32 s8, $0x1  }
0x9: {  	v11 =	vor.u32 $0x30, v0;
	v12 =	vor.u32 $0x40, v0;
	v1 =	vmul.u32 $0x80, v1;
	s7 =	ssub.s32 $0x1EA3, s19;
	s9 =	sshll.u32 s19, $0x7;
	s10 =	sshll.u32 s19, $0xD  }
0xa: {  	v13 =	vor.u32 $0x50, v0;
	v16 =	vand.u32 $0x1, v0;
	v14 =	vor.u32 $0x60, v0;
	p0 =	sne.s32 s19, $0x0;
	s12 =	ssub.s32 s8, s31;
	s6 =	sshrl.u32 s7, $0x5  }
0xb: {  	v15 =	vor.u32 $0x70, v0;
	v16 =	vmul.u32 $0x40, v16;
	s7 =	sadd.s32 s1, s9;
	v2 =	vor.u32 $0x400, v1;
	s8 =	sshll.u32 s19, $0xA;
	s13 =	sand.u32 $0x1, s6  }
0xc: {  	v3 =	vor.u32 $0x800, v1;
	v4 =	vor.u32 $0xC00, v1;
	v5 =	vor.u32 $0x1000, v1;
	s19 =	simm.s32 $0x0;
	s9 =	sadd.s32 $0x1000, s7;
	s14 =	sxor.u32 $0x1, s13  }
0xd: {  	v6 =	vor.u32 $0x1400, v1;
	v7 =	vor.u32 $0x1800, v1;
	v8 =	vor.u32 $0x1C00, v1;
	s12 =	smax.u32 s12, $0x1;
	s13 =	sadd.s32 $0x3, s13;
	s14 =	sadd.s32 $0x3, s14  }
.LBB2_1:
0xe: {  	[tilespmem:s3], [sflag:$0x1] =	stream.strided.gather [hbm4b:s7+s15], $0x2000, s16, s15, $0x38;
	[tilespmem:$0x8000] =	vst v63  }
0xf: {  	s20 =	simm.s32 $0x0  }
0x10: {  	[tilespmem:s17], [sflag:$0x2] =	stream.strided.gather [hbm4b:s9+s15], $0x2000, s16, s15, $0x38;
	[tilespmem:$0x8000] =	vst v63  }
.LBB2_2:
0x11: {  	s21 =	simm.s32 $0x0  }
0x12: {  	s23 =	sand.u32 $0x1, s20;
	v17 =	vadd.s32 s21, v0  }
0x13: {  	s21 =	sshll.u32 s23, $0xD;
	v27 =	vand.u32 $0x3F, v17  }
0x14: {  	s22 =	sadd.s32 $0x1, s23;
	v24 =	vmov s21;
	v17 =	vshll.u32 v27, $0x7  }
0x15: {  	_ =	swait.ge [sflag:s22], $0x2000;
	v29 =	vor.u32 v24, v17  }
0x16: {  	p1 =	slt.u32 s20, $0x2;
	[sflag:s22] =	ssyncset.done $0x0;
	v25 =	vor.u32 v14, v29  }
0x17: {  	s31 =	simm.s32 $0x1;
	s24 =	sadd.s32 @!p1 $0x3, s23;
	[sflag:s22] =	ssyncadd.s32 $0xFFFFE000;
	v28 =	vor.u32 v0, v29  }
0x18: {  	v34 =	vadd.s32 s31, v0;
	v20 =	vor.u32 s21, v1;
	_ =	swait.ge @!p1 [sflag:s24], $0x2000;
	v30 =	vor.u32 v10, v29  }
0x19: {  	v21 =	vor.u32 s21, v3;
	v18 =	vor.u32 s21, v4;
	v31 =	vor.u32 v9, v29;
	[sflag:s24] =	ssyncset.done @!p1 $0x0  }
0x1a: {  	v26 =	vor.u32 s21, v5;
	v23 =	vor.u32 s21, v6;
	v32 =	vor.u32 v11, v29;
	[sflag:s24] =	ssyncadd.s32 @!p1 $0xFFFFE000  }
0x1b: {  	v22 =	vor.u32 s21, v7;
	v19 =	vor.u32 s21, v8;
	v35 =	vor.u32 v13, v29;
	v25 =	vld.idx.msk [tilespmem:v25+s3+$0x0], $0xffff  }
0x1c: {  	v27 =	vor.u32 v16, v27;
	v17 =	vor.u32 s21, v2;
	v44 =	vor.u32 v12, v29;
	v37 =	vld.idx.msk [tilespmem:v28+s3+$0x0], $0xffff  }
0x1d: {  	v42 =	vor.u32 v20, v27;
	v33 =	vor.u32 v15, v29;
	v29 =	vand.u32 $0x3F, v34;
	v36 =	vld.idx.msk [tilespmem:v30+s3+$0x0], $0xffff  }
0x1e: {  	v45 =	vor.u32 v21, v27;
	v46 =	vor.u32 v18, v27;
	v30 =	vshll.u32 v29, $0x7;
	v41 =	vld.idx.msk [tilespmem:v31+s3+$0x0], $0xffff  }
0x1f: {  	v43 =	vor.u32 v17, v27;
	v29 =	vor.u32 v16, v29;
	v39 =	vld.idx.msk [tilespmem:v32+s3+$0x0], $0xffff;
	v38 =	vor.u32 v24, v30  }
0x20: {  	v28 =	vor.u32 v26, v27;
	v40 =	vld.idx.msk [tilespmem:v35+s3+$0x0], $0xffff;
	v30 =	vor.u32 v26, v29;
	v34 =	vor.u32 v0, v38  }
0x21: {  	s24 =	simm.s32 $0x2;
	v44 =	vld.idx.msk [tilespmem:v44+s3+$0x0], $0xffff;
	v31 =	vor.u32 v9, v38;
	v35 =	vor.u32 v10, v38;
	v32 =	vor.u32 v11, v38  }
.LBB2_3:
0x22: {  	p1 =	sne.s32 s24, $0x3F;
	v47 =	vor.u32 v12, v38;
	v48 =	vor.u32 v13, v38;
	v49 =	vld.idx.msk [tilespmem:v33+s3+$0x0], $0xffff;
	v50 =	vor.u32 v23, v27;
	s25 =	smov.u32 s24;
	s24 =	sadd.s32 $0x1, s24  }
0x23: {  	v51 =	vor.u32 v14, v38;
	v33 =	vor.u32 v15, v38;
	[tilespmem:v42+s18+$0x0] =	vst.idx.msk $0xffff, v37  }
0x24: {  	v37 =	vor.u32 v22, v27;
	[tilespmem:v43+s18+$0x0] =	vst.idx.msk $0xffff, v41  }
0x25: {  	[tilespmem:v45+s18+$0x0] =	vst.idx.msk $0xffff, v36;
	v36 =	vor.u32 v19, v27;
	v27 =	vmov v29  }
0x26: {  	[tilespmem:v46+s18+$0x0] =	vst.idx.msk $0xffff, v39  }
0x27: {  	[tilespmem:v28+s18+$0x0] =	vst.idx.msk $0xffff, v44;
	v28 =	vmov v30  }
0x28: {  	[tilespmem:v50+s18+$0x0] =	vst.idx.msk $0xffff, v40  }
0x29: {  	[tilespmem:v37+s18+$0x0] =	vst.idx.msk $0xffff, v25  }
0x2a: {  	[tilespmem:v36+s18+$0x0] =	vst.idx.msk $0xffff, v49  }
0x2b: {  	v25 =	vld.idx.msk [tilespmem:v51+s3+$0x0], $0xffff  }
0x2c: {  	v29 =	vadd.s32 s25, v0;
	v37 =	vld.idx.msk [tilespmem:v34+s3+$0x0], $0xffff  }
.Ltmp0:
0x2d: {  	v29 =	vand.u32 $0x3F, v29;
	v36 =	vld.idx.msk [tilespmem:v35+s3+$0x0], $0xffff;
	(pc) =	sbr.rel @p1 .LBB2_3-.Ltmp0, $4  }
0x2e: {  	v42 =	vor.u32 v20, v27;
	v30 =	vshll.u32 v29, $0x7;
	v29 =	vor.u32 v16, v29;
	v41 =	vld.idx.msk [tilespmem:v31+s3+$0x0], $0xffff  }
0x2f: {  	v43 =	vor.u32 v17, v27;
	v38 =	vor.u32 v24, v30;
	v30 =	vor.u32 v26, v29;
	v39 =	vld.idx.msk [tilespmem:v32+s3+$0x0], $0xffff  }
0x30: {  	v45 =	vor.u32 v21, v27;
	v34 =	vor.u32 v0, v38;
	v31 =	vor.u32 v9, v38;
	v40 =	vld.idx.msk [tilespmem:v48+s3+$0x0], $0xffff  }
0x31: {  	v46 =	vor.u32 v18, v27;
	v35 =	vor.u32 v10, v38;
	v32 =	vor.u32 v11, v38;
	v44 =	vld.idx.msk [tilespmem:v47+s3+$0x0], $0xffff  }
0x32: {  	_ =	sdelay $0x3  }
0x33: {  	v24 =	vld.idx.msk [tilespmem:v33+s3+$0x0], $0xffff;
	v26 =	vor.u32 v23, v27;
	[tilespmem:v42+s18+$0x0] =	vst.idx.msk $0xffff, v37  }
0x34: {  	v57 =	vor.u32 v22, v27;
	[tilespmem:v43+s18+$0x0] =	vst.idx.msk $0xffff, v41  }
0x35: {  	v58 =	vor.u32 v19, v27;
	[tilespmem:v45+s18+$0x0] =	vst.idx.msk $0xffff, v36  }
0x36: {  	v59 =	vor.u32 v14, v38;
	[tilespmem:v46+s18+$0x0] =	vst.idx.msk $0xffff, v39  }
0x37: {  	[tilespmem:v28+s18+$0x0] =	vst.idx.msk $0xffff, v44  }
0x38: {  	[tilespmem:v26+s18+$0x0] =	vst.idx.msk $0xffff, v40  }
0x39: {  	[tilespmem:v57+s18+$0x0] =	vst.idx.msk $0xffff, v25  }
0x3a: {  	[tilespmem:v58+s18+$0x0] =	vst.idx.msk $0xffff, v24  }
0x3b: {  	v60 =	vor.u32 v13, v38;
	v25 =	vld.idx.msk [tilespmem:v59+s3+$0x0], $0xffff  }
0x3c: {  	v61 =	vor.u32 v12, v38;
	v27 =	vld.idx.msk [tilespmem:v34+s3+$0x0], $0xffff  }
0x3d: {  	v62 =	vor.u32 v15, v38;
	v20 =	vor.u32 v20, v29;
	v33 =	vld.idx.msk [tilespmem:v35+s3+$0x0], $0xffff  }
0x3e: {  	v17 =	vor.u32 v17, v29;
	v31 =	vld.idx.msk [tilespmem:v31+s3+$0x0], $0xffff  }
0x3f: {  	v21 =	vor.u32 v21, v29;
	v32 =	vld.idx.msk [tilespmem:v32+s3+$0x0], $0xffff  }
0x40: {  	v18 =	vor.u32 v18, v29;
	v24 =	vld.idx.msk [tilespmem:v60+s3+$0x0], $0xffff  }
0x41: {  	v26 =	vld.idx.msk [tilespmem:v61+s3+$0x0], $0xffff  }
0x42: {  	v63 =	vor.u32 v23, v29;
	v28 =	vld.idx.msk [tilespmem:v62+s3+$0x0], $0xffff;
	[tilespmem:v20+s18+$0x0] =	vst.idx.msk $0xffff, v27  }
0x43: {  	[tilespmem:v17+s18+$0x0] =	vst.idx.msk $0xffff, v31;
	v17 =	vor.u32 v22, v29  }
0x44: {  	v19 =	vor.u32 v19, v29;
	[tilespmem:v21+s18+$0x0] =	vst.idx.msk $0xffff, v33  }
0x45: {  	[tilespmem:v18+s18+$0x0] =	vst.idx.msk $0xffff, v32  }
0x46: {  	s24 =	sshll.u32 s20, $0x12;
	[tilespmem:v30+s18+$0x0] =	vst.idx.msk $0xffff, v26  }
0x47: {  	s24 =	sor.u32 s10, s24;
	[tilespmem:v63+s18+$0x0] =	vst.idx.msk $0xffff, v24  }
0x48: {  	s24 =	sshrl.u32 s24, $0x3;
	[tilespmem:v17+s18+$0x0] =	vst.idx.msk $0xffff, v25  }
0x49: {  	s25 =	sor.u32 $0x4000, s21;
	s23 =	sadd.s32 $0x3, s23;
	s24 =	sadd.s32 s5, s24;
	[tilespmem:v19+s18+$0x0] =	vst.idx.msk $0xffff, v28  }
0x4a: {  	[hbm4b:s24+s3] =	stream.linear.scatter [tilespmem:s25], [sflag:s23], $0x2000, $0x38;
	[tilespmem:$0x8000] =	vst v63  }
0x4b: {  	s23 =	sadd.s32 $0x2, s20  }
0x4c: {  	p1 =	sge.u32 s23, s6  }
0x4d: {  	s23 =	sshll.u32 @!p1 s23, $0xF  }
0x4e: {  	s23 =	sor.u32 @!p1 s8, s23  }
0x4f: {  	s20 =	sadd.s32 $0x1, s20;
	s23 =	sshrl.u32 @!p1 s23, $0x3  }
0x50: {  	s24 =	simm.s32 @!p1 $0x400;
	s25 =	simm.s32 @!p1 $0x7A1400;
	s23 =	sadd.s32 @!p1 s1, s23  }
0x51: {  	[tilespmem:s21], [sflag:s22] =	stream.strided.gather @!p1 [hbm4b:s23+s24], $0x2000, s25, s24, $0x38;
	[tilespmem:$0x8000] =	vst v63  }
0x52: {  	p1 =	sne.s32 s20, s6  }
.Ltmp1:
0x53: {  	_ = 	snop;
	(pc) =	sbr.rel @p1 .LBB2_2-.Ltmp1, $1  }
0x54: {  	_ =	sdelay $0x3  }
0x55: {  	_ =	swait.ge [sflag:s13], $0x2000  }
0x56: {  	[sflag:s13] =	ssyncset.done $0x0  }
0x57: {  	[sflag:s13] =	ssyncadd.s32 $0xFFFFE000  }
0x58: {  	_ =	swait.ge [sflag:s14], $0x2000  }
0x59: {  	[sflag:s14] =	ssyncset.done $0x0  }
0x5a: {  	s20 =	simm.s32 @!p0 $0x0;
	s21 =	simm.s32 @!p0 $0x5;
	[sflag:s14] =	ssyncadd.s32 $0xFFFFE000  }
0x5b: {  	[tilespmem:s20], [sflag:$0x5] =	stream.linear.gather @!p0 [hbm4b:s4+s20], $0x1000, $0x38;
	[tilespmem:$0x8000] =	vst v63  }
0x5c: {  	s19 =	sadd.s32 $0x1, s19;
	_ =	swait.ge @!p0 [sflag:s21], $0x1000  }
0x5d: {  	p1 =	sne.s32 s19, s12;
	[sflag:s21] =	ssyncset.done @!p0 $0x0  }
.Ltmp2:
0x5e: {  	[sflag:s21] =	ssyncadd.s32 @!p0 $0xFFFFF000;
	(pc) =	sbr.rel @p1 .LBB2_1-.Ltmp2, $4  }
0x5f: {  	[hbm4b:s11+s20] =	stream.linear.scatter @!p0 [tilespmem:s20], [sflag:$0x5], $0x1000, $0x38;
	[tilespmem:$0x8000] =	vst v63  }
0x60: {  	_ =	swait.ge @!p0 [sflag:s21], $0x1000  }
0x61: {  	[sflag:s21] =	ssyncset.done @!p0 $0x0  }
0x62: {  	[sflag:s21] =	ssyncadd.s32 @!p0 $0xFFFFF000  }
0x63: {  	_ =	sfence.sel $0x180000  }
0x64: {  	[bflag:$0x0] =	sbarrier.arrive $0xFFFF  }
0x65: {  	p0 =	sne.s32 s2, $0x0;
	_ =	strace $0x90000047  }
0x66: {  	s0 =	sadd.s32 @!p0 $0x100000, s0;
	[bflag:$0x2] =	sbarrier.arrive $0xFFFF  }
0x67: {  	[sflag:s0] =	ssyncadd.tile.s32 @!p0 $0x1;
	_ =	shalt  }
.Lfunc_end2:
_tile_overlayer_lowered:
.L_overlay_start_2:
0x68: {  	(tag) =	ssettag $0x2  }
0x69: {  	s0 =	rddreg [dreg:$0x0];
	s2 =	stileid.u32  }
0x6a: {  	s1 =	rddreg [dreg:$0x1];
	p0 =	sne.s32 s2, $0x0  }
0x6b: {  	s3 =	rddreg [dreg:$0x2];
	[bflag:$0x3] =	sbarrier.arrive $0xFFFF;
	s2 =	simm.s32 @!p0 $0x1C05  }
0x6c: {  	[timem:s3], [sflag:s2] =	dma.local @!p0 [hbm:s0], s1  }
0x6d: {  	s0 =	simm.s32 @!p0 $0x5  }
0x6e: {  	_ =	swait.ge @!p0 [sflag:s0], s1  }
0x6f: {  	s1 =	ssub.s32 @!p0 $0x0, s1;
	[sflag:s0] =	ssyncset.done @!p0 $0x0  }
0x70: {  	[sflag:s0] =	ssyncadd.s32 @!p0 s1  }
0x71: {  	[bflag:$0x3] =	sbarrier.arrive $0xFFFF  }
0x72: {  	_ =	shalt  }

// kernel: kernel.7.cloned.1.call-start
scs
__scs_entry_jumppad:
0x0: {  	(pc) =	sbr.rel $0x88, $3  }
0x1: {  	(tag) =	ssettag $0x0;
	lr =	simm.s32 $0x1  }
0x2: {  	[smem:$0x3F9D] =	sst lr;
	_ =	strace $0xD0000000  }
0x3: {  	_ = 	snop  }
0x4: {  	_ = 	snop  }
0x5: {  	_ = 	snop  }
0x6: {  	_ = 	snop  }
0x7: {  	_ = 	snop  }
__scs_overlays_trampoline_lowered:
0x8: {  	[smem:$0x3FAC] =	sst s0  }
0x9: {  	[smem:$0x3FAD] =	sst s1  }
0xa: {  	[smem:$0x3FAE] =	sst s2  }
0xb: {  	[smem:$0x3FAF] =	sst s3  }
0xc: {  	[smem:$0x3FB0] =	sst s4  }
0xd: {  	[smem:$0x3FB1] =	sst s5  }
0xe: {  	[smem:$0x3FB2] =	sst s6  }
0xf: {  	[smem:$0x3FB3] =	sst s7  }
0x10: {  	[smem:$0x3FB4] =	sst s8  }
0x11: {  	[smem:$0x3FB5] =	sst s9;
	s0 =	simm.s32 @!p0 $0x0  }
0x12: {  	s1 =	sld [smem:$0x3F9B];
	s0 =	simm.s32 @p0 $0x1  }
0x13: {  	[smem:$0x3FB6] =	sst s0;
	s0 =	simm.s32 @!p1 $0x0  }
0x14: {  	s2 =	sld [smem:$0x3F9A];
	s0 =	simm.s32 @p1 $0x1  }
0x15: {  	[smem:$0x3FB7] =	sst s0;
	s0 =	simm.s32 @!p2 $0x0  }
0x16: {  	s3 =	sld [smem:$0x3FDB];
	s0 =	simm.s32 @p2 $0x1  }
0x17: {  	s4 =	simm.s32 $0x1BF5;
	[smem:$0x3FB9] =	sst s0  }
0x18: {  	s0 =	sld [smem:$0x3F9C];
	_ =	swait.ge [sflag:s4], $0x0  }
0x19: {  	s7 =	sld [smem:$0x3F9D]  }
0x1a: {  	s8 =	sadd.s32 $0xFFFFE003, lr  }
0x1b: {  	s9 =	sadd.s32 $0xFFFFFEF7, lr;
	s5 =	simm.s32 $0xFFFFFFFF;
	p2 =	slt.u32 s8, $0xFFFFF086  }
0x1c: {  	p1 =	slt.u32 s9, $0xF7A;
	s5 =	simm.s32 @!p2 $0x0  }
0x1d: {  	s5 =	simm.s32 @p1 $0x1;
	p0 =	seq.s32 s7, s2  }
0x1e: {  	s7 =	smul.u32 @!p0 $0xF7A, s2;
	p2 =	seq.s32 @!p0 s5, $0x0  }
0x1f: {  	s9 =	smul.u32 $0xF7A, s1;
	s8 =	simm.s32 @!p0 $0x1BF5;
	p2 =	por !p2, p0  }
0x20: {  	[sflag:s8] =	ssyncset.s32 @!p0 $0xFFFFF086;
	s6 =	sadd.s32 @!p0 s3, s7;
	s7 =	simm.s32 @!p0 $0x108  }
0x21: {  	s3 =	sadd.s32 s3, s9;
	s6 =	sadd.s32 @!p0 $0x88, s6;
	s7 =	simm.s32 @p2 $0x1082  }
0x22: {  	[simem:s7], [sflag:s8] =	dma.local @!p0 [hbm:s6], $0xF7A  }
0x23: {  	s9 =	sor.u32 $0xD0000000, s2;
	s6 =	simm.s32 $0x108;
	_ =	swait.ge @!p0 [sflag:s8], $0x0  }
0x24: {  	s3 =	sadd.s32 $0x88, s3;
	s6 =	simm.s32 @!p1 $0x1082;
	[sflag:s4] =	ssyncset.s32 $0xFFFFF086  }
0x25: {  	[simem:s6], [sflag:s4] =	dma.local [hbm:s3], $0xF7A  }
0x26: {  	[smem:$0x3F9D] =	sst s1;
	(tag) =	ssettag s2;
	_ =	strace s9  }
0x27: {  	s1 =	sld [smem:$0x3FAD]  }
0x28: {  	s2 =	sld [smem:$0x3FAE]  }
0x29: {  	s4 =	sld [smem:$0x3FB0]  }
0x2a: {  	p0 =	seq.s32 s5, $0x0;
	s5 =	sld [smem:$0x3FB1]  }
0x2b: {  	s6 =	sld [smem:$0x3FB2]  }
0x2c: {  	s7 =	sld [smem:$0x3FB3]  }
0x2d: {  	s3 =	simm.s32 $0x108;
	s8 =	sld [smem:$0x3FB4]  }
0x2e: {  	s3 =	simm.s32 @!p0 $0x1082;
	s9 =	sld [smem:$0x3FB5]  }
0x2f: {  	lr =	sadd.s32 s0, s3;
	s0 =	sld [smem:$0x3FAC]  }
0x30: {  	s3 =	sld [smem:$0x3FAF]  }
0x31: {  	[smem:$0x3FB8] =	sst s10  }
0x32: {  	s10 =	sld [smem:$0x3FB6];
	_ =	sdelay $0x3  }
0x33: {  	p0 =	seq.s32 s10, $0x1;
	s10 =	sld [smem:$0x3FB8];
	_ =	sdelay $0x3  }
0x34: {  	[smem:$0x3FB8] =	sst s10  }
0x35: {  	s10 =	sld [smem:$0x3FB7];
	_ =	sdelay $0x3  }
0x36: {  	p1 =	seq.s32 s10, $0x1;
	s10 =	sld [smem:$0x3FB8];
	_ =	sdelay $0x3  }
0x37: {  	[smem:$0x3FB8] =	sst s10  }
0x38: {  	s10 =	sld [smem:$0x3FB9]  }
0x39: {  	_ = 	snop;
	(pc) =	sbr.ind lr, $3  }
0x3a: {  	_ = 	snop  }
0x3b: {  	_ = 	snop  }
0x3c: {  	p2 =	seq.s32 s10, $0x1;
	s10 =	sld [smem:$0x3FB8]  }
0x3d: {  	_ =	shalt  }
0x3e: {  	_ =	shalt  }
0x3f: {  	_ =	shalt  }
0x40: {  	_ =	shalt  }
0x41: {  	_ =	shalt  }
0x42: {  	_ =	shalt  }
0x43: {  	_ =	shalt  }
0x44: {  	_ =	shalt  }
0x45: {  	_ =	shalt  }
0x46: {  	_ =	shalt  }
0x47: {  	_ =	shalt  }
0x48: {  	_ =	shalt  }
0x49: {  	_ =	shalt  }
0x4a: {  	_ =	shalt  }
0x4b: {  	_ =	shalt  }
0x4c: {  	_ =	shalt  }
0x4d: {  	_ =	shalt  }
0x4e: {  	_ =	shalt  }
0x4f: {  	_ =	shalt  }
0x50: {  	_ =	shalt  }
0x51: {  	_ =	shalt  }
0x52: {  	_ =	shalt  }
0x53: {  	_ =	shalt  }
0x54: {  	_ =	shalt  }
0x55: {  	_ =	shalt  }
0x56: {  	_ =	shalt  }
0x57: {  	_ =	shalt  }
0x58: {  	_ =	shalt  }
0x59: {  	_ =	shalt  }
0x5a: {  	_ =	shalt  }
0x5b: {  	_ =	shalt  }
0x5c: {  	_ =	shalt  }
0x5d: {  	_ =	shalt  }
0x5e: {  	_ =	shalt  }
0x5f: {  	_ =	shalt  }
0x60: {  	_ =	shalt  }
0x61: {  	_ =	shalt  }
0x62: {  	_ =	shalt  }
0x63: {  	_ =	shalt  }
0x64: {  	_ =	shalt  }
0x65: {  	_ =	shalt  }
0x66: {  	_ =	shalt  }
0x67: {  	_ =	shalt  }
0x68: {  	_ =	shalt  }
0x69: {  	_ =	shalt  }
0x6a: {  	_ =	shalt  }
0x6b: {  	_ =	shalt  }
0x6c: {  	_ =	shalt  }
0x6d: {  	_ =	shalt  }
0x6e: {  	_ =	shalt  }
0x6f: {  	_ =	shalt  }
0x70: {  	_ =	shalt  }
0x71: {  	_ =	shalt  }
0x72: {  	_ =	shalt  }
0x73: {  	_ =	shalt  }
0x74: {  	_ =	shalt  }
0x75: {  	_ =	shalt  }
0x76: {  	_ =	shalt  }
0x77: {  	_ =	shalt  }
0x78: {  	_ =	shalt  }
0x79: {  	_ =	shalt  }
0x7a: {  	_ =	shalt  }
0x7b: {  	_ =	shalt  }
0x7c: {  	_ =	shalt  }
0x7d: {  	_ =	shalt  }
0x7e: {  	_ =	shalt  }
0x7f: {  	_ =	shalt  }
0x80: {  	_ =	shalt  }
0x81: {  	_ =	shalt  }
0x82: {  	_ =	shalt  }
0x83: {  	_ =	shalt  }
0x84: {  	_ =	shalt  }
0x85: {  	_ =	shalt  }
0x86: {  	_ =	shalt  }
0x87: {  	_ =	shalt  }
.Lfunc_end0:
.L_simem_size_0:
called_computation.2_lowered:
.L_overlay_start_0:
0x88: {  	s2 =	sld [smem:$0x3FD9]  }
0x89: {  	s3 =	sld [smem:$0x3FFE];
	_ =	sdelay $0x1  }
0x8a: {  	s1 =	srdreg.scid  }
0x8b: {  	s0 =	sand.u32 $0x1, s1  }
0x8c: {  	s17 =	sshll.u32 s0, $0xA;
	s2 =	sadd.s32 s3, s2  }
0x8d: {  	s2 =	sadd.s32 s2, s17  }
0x8e: {  	[smem:$0x3FC4] =	sst s2  }
0x8f: {  	_ = 	snop  }
0x90: {  	s2 =	sld [smem:$0x3FC7]  }
0x91: {  	s18 =	sld [smem:$0x3FC6]  }
0x92: {  	s4 =	sld [smem:$0x3FD0];
	(tm) =	ssettm $0x1  }
0x93: {  	s5 =	sld [smem:$0x3FFB];
	_ =	sdelay $0x3  }
0x94: {  	_ =	strace s5  }
0x95: {  	s5 =	sld [smem:$0x3FFC];
	_ =	sdelay $0x3  }
0x96: {  	_ =	strace s5  }
0x97: {  	s5 =	sld [smem:$0x3FFD];
	_ =	sdelay $0x3  }
0x98: {  	_ =	strace s5  }
0x99: {  	_ =	strace $0x8FFFFFFF  }
0x9a: {  	s19 =	sld [smem:$0x3FDB];
	_ =	sdelay $0x1  }
0x9b: {  	s6 =	simm.s32 $_scs_section_size  }
0x9c: {  	s7 =	simm.s32 $_size__tile_overlayer_lowered;
	s8 =	simm.s32 $_tile_overlayer_lowered  }
0x9d: {  	s22 =	simm.s32 $0x1BFF;
	s21 =	sshll.u32 s8, $0x1;
	s5 =	sadd.s32 s6, s19  }
0x9e: {  	s9 =	simm.s32 $0x0;
	s20 =	sshll.u32 s7, $0x1;
	s7 =	sadd.s32 s21, s5  }
0x9f: {  	[timem:s9], [sflag:s22] =	dma.local [hbm:s7], s20  }
0xa0: {  	_ =	swait.ge [sflag:s22], s20  }
0xa1: {  	s6 =	ssub.s32 $0x0, s20;
	[sflag:s22] =	ssyncset.done $0x0  }
0xa2: {  	[sflag:s22] =	ssyncadd.s32 s6;
	_ =	sdelay $0x1  }
0xa3: {  	s23 =	simm.s32 $0x1B8B  }
0xa4: {  	_ =	swait.ge [sflag:s23], $0x1  }
0xa5: {  	[sflag:s23] =	ssyncset.done $0x0  }
0xa6: {  	s25 =	simm.s32 $0x1B8E;
	s24 =	sld [smem:$0x3FFE];
	[sflag:s23] =	ssyncadd.s32 $0xFFFFFFFF  }
0xa7: {  	s26 =	simm.s32 $execute0_lowered;
	[smem:$0x3FD2] =	sst s25  }
0xa8: {  	s7 =	sshll.u32 s26, $0x1;
	_ =	strace $0x80000049;
	[dreg:$0x1] =	wrdreg $0xFFFFFFFF  }
0xa9: {  	s28 =	simm.s32 $_size_execute0_lowered;
	s5 =	sadd.s32 s5, s7;
	[dreg:$0x0] =	wrdreg $0x0  }
0xaa: {  	s7 =	sshll.u32 s28, $0x1;
	[dreg:$0x2] =	wrdreg s5  }
0xab: {  	[dreg:$0x3] =	wrdreg s7  }
0xac: {  	[dreg:$0x4] =	wrdreg $0xC0  }
0xad: {  	_ =	task [dreg:s9], $0x5FFFF  }
0xae: {  	[dreg:$0x1] =	wrdreg $0xFFFFFFFF  }
0xaf: {  	[dreg:$0x0] =	wrdreg $0x60  }
0xb0: {  	[dreg:$0x2] =	wrdreg s4  }
0xb1: {  	[dreg:$0x3] =	wrdreg s24  }
0xb2: {  	[dreg:$0x4] =	wrdreg s2  }
0xb3: {  	[dreg:$0x5] =	wrdreg s18  }
0xb4: {  	[dreg:$0x6] =	wrdreg $0x9  }
0xb5: {  	_ =	task.clear_ibuf [dreg:s9], $0x7FFFF;
	_ =	strace $0x90000049  }
0xb6: {  	s29 =	simm.s32 $0x9;
	_ =	strace $0x8000004B  }
0xb7: {  	_ =	swait.ge [sflag:s29], $0x1  }
0xb8: {  	[sflag:s29] =	ssyncadd.s32 $0xFFFFFFFF  }
0xb9: {  	_ =	strace $0x9000004B  }
0xba: {  	_ =	sfence  }
0xbb: {  	s30 =	sld [smem:$0x0];
	_ =	sdelay $0x2  }
0xbc: {  	s31 =	sshll.u32 s1, $0xD;
	s1 =	sshrl.u32 s1, $0x2  }
0xbd: {  	s3 =	sand.u32 $0x4000, s31;
	s1 =	sadd.s32 s1, s30  }
0xbe: {  	s0 =	sor.u32 s3, s0;
	s1 =	sshll.u32 s1, $0x11  }
0xbf: {  	s0 =	sor.u32 s1, s0  }
0xc0: {  	s0 =	sadd.s32 $0x8F2B, s0  }
0xc1: {  	[sflag:s0] =	ssyncadd.remote.s32 $0x1  }
0xc2: {  	_ =	sfence.sel $0xFFFF  }
0xc3: {  	[dreg:$0x0] =	wrdreg $0xFFFFFFFF;
	(pc) =	sbr.abs _section_cstart, $3  }
0xc4: {  	[dreg:$0x1] =	wrdreg $0xFFFFFFFF  }
0xc5: {  	_ =	task.clear_ibuf [dreg:s9], $0x2FFFF;
	_ =	strace $0x9FFFFFFF  }
0xc6: {  	(tm) =	ssettm $0x7FFFFFFF  }
0xc7: {  	_ =	shalt  }
tec
execute0_lowered:
.L_overlay_start_1:
0x0: {  	(tag) =	ssettag $0x1  }
0x1: {  	s1 =	rddreg [dreg:$0x0]  }
0x2: {  	s0 =	rddreg [dreg:$0x1]  }
0x3: {  	s2 =	srdreg.scid;
	s3 =	stileid.u32  }
0x4: {  	s5 =	simm.s32 $0x0;
	s13 =	simm.s32 $0x18400;
	s14 =	simm.s32 $0x7  }
0x5: {  	s15 =	simm.s32 $0x18440;
	s16 =	simm.s32 $0x80;
	s17 =	simm.s32 $0x400  }
0x6: {  	s19 =	simm.s32 $0x100;
	s21 =	simm.s32 $0x180;
	s22 =	simm.s32 $0x6400  }
0x7: {  	s23 =	simm.s32 $0x10400;
	s24 =	simm.s32 $0x40;
	s25 =	simm.s32 $0x5  }
0x8: {  	s26 =	simm.s32 $0x6;
	s2 =	sand.u32 $0x1, s2;
	s3 =	sshll.u32 s3, $0x1  }
0x9: {  	s28 =	simm.s32 $0x0;
	[smem:$0x7FF] =	sst s5;
	s3 =	sor.u32 s2, s3  }
0xa: {  	s6 =	sadd.s32 $0x1000, s0;
	s2 =	ssub.s32 $0x2, s2;
	s4 =	smul.u32 $0xC80, s3  }
0xb: {  	s7 =	sadd.s32 $0x7A2200, s0;
	_ =	strace $0x8000004A;
	s31 =	sshrl.u32 s2, $0x1  }
0xc: {  	v0 =	vlaneseq.u32;
	s9 =	smul.u32 $0x320000, s3;
	s0 =	ssub.s32 s2, s31;
	s8 =	sadd.s32 s1, s4  }
0xd: {  	v1 =	vmul.u32 $0x40, v0;
	s11 =	smul.u32 $0x6400, s3;
	s12 =	smax.u32 s0, $0x1;
	s10 =	sadd.s32 $0x20, s8  }
.LBB2_1:
0xe: {  	s0 =	rddreg [dreg:$0x2]  }
0xf: {  	[tilespmem:s13], [sflag:$0x7] =	stream.linear.gather [hbm4b:s0+s5], $0x40, $0x38;
	[tilespmem:$0x18480] =	vst v63  }
0x10: {  	_ =	swait.ge [sflag:s14], $0x40  }
0x11: {  	[sflag:s14] =	ssyncset.done $0x0  }
0x12: {  	[sflag:s14] =	ssyncadd.s32 $0xFFFFFFC0  }
0x13: {  	s20 =	rddreg [dreg:$0x3]  }
0x14: {  	[tilespmem:s15], [sflag:$0x7] =	stream.linear.gather [hbm4b:s20+s5], $0x40, $0x38;
	[tilespmem:$0x18480] =	vst v63  }
0x15: {  	_ =	swait.ge [sflag:s14], $0x40  }
0x16: {  	[sflag:s14] =	ssyncset.done $0x0  }
0x17: {  	[sflag:s14] =	ssyncadd.s32 $0xFFFFFFC0  }
0x18: {  	[tilespmem:s5], [sflag:$0x7] =	stream.linear.gather [hbm4b:s8+s5], $0x100, $0x38;
	[tilespmem:$0x18480] =	vst v63  }
0x19: {  	_ =	swait.ge [sflag:s14], $0x100  }
0x1a: {  	[sflag:s14] =	ssyncset.done $0x0  }
0x1b: {  	[sflag:s14] =	ssyncadd.s32 $0xFFFFFF00  }
0x1c: {  	[tilespmem:s17], [sflag:$0x1] =	stream.indirect.gather [hbm4b:s6+s16], $0x40, s5, s16, $0xb8;
	[tilespmem:$0x18480] =	vst v63  }
0x1d: {  	s30 =	simm.s32 $0x2400  }
0x1e: {  	[tilespmem:s30], [sflag:$0x1] =	stream.indirect.gather [hbm4b:s6+s16], $0x40, s16, s16, $0xb8;
	[tilespmem:$0x18480] =	vst v63  }
0x1f: {  	_ = 	snop  }
0x20: {  	[tilespmem:s19], [sflag:$0x7] =	stream.linear.gather [hbm4b:s10+s5], $0x100, $0x38;
	[tilespmem:$0x18480] =	vst v63  }
0x21: {  	_ =	swait.ge [sflag:s14], $0x100  }
0x22: {  	[sflag:s14] =	ssyncset.done $0x0  }
0x23: {  	s31 =	simm.s32 $0x4400;
	[sflag:s14] =	ssyncadd.s32 $0xFFFFFF00  }
0x24: {  	[tilespmem:s31], [sflag:$0x2] =	stream.indirect.gather [hbm4b:s6+s16], $0x40, s19, s16, $0xb8;
	[tilespmem:$0x18480] =	vst v63  }
0x25: {  	s29 =	simm.s32 $0x0  }
0x26: {  	[tilespmem:s22], [sflag:$0x2] =	stream.indirect.gather [hbm4b:s6+s16], $0x40, s21, s16, $0xb8;
	[tilespmem:$0x18480] =	vst v63  }
.LBB2_2:
0x27: {  	s2 =	sand.u32 $0x3, s29  }
0x28: {  	s0 =	sadd.s32 $0x1, s2  }
0x29: {  	_ =	swait.ge [sflag:s0], $0x2000  }
0x2a: {  	[sflag:s0] =	ssyncset.done $0x0  }
0x2b: {  	[sflag:s0] =	ssyncadd.s32 $0xFFFFE000  }
0x2c: {  	_ =	swait.ge [sflag:s0], $0x2000  }
0x2d: {  	s31 =	sand.u32 $0x1, s29;
	p0 =	slt.u32 s29, $0x2;
	[sflag:s0] =	ssyncset.done $0x0  }
0x2e: {  	s3 =	sadd.s32 @!p0 $0x5, s31;
	[sflag:s0] =	ssyncadd.s32 $0xFFFFE000  }
0x2f: {  	p1 =	por $0x1, $0x1;
	s4 =	simm.s32 $0x0;
	v2 =	vmov s2;
	_ =	swait.ge @!p0 [sflag:s3], $0x4000  }
0x30: {  	s2 =	sshll.u32 s31, $0xE;
	v2 =	vshll.u32 v2, $0xE;
	s0 =	sadd.s32 $0x2, s29;
	[sflag:s3] =	ssyncset.done @!p0 $0x0  }
0x31: {  	v3 =	vmov s2;
	v2 =	vbroadcast v2, $0x0;
	s30 =	sand.u32 $0x3, s0;
	[sflag:s3] =	ssyncadd.s32 @!p0 $0xFFFFC000;
	s3 =	simm.s32 $0x0  }
.LBB2_3:
0x32: {  	v4 =	vmov s4;
	v29 =	vimm.f32 $0.0e+00;
	v37 =	vimm.f32 $0.0e+00  }
0x33: {  	s18 =	sor.u32 $0x10, s4;
	s20 =	sor.u32 $0x20, s4;
	v36 =	vimm.f32 $0.0e+00;
	v35 =	vimm.f32 $0.0e+00;
	v34 =	vimm.f32 $0.0e+00  }
0x34: {  	v5 =	vmov s18;
	v6 =	vmov s20;
	s18 =	sor.u32 $0x30, s4;
	s20 =	sor.u32 $0x40, s4;
	v4 =	vshll.u32 v4, $0x6  }
0x35: {  	v7 =	vmov s18;
	v8 =	vmov s20;
	v5 =	vshll.u32 v5, $0x6  }
0x36: {  	s20 =	sor.u32 $0x50, s4;
	v6 =	vshll.u32 v6, $0x6;
	v12 =	vor.u32 v1, v4;
	v4 =	vadd.s32 s3, v0  }
0x37: {  	v9 =	vmov s20;
	v7 =	vshll.u32 v7, $0x6;
	v16 =	vshll.u32 v8, $0x6  }
0x38: {  	v10 =	vor.u32 v2, v12;
	v20 =	vand.u32 $0x38, v4;
	v21 =	vand.u32 $0x7, v4  }
0x39: {  	s20 =	sor.u32 $0x60, s4;
	v13 =	vor.u32 v1, v5;
	v14 =	vor.u32 v1, v6;
	v9 =	vshll.u32 v9, $0x6  }
0x3a: {  	v8 =	vmov s20;
	v4 =	vor.u32 v10, v20;
	v11 =	vor.u32 v2, v13  }
0x3b: {  	s18 =	sor.u32 $0x70, s4;
	v15 =	vor.u32 v1, v7;
	v6 =	vor.u32 v2, v14;
	v16 =	vor.u32 v1, v16  }
0x3c: {  	v18 =	vshll.u32 v8, $0x6;
	v8 =	vmov s18;
	v22 =	vor.u32 v21, v4  }
0x3d: {  	v4 =	vor.u32 v2, v16;
	v19 =	vshll.u32 v8, $0x6;
	v8 =	vor.u32 v2, v15  }
0x3e: {  	v17 =	vor.u32 v1, v9;
	v24 =	vor.u32 v6, v20;
	v23 =	vor.u32 v8, v20  }
0x3f: {  	v25 =	vor.u32 v11, v20;
	v19 =	vor.u32 v1, v19;
	v23 =	vor.u32 v21, v23  }
0x40: {  	v18 =	vor.u32 v1, v18;
	v24 =	vor.u32 v21, v24;
	v9 =	vor.u32 v2, v19  }
0x41: {  	v7 =	vor.u32 v2, v17;
	v25 =	vor.u32 v21, v25;
	v26 =	vor.u32 v9, v20  }
0x42: {  	v5 =	vor.u32 v2, v18;
	v28 =	vor.u32 v7, v20;
	v22 =	vld.idx.msk [tilespmem:v22+s17+$0x0], $0xffff;
	v30 =	vor.u32 v21, v26  }
0x43: {  	v27 =	vor.u32 v4, v20;
	v38 =	vor.u32 v21, v28;
	v20 =	vor.u32 v5, v20  }
0x44: {  	v32 =	vimm.f32 $0.0e+00;
	s20 =	simm.s32 $0x1;
	v40 =	vor.u32 v21, v27;
	v39 =	vor.u32 v21, v20;
	v20 =	vld.idx.msk [tilespmem:v23+s17+$0x0], $0xffff  }
0x45: {  	v33 =	vimm.f32 $0.0e+00;
	v31 =	vimm.f32 $0.0e+00;
	v44 =	vadd.s32 s20, v0;
	v42 =	vld.idx.msk [tilespmem:v24+s17+$0x0], $0xffff  }
0x46: {  	v27 =	vimm.f32 $0.0e+00;
	v28 =	vimm.f32 $0.0e+00;
	v21 =	vimm.f32 $0.0e+00;
	v41 =	vld.idx.msk [tilespmem:v25+s17+$0x0], $0xffff  }
0x47: {  	v25 =	vimm.f32 $0.0e+00;
	v26 =	vadd.f32 v22, v29;
	v43 =	vmul.f32 v22, v22;
	v22 =	vld.idx.msk [tilespmem:v30+s17+$0x0], $0xffff  }
0x48: {  	p0 =	por p1, p1;
	s4 =	simm.s32 $0x2;
	v24 =	vimm.f32 $0.0e+00;
	v38 =	vld.idx.msk [tilespmem:v38+s17+$0x0], $0xffff;
	v23 =	vimm.f32 $0.0e+00;
	v30 =	vimm.f32 $0.0e+00  }
.LBB2_4:
0x49: {  	p1 =	sne.s32 s4, $0x3F;
	v45 =	vand.u32 $0x38, v44;
	v29 =	vadd.f32 v43, v29;
	v37 =	vadd.f32 v20, v37;
	v43 =	vld.idx.msk [tilespmem:v40+s17+$0x0], $0xffff;
	s18 =	smov.u32 s4;
	s4 =	sadd.s32 $0x1, s4  }
0x4a: {  	v44 =	vand.u32 $0x7, v44;
	v36 =	vadd.f32 v42, v36;
	v40 =	vor.u32 v10, v45;
	v46 =	vld.idx.msk [tilespmem:v39+s17+$0x0], $0xffff  }
0x4b: {  	v42 =	vmul.f32 v42, v42;
	v39 =	vor.u32 v44, v40;
	v40 =	vor.u32 v6, v45  }
0x4c: {  	v47 =	vor.u32 v11, v45;
	v48 =	vor.u32 v8, v45;
	v35 =	vadd.f32 v22, v35  }
0x4d: {  	v48 =	vor.u32 v44, v48;
	v49 =	vor.u32 v44, v40;
	v34 =	vadd.f32 v41, v34  }
0x4e: {  	v50 =	vor.u32 v9, v45;
	v47 =	vor.u32 v44, v47;
	v40 =	vor.u32 v4, v45  }
0x4f: {  	v51 =	vor.u32 v7, v45;
	v50 =	vor.u32 v44, v50;
	v41 =	vmul.f32 v41, v41  }
0x50: {  	v40 =	vor.u32 v44, v40;
	v32 =	vadd.f32 v38, v32;
	v52 =	vld.idx.msk [tilespmem:v39+s17+$0x0], $0xffff;
	v39 =	vor.u32 v5, v45  }
0x51: {  	v33 =	vadd.f32 v42, v33;
	v45 =	vor.u32 v44, v51;
	v39 =	vor.u32 v44, v39  }
0x52: {  	v30 =	vadd.f32 v46, v30;
	v51 =	vmul.f32 v20, v20;
	v44 =	vmul.f32 v43, v43;
	v20 =	vld.idx.msk [tilespmem:v48+s17+$0x0], $0xffff  }
.Ltmp0:
0x53: {  	v38 =	vmul.f32 v38, v38;
	v31 =	vadd.f32 v41, v31;
	v41 =	vmul.f32 v46, v46;
	v42 =	vld.idx.msk [tilespmem:v49+s17+$0x0], $0xffff;
	(pc) =	sbr.rel @p1 .LBB2_4-.Ltmp0, $4  }
0x54: {  	v28 =	vadd.f32 v43, v28;
	v27 =	vadd.f32 v44, v27;
	v44 =	vmul.f32 v22, v22  }
0x55: {  	v25 =	vadd.f32 v38, v25;
	v23 =	vadd.f32 v41, v23;
	v22 =	vld.idx.msk [tilespmem:v50+s17+$0x0], $0xffff  }
0x56: {  	v26 =	vadd.f32 v52, v26;
	v43 =	vmul.f32 v52, v52;
	v24 =	vadd.f32 v44, v24;
	v41 =	vld.idx.msk [tilespmem:v47+s17+$0x0], $0xffff  }
0x57: {  	v21 =	vadd.f32 v51, v21;
	v44 =	vadd.s32 s18, v0;
	v38 =	vld.idx.msk [tilespmem:v45+s17+$0x0], $0xffff  }
0x58: {  	v45 =	vand.u32 $0x38, v44  }
0x59: {  	v44 =	vand.u32 $0x7, v44;
	v29 =	vadd.f32 v43, v29;
	v46 =	vor.u32 v10, v45  }
0x5a: {  	v37 =	vadd.f32 v20, v37;
	v47 =	vor.u32 v11, v45;
	v46 =	vor.u32 v44, v46  }
0x5b: {  	v36 =	vadd.f32 v42, v36;
	v48 =	vor.u32 v8, v45;
	v63 =	vor.u32 v44, v47  }
0x5c: {  	v54 =	vmul.f32 v42, v42;
	v53 =	vor.u32 v6, v45;
	v48 =	vor.u32 v44, v48  }
0x5d: {  	v40 =	vld.idx.msk [tilespmem:v40+s17+$0x0], $0xffff;
	v20 =	vmul.f32 v20, v20;
	v50 =	vor.u32 v9, v45;
	v47 =	vor.u32 v44, v53  }
0x5e: {  	v39 =	vld.idx.msk [tilespmem:v39+s17+$0x0], $0xffff;
	v13 =	vor.u32 v3, v13;
	v49 =	vor.u32 v4, v45;
	v50 =	vor.u32 v44, v50  }
0x5f: {  	v15 =	vor.u32 v3, v15;
	v51 =	vor.u32 v7, v45;
	v49 =	vor.u32 v44, v49;
	v46 =	vld.idx.msk [tilespmem:v46+s17+$0x0], $0xffff  }
0x60: {  	v16 =	vor.u32 v3, v16;
	v17 =	vor.u32 v3, v17;
	v51 =	vor.u32 v44, v51;
	v43 =	vld.idx.msk [tilespmem:v63+s17+$0x0], $0xffff  }
0x61: {  	v18 =	vor.u32 v3, v18;
	v35 =	vadd.f32 v22, v35;
	v33 =	vadd.f32 v54, v33;
	v61 =	vld.idx.msk [tilespmem:v48+s17+$0x0], $0xffff  }
0x62: {  	v22 =	vmul.f32 v22, v22;
	v20 =	vadd.f32 v20, v21;
	v34 =	vadd.f32 v41, v34;
	v62 =	vld.idx.msk [tilespmem:v47+s17+$0x0], $0xffff  }
0x63: {  	v55 =	vmul.f32 v41, v41;
	v57 =	vmul.f32 v40, v40;
	v28 =	vadd.f32 v40, v28;
	v40 =	vld.idx.msk [tilespmem:v50+s17+$0x0], $0xffff  }
0x64: {  	v32 =	vadd.f32 v38, v32;
	v58 =	vmul.f32 v38, v38;
	v24 =	vadd.f32 v22, v24;
	v63 =	vld.idx.msk [tilespmem:v49+s17+$0x0], $0xffff  }
0x65: {  	v30 =	vadd.f32 v39, v30;
	v31 =	vadd.f32 v55, v31;
	v39 =	vmul.f32 v39, v39;
	v50 =	vld.idx.msk [tilespmem:v51+s17+$0x0], $0xffff  }
0x66: {  	v45 =	vor.u32 v5, v45;
	v25 =	vadd.f32 v58, v25;
	v27 =	vadd.f32 v57, v27  }
0x67: {  	v39 =	vadd.f32 v39, v23;
	v26 =	vadd.f32 v46, v26;
	v56 =	vmul.f32 v46, v46  }
0x68: {  	v59 =	vmul.f32 v43, v43;
	v34 =	vadd.f32 v43, v34;
	v48 =	vmul.f32 v62, v62  }
0x69: {  	v35 =	vadd.f32 v40, v35;
	v52 =	vmul.f32 v61, v61;
	v53 =	vmul.f32 v63, v63  }
0x6a: {  	v32 =	vadd.f32 v50, v32;
	v41 =	vmul.f32 v50, v50;
	v28 =	vadd.f32 v63, v28  }
0x6b: {  	v40 =	vmul.f32 v40, v40;
	v29 =	vadd.f32 v56, v29;
	v26 =	vmul.f32 $1.562500000e-02, v26  }
0x6c: {  	v31 =	vadd.f32 v59, v31;
	v34 =	vmul.f32 $1.562500000e-02, v34;
	v33 =	vadd.f32 v48, v33  }
0x6d: {  	v20 =	vadd.f32 v52, v20;
	v25 =	vadd.f32 v41, v25;
	v41 =	vmul.f32 $1.562500000e-02, v28  }
0x6e: {  	v27 =	vadd.f32 v53, v27;
	v29 =	vmul.f32 $1.562500000e-02, v29;
	v60 =	vmul.f32 v26, v26  }
0x6f: {  	v24 =	vadd.f32 v40, v24;
	v23 =	vmul.f32 $1.562500000e-02, v31;
	v31 =	vor.u32 v44, v45  }
0x70: {  	v27 =	vmul.f32 $1.562500000e-02, v27;
	v53 =	vmul.f32 v41, v41;
	v29 =	vsub.f32 v29, v60  }
0x71: {  	v33 =	vmul.f32 $1.562500000e-02, v33;
	v20 =	vmul.f32 $1.562500000e-02, v20;
	v26 =	vsub.f32 $0.0e+00, v26  }
0x72: {  	v27 =	vsub.f32 v27, v53;
	v22 =	vmax.f32 v29, $0.0e+00;
	v29 =	vmul.f32 v34, v34  }
0x73: {  	v25 =	vmul.f32 $1.562500000e-02, v25;
	v24 =	vmul.f32 $1.562500000e-02, v24;
	v34 =	vsub.f32 $0.0e+00, v34  }
0x74: {  	v27 =	vmax.f32 v27, $0.0e+00;
	v21 =	vadd.f32 $9.999999960e-13, v22;
	v23 =	vsub.f32 v23, v29  }
0x75: {  	v22 =	vadd.f32 v61, v37;
	v37 =	vmul.f32 $1.562500000e-02, v35;
	v29 =	vadd.f32 v62, v36  }
0x76: {  	v31 =	vld.idx.msk [tilespmem:v31+s17+$0x0], $0xffff;
	v49 =	vshrl.u32 v21, $0x1;
	v21 =	vmul.f32 $5.000000000e-01, v21;
	v23 =	vmax.f32 v23, $0.0e+00  }
0x77: {  	v36 =	vmul.f32 $1.562500000e-02, v22;
	v38 =	vsub.s32 $0x5F3759DF, v49;
	v23 =	vadd.f32 $9.999999960e-13, v23  }
0x78: {  	v27 =	vadd.f32 $9.999999960e-13, v27;
	v29 =	vmul.f32 $1.562500000e-02, v29;
	v51 =	vmul.f32 v38, v38  }
0x79: {  	v58 =	vmul.f32 v36, v36;
	v36 =	vsub.f32 $0.0e+00, v36;
	v54 =	vshrl.u32 v23, $0x1  }
0x7a: {  	v55 =	vmul.f32 v29, v29;
	v43 =	vmul.f32 v51, v21;
	v44 =	vsub.s32 $0x5F3759DF, v54  }
0x7b: {  	v30 =	vadd.f32 v31, v30;
	v23 =	vmul.f32 $5.000000000e-01, v23;
	v56 =	vmul.f32 v44, v44  }
0x7c: {  	v31 =	vmul.f32 v31, v31;
	v29 =	vsub.f32 $0.0e+00, v29;
	v20 =	vsub.f32 v20, v58  }
0x7d: {  	v33 =	vsub.f32 v33, v55;
	v22 =	vsub.f32 $1.500000000e+00, v43;
	v57 =	vmul.f32 v56, v23  }
0x7e: {  	v31 =	vadd.f32 v31, v39;
	v30 =	vmul.f32 $1.562500000e-02, v30;
	v55 =	vshrl.u32 v27, $0x1  }
0x7f: {  	v27 =	vmul.f32 $5.000000000e-01, v27;
	v22 =	vmul.f32 v38, v22;
	v59 =	vsub.f32 $1.500000000e+00, v57  }
0x80: {  	v20 =	vmax.f32 v20, $0.0e+00;
	v35 =	vsub.s32 $0x5F3759DF, v55;
	v33 =	vmax.f32 v33, $0.0e+00  }
0x81: {  	v20 =	vadd.f32 $9.999999960e-13, v20;
	v60 =	vmul.f32 v22, v22;
	v38 =	vmul.f32 v44, v59  }
0x82: {  	v31 =	vmul.f32 $1.562500000e-02, v31;
	v33 =	vadd.f32 $9.999999960e-13, v33;
	v56 =	vmul.f32 v30, v30  }
0x83: {  	v30 =	vsub.f32 $0.0e+00, v30;
	v21 =	vmul.f32 v60, v21;
	v63 =	vmul.f32 v38, v38  }
0x84: {  	v49 =	vshrl.u32 v20, $0x1;
	v51 =	vmul.f32 $5.000000000e-01, v20;
	v61 =	vshrl.u32 v33, $0x1  }
0x85: {  	v50 =	vsub.s32 $0x5F3759DF, v49;
	v21 =	vsub.f32 $1.500000000e+00, v21;
	v23 =	vmul.f32 v63, v23  }
0x86: {  	v57 =	vmul.f32 v37, v37;
	v31 =	vsub.f32 v31, v56;
	v43 =	vsub.s32 $0x5F3759DF, v61  }
0x87: {  	v52 =	vmul.f32 v50, v50;
	v20 =	vmul.f32 v21, v22;
	v21 =	vsub.f32 $1.500000000e+00, v23  }
0x88: {  	v33 =	vmul.f32 $5.000000000e-01, v33;
	v62 =	vmul.f32 v43, v43;
	v24 =	vsub.f32 v24, v57  }
0x89: {  	v31 =	vmax.f32 v31, $0.0e+00;
	v22 =	vmul.f32 v52, v51;
	v23 =	vmul.f32 v21, v38  }
0x8a: {  	v31 =	vadd.f32 $9.999999960e-13, v31;
	v48 =	vmul.f32 v62, v33;
	v21 =	vmul.f32 v20, v26  }
0x8b: {  	v26 =	vsub.f32 $1.500000000e+00, v22;
	v22 =	vmul.f32 v23, v34;
	v34 =	vmul.f32 $1.562500000e-02, v32  }
0x8c: {  	v59 =	vmul.f32 v35, v35;
	v24 =	vmax.f32 v24, $0.0e+00;
	v42 =	vsub.f32 $1.500000000e+00, v48  }
0x8d: {  	v24 =	vadd.f32 $9.999999960e-13, v24;
	v62 =	vshrl.u32 v31, $0x1;
	v32 =	vmul.f32 v34, v34  }
0x8e: {  	s4 =	simm.s32 $0x0;
	v31 =	vmul.f32 $5.000000000e-01, v31;
	v40 =	vsub.s32 $0x5F3759DF, v62;
	v28 =	vmul.f32 v43, v42  }
0x8f: {  	v62 =	vadd.s32 s4, v0;
	v49 =	vmul.f32 v40, v40;
	v25 =	vsub.f32 v25, v32  }
0x90: {  	v48 =	vshrl.u32 v24, $0x1;
	v54 =	vmul.f32 v28, v28;
	v26 =	vmul.f32 v50, v26  }
0x91: {  	v43 =	vsub.s32 $0x5F3759DF, v48;
	v44 =	vmul.f32 v49, v31;
	v25 =	vmax.f32 v25, $0.0e+00  }
0x92: {  	v33 =	vmul.f32 v54, v33;
	v58 =	vmul.f32 v26, v26;
	v25 =	vadd.f32 $9.999999960e-13, v25  }
0x93: {  	v52 =	vsub.f32 $1.500000000e+00, v44;
	v50 =	vmul.f32 $5.000000000e-01, v24;
	v24 =	vmul.f32 v43, v43  }
0x94: {  	v33 =	vsub.f32 $1.500000000e+00, v33;
	v60 =	vmul.f32 v58, v51;
	v61 =	vshrl.u32 v25, $0x1  }
0x95: {  	v32 =	vmul.f32 v59, v27;
	v51 =	vmul.f32 v24, v50;
	v39 =	vsub.s32 $0x5F3759DF, v61  }
0x96: {  	v34 =	vsub.f32 $0.0e+00, v34;
	v25 =	vmul.f32 $5.000000000e-01, v25;
	v63 =	vmul.f32 v39, v39  }
0x97: {  	v24 =	vmul.f32 v33, v28;
	v33 =	vmul.f32 v40, v52;
	v38 =	vsub.f32 $1.500000000e+00, v60  }
0x98: {  	v59 =	vsub.f32 $0.0e+00, v41;
	v32 =	vsub.f32 $1.500000000e+00, v32;
	v42 =	vmul.f32 v63, v25  }
0x99: {  	v53 =	vsub.f32 $1.500000000e+00, v51;
	v40 =	vmul.f32 v33, v33;
	v26 =	vmul.f32 v38, v26  }
0x9a: {  	v35 =	vmul.f32 v35, v32;
	v38 =	vand.u32 $0x3F, v62;
	v28 =	vsub.f32 $1.500000000e+00, v42  }
0x9b: {  	v55 =	vmul.f32 v43, v53;
	v31 =	vmul.f32 v40, v31;
	v40 =	vor.u32 v10, v38  }
0x9c: {  	v41 =	vor.u32 v6, v38;
	v43 =	vor.u32 v8, v38;
	v54 =	vmul.f32 v39, v28  }
0x9d: {  	v45 =	vor.u32 v7, v38;
	v44 =	vor.u32 v5, v38;
	v28 =	vmul.f32 v35, v35  }
0x9e: {  	v48 =	vor.u32 v9, v38;
	v32 =	vmul.f32 v26, v36;
	v56 =	vmul.f32 v54, v54  }
0x9f: {  	v31 =	vsub.f32 $1.500000000e+00, v31;
	v27 =	vmul.f32 v28, v27;
	v28 =	vmul.f32 v55, v55  }
0xa0: {  	v61 =	vsub.f32 $0.0e+00, v37;
	v36 =	vor.u32 v3, v12;
	v57 =	vmul.f32 v56, v25  }
0xa1: {  	v37 =	vor.u32 v3, v14;
	v25 =	vmul.f32 v24, v29;
	v29 =	vmul.f32 v28, v50  }
0xa2: {  	s20 =	simm.s32 $0x1;
	v12 =	vor.u32 v3, v19;
	v63 =	vor.u32 v11, v38;
	v27 =	vsub.f32 $1.500000000e+00, v27  }
0xa3: {  	v14 =	vadd.s32 s20, v0;
	v58 =	vsub.f32 $1.500000000e+00, v57;
	v60 =	vsub.f32 $1.500000000e+00, v29  }
0xa4: {  	v14 =	vand.u32 $0x3F, v14;
	v28 =	vmul.f32 v27, v35;
	v27 =	vmul.f32 v31, v33  }
0xa5: {  	v46 =	vor.u32 v10, v14;
	v29 =	vmul.f32 v58, v54;
	v35 =	vmul.f32 v60, v55  }
0xa6: {  	v19 =	vor.u32 v11, v14;
	v39 =	vld.idx.msk [tilespmem:v38+s13+$0x0], $0xffff;
	v33 =	vmul.f32 v28, v59;
	v30 =	vmul.f32 v27, v30  }
0xa7: {  	s4 =	simm.s32 $0x2;
	v42 =	vor.u32 v4, v38;
	v47 =	vld.idx.msk [tilespmem:v63+s17+$0x0], $0xffff;
	v31 =	vmul.f32 v29, v34;
	v34 =	vmul.f32 v35, v61  }
.LBB2_6:
0xa8: {  	p1 =	sne.s32 s4, $0x3F;
	v49 =	vor.u32 v6, v14;
	v50 =	vld.idx.msk [tilespmem:v43+s17+$0x0], $0xffff;
	v43 =	vor.u32 v8, v14;
	s18 =	smov.u32 s4;
	s4 =	sadd.s32 $0x1, s4  }
0xa9: {  	v51 =	vor.u32 v4, v14;
	v52 =	vor.u32 v7, v14;
	v53 =	vld.idx.msk [tilespmem:v40+s17+$0x0], $0xffff;
	v40 =	vmov v46  }
0xaa: {  	v46 =	vld.idx.msk [tilespmem:v41+s17+$0x0], $0xffff;
	v41 =	vmov v49  }
0xab: {  	v48 =	vld.idx.msk [tilespmem:v48+s17+$0x0], $0xffff  }
0xac: {  	v54 =	vor.u32 v17, v38;
	v55 =	vor.u32 v18, v38;
	v49 =	vld.idx.msk [tilespmem:v42+s17+$0x0], $0xffff;
	v42 =	vmov v51  }
0xad: {  	v51 =	vor.u32 v5, v14;
	v56 =	vld.idx.msk [tilespmem:v45+s17+$0x0], $0xffff;
	v45 =	vmul.f32 v47, v23;
	v47 =	vor.u32 v16, v38  }
0xae: {  	v57 =	vld.idx.msk [tilespmem:v44+s17+$0x0], $0xffff;
	v44 =	vmul.f32 v50, v26  }
0xaf: {  	v58 =	vor.u32 v15, v38;
	v50 =	vor.u32 v37, v38  }
0xb0: {  	v61 =	vor.u32 v13, v38;
	v53 =	vmul.f32 v53, v20;
	v59 =	vld.idx.msk [tilespmem:v38+s15+$0x0], $0xffff;
	v60 =	vadd.f32 v45, v22  }
0xb1: {  	v63 =	vor.u32 v36, v38;
	v46 =	vmul.f32 v46, v24;
	v62 =	vadd.f32 v44, v32;
	v45 =	vmovc v52  }
0xb2: {  	v48 =	vmul.f32 v48, v35;
	v52 =	vadd.f32 v53, v21;
	v53 =	vmul.f32 v60, v39;
	v44 =	vmovc v51  }
0xb3: {  	v46 =	vadd.f32 v46, v25;
	v49 =	vmul.f32 v49, v28;
	v51 =	vmul.f32 v62, v39  }
0xb4: {  	v56 =	vmul.f32 v56, v29;
	v48 =	vadd.f32 v48, v34;
	v52 =	vmul.f32 v52, v39  }
0xb5: {  	v46 =	vmul.f32 v46, v39;
	v49 =	vadd.f32 v49, v33;
	v57 =	vmul.f32 v57, v27  }
0xb6: {  	v56 =	vadd.f32 v56, v31;
	v48 =	vmul.f32 v48, v39;
	v52 =	vadd.f32 v52, v59  }
0xb7: {  	v53 =	vadd.f32 v53, v59;
	v49 =	vmul.f32 v49, v39;
	v57 =	vadd.f32 v57, v30  }
0xb8: {  	v46 =	vadd.f32 v46, v59;
	v56 =	vmul.f32 v56, v39;
	[tilespmem:v63+s23+$0x0] =	vst.idx.msk $0xffff, v52  }
0xb9: {  	v51 =	vadd.f32 v51, v59;
	v39 =	vmul.f32 v57, v39;
	[tilespmem:v61+s23+$0x0] =	vst.idx.msk $0xffff, v53  }
0xba: {  	v49 =	vadd.f32 v49, v59;
	[tilespmem:v50+s23+$0x0] =	vst.idx.msk $0xffff, v46;
	v46 =	vor.u32 v12, v38;
	v38 =	vmov v14  }
0xbb: {  	v14 =	vadd.f32 v56, v59;
	[tilespmem:v58+s23+$0x0] =	vst.idx.msk $0xffff, v51  }
0xbc: {  	v39 =	vadd.f32 v39, v59;
	[tilespmem:v47+s23+$0x0] =	vst.idx.msk $0xffff, v49  }
.Ltmp1:
0xbd: {  	v47 =	vadd.f32 v48, v59;
	[tilespmem:v54+s23+$0x0] =	vst.idx.msk $0xffff, v14;
	(pc) =	sbr.rel @p1 .LBB2_6-.Ltmp1, $4  }
0xbe: {  	[tilespmem:v55+s23+$0x0] =	vst.idx.msk $0xffff, v39  }
0xbf: {  	v14 =	vadd.s32 s18, v0;
	[tilespmem:v46+s23+$0x0] =	vst.idx.msk $0xffff, v47  }
0xc0: {  	v48 =	vor.u32 v9, v38;
	v14 =	vand.u32 $0x3F, v14;
	v39 =	vld.idx.msk [tilespmem:v38+s13+$0x0], $0xffff  }
0xc1: {  	v46 =	vor.u32 v10, v14;
	v47 =	vld.idx.msk [tilespmem:v19+s17+$0x0], $0xffff;
	v19 =	vor.u32 v11, v14  }
0xc2: {  	_ =	sdelay $0x3  }
0xc3: {  	v10 =	vld.idx.msk [tilespmem:v43+s17+$0x0], $0xffff  }
0xc4: {  	v11 =	vld.idx.msk [tilespmem:v40+s17+$0x0], $0xffff  }
0xc5: {  	v59 =	vld.idx.msk [tilespmem:v41+s17+$0x0], $0xffff  }
0xc6: {  	v60 =	vld.idx.msk [tilespmem:v48+s17+$0x0], $0xffff  }
0xc7: {  	v42 =	vld.idx.msk [tilespmem:v42+s17+$0x0], $0xffff  }
0xc8: {  	v45 =	vld.idx.msk [tilespmem:v45+s17+$0x0], $0xffff  }
0xc9: {  	v61 =	vor.u32 v17, v38;
	v62 =	vor.u32 v18, v38;
	v49 =	vor.u32 v16, v38;
	v44 =	vld.idx.msk [tilespmem:v44+s17+$0x0], $0xffff  }
0xca: {  	v50 =	vor.u32 v37, v38;
	v51 =	vor.u32 v15, v38;
	v47 =	vmul.f32 v47, v23  }
0xcb: {  	v53 =	vor.u32 v13, v38;
	v10 =	vmul.f32 v10, v26;
	v11 =	vmul.f32 v11, v20  }
0xcc: {  	v52 =	vld.idx.msk [tilespmem:v38+s15+$0x0], $0xffff;
	v54 =	vor.u32 v36, v38;
	v40 =	vmul.f32 v59, v24;
	v41 =	vmul.f32 v60, v35  }
0xcd: {  	v42 =	vmul.f32 v42, v28;
	v45 =	vmul.f32 v45, v29;
	v11 =	vadd.f32 v11, v21  }
0xce: {  	v44 =	vmul.f32 v44, v27;
	v47 =	vadd.f32 v47, v22;
	v10 =	vadd.f32 v10, v32  }
0xcf: {  	v40 =	vadd.f32 v40, v25;
	v41 =	vadd.f32 v41, v34;
	v11 =	vmul.f32 v11, v39  }
0xd0: {  	v42 =	vadd.f32 v42, v33;
	v45 =	vadd.f32 v45, v31;
	v47 =	vmul.f32 v47, v39  }
0xd1: {  	v44 =	vadd.f32 v44, v30;
	v40 =	vmul.f32 v40, v39;
	v11 =	vadd.f32 v11, v52  }
0xd2: {  	v10 =	vmul.f32 v10, v39;
	v42 =	vmul.f32 v42, v39;
	v47 =	vadd.f32 v47, v52  }
0xd3: {  	v45 =	vmul.f32 v45, v39;
	v40 =	vadd.f32 v40, v52;
	[tilespmem:v54+s23+$0x0] =	vst.idx.msk $0xffff, v11  }
0xd4: {  	v63 =	vmul.f32 v44, v39;
	v10 =	vadd.f32 v10, v52;
	[tilespmem:v53+s23+$0x0] =	vst.idx.msk $0xffff, v47  }
0xd5: {  	v44 =	vor.u32 v12, v38;
	v42 =	vadd.f32 v42, v52;
	[tilespmem:v50+s23+$0x0] =	vst.idx.msk $0xffff, v40  }
0xd6: {  	v47 =	vmul.f32 v41, v39;
	v50 =	vadd.f32 v45, v52;
	[tilespmem:v51+s23+$0x0] =	vst.idx.msk $0xffff, v10  }
0xd7: {  	v8 =	vor.u32 v8, v14;
	v51 =	vadd.f32 v63, v52;
	[tilespmem:v49+s23+$0x0] =	vst.idx.msk $0xffff, v42  }
0xd8: {  	v53 =	vadd.f32 v47, v52;
	[tilespmem:v61+s23+$0x0] =	vst.idx.msk $0xffff, v50  }
0xd9: {  	v6 =	vor.u32 v6, v14;
	[tilespmem:v62+s23+$0x0] =	vst.idx.msk $0xffff, v51  }
0xda: {  	v9 =	vor.u32 v9, v14;
	[tilespmem:v44+s23+$0x0] =	vst.idx.msk $0xffff, v53  }
0xdb: {  	v4 =	vor.u32 v4, v14;
	v11 =	vld.idx.msk [tilespmem:v19+s17+$0x0], $0xffff  }
0xdc: {  	v7 =	vor.u32 v7, v14;
	v8 =	vld.idx.msk [tilespmem:v8+s17+$0x0], $0xffff  }
0xdd: {  	v5 =	vor.u32 v5, v14;
	v54 =	vld.idx.msk [tilespmem:v46+s17+$0x0], $0xffff  }
0xde: {  	v6 =	vld.idx.msk [tilespmem:v6+s17+$0x0], $0xffff  }
0xdf: {  	v9 =	vld.idx.msk [tilespmem:v9+s17+$0x0], $0xffff  }
0xe0: {  	v4 =	vld.idx.msk [tilespmem:v4+s17+$0x0], $0xffff  }
0xe1: {  	v7 =	vld.idx.msk [tilespmem:v7+s17+$0x0], $0xffff  }
0xe2: {  	v55 =	vor.u32 v17, v14;
	v56 =	vor.u32 v18, v14;
	v57 =	vor.u32 v16, v14;
	v5 =	vld.idx.msk [tilespmem:v5+s17+$0x0], $0xffff  }
0xe3: {  	v58 =	vor.u32 v37, v14;
	v59 =	vor.u32 v15, v14;
	v63 =	vor.u32 v12, v14;
	v10 =	vld.idx.msk [tilespmem:v14+s13+$0x0], $0xffff  }
0xe4: {  	v61 =	vor.u32 v13, v14;
	v11 =	vmul.f32 v11, v23;
	v19 =	vmul.f32 v54, v20  }
0xe5: {  	v62 =	vor.u32 v36, v14;
	v60 =	vld.idx.msk [tilespmem:v14+s15+$0x0], $0xffff;
	v8 =	vmul.f32 v8, v26;
	v6 =	vmul.f32 v6, v24  }
0xe6: {  	v9 =	vmul.f32 v9, v35;
	v4 =	vmul.f32 v4, v28;
	v19 =	vadd.f32 v19, v21  }
0xe7: {  	v7 =	vmul.f32 v7, v29;
	v5 =	vmul.f32 v5, v27;
	v11 =	vadd.f32 v11, v22  }
0xe8: {  	v8 =	vadd.f32 v8, v32;
	v6 =	vadd.f32 v6, v25;
	v19 =	vmul.f32 v19, v10  }
0xe9: {  	v9 =	vadd.f32 v9, v34;
	v4 =	vadd.f32 v4, v33;
	v11 =	vmul.f32 v11, v10  }
0xea: {  	v7 =	vadd.f32 v7, v31;
	v6 =	vmul.f32 v6, v10;
	v19 =	vadd.f32 v19, v60  }
0xeb: {  	v5 =	vadd.f32 v5, v30;
	v8 =	vmul.f32 v8, v10;
	v11 =	vadd.f32 v11, v60  }
0xec: {  	v4 =	vmul.f32 v4, v10;
	v6 =	vadd.f32 v6, v60;
	[tilespmem:v62+s23+$0x0] =	vst.idx.msk $0xffff, v19  }
0xed: {  	v7 =	vmul.f32 v7, v10;
	v8 =	vadd.f32 v8, v60;
	[tilespmem:v61+s23+$0x0] =	vst.idx.msk $0xffff, v11  }
0xee: {  	v5 =	vmul.f32 v5, v10;
	v4 =	vadd.f32 v4, v60;
	[tilespmem:v58+s23+$0x0] =	vst.idx.msk $0xffff, v6  }
.Ltmp2:
0xef: {  	v9 =	vmul.f32 v9, v10;
	v7 =	vadd.f32 v7, v60;
	[tilespmem:v59+s23+$0x0] =	vst.idx.msk $0xffff, v8;
	(pc) =	sbr.rel @p0 .LBB2_3-.Ltmp2, $4  }
0xf0: {  	v5 =	vadd.f32 v5, v60;
	[tilespmem:v57+s23+$0x0] =	vst.idx.msk $0xffff, v4  }
0xf1: {  	v4 =	vadd.f32 v9, v60;
	[tilespmem:v55+s23+$0x0] =	vst.idx.msk $0xffff, v7  }
0xf2: {  	[tilespmem:v56+s23+$0x0] =	vst.idx.msk $0xffff, v5  }
0xf3: {  	s4 =	simm.s32 $0x80;
	p1 =	por $0x0, $0x0;
	[tilespmem:v63+s23+$0x0] =	vst.idx.msk $0xffff, v4  }
0xf4: {  	s3 =	sshll.u32 s29, $0xF;
	p0 =	sgt.u32 s29, $0x61  }
0xf5: {  	s3 =	sadd.s32 s9, s3;
	s0 =	sshll.u32 @!p0 s0, $0x8  }
0xf6: {  	s4 =	sadd.s32 $0x5, s31;
	s3 =	sshrl.u32 s3, $0x3;
	s0 =	sadd.s32 @!p0 s11, s0  }
0xf7: {  	s2 =	sor.u32 $0x10400, s2;
	s3 =	sadd.s32 s7, s3;
	s0 =	sshrl.u32 @!p0 s0, $0x3  }
0xf8: {  	[hbm4b:s3+s24] =	stream.strided.scatter [tilespmem:s2], [sflag:s4], $0x4000, s16, s24, $0x38;
	[tilespmem:$0x18480] =	vst v63  }
0xf9: {  	s2 =	sshll.u32 @!p0 s30, $0x8;
	s0 =	sadd.s32 @!p0 s1, s0;
	s3 =	simm.s32 @!p0 $0x0  }
0xfa: {  	[tilespmem:s2], [sflag:$0x7] =	stream.linear.gather @!p0 [hbm4b:s0+s3], $0x100, $0x38;
	[tilespmem:$0x18480] =	vst v63  }
0xfb: {  	s0 =	simm.s32 @!p0 $0x7  }
0xfc: {  	_ =	swait.ge @!p0 [sflag:s0], $0x100  }
0xfd: {  	[sflag:s0] =	ssyncset.done @!p0 $0x0  }
0xfe: {  	[sflag:s0] =	ssyncadd.s32 @!p0 $0xFFFFFF00;
	s0 =	sshll.u32 @!p0 s30, $0xE  }
0xff: {  	s18 =	simm.s32 @!p0 $0x80;
	s4 =	sadd.s32 @!p0 $0x1, s30;
	s3 =	sor.u32 @!p0 $0x400, s0  }
0x100: {  	[tilespmem:s3], [sflag:s4] =	stream.indirect.gather @!p0 [hbm4b:s6+s18], $0x40, s2, s18, $0xb8;
	[tilespmem:$0x18480] =	vst v63  }
0x101: {  	s29 =	sadd.s32 $0x1, s29;
	s0 =	sor.u32 @!p0 $0x2400, s0;
	s2 =	sor.u32 @!p0 $0x80, s2  }
0x102: {  	[tilespmem:s0], [sflag:s4] =	stream.indirect.gather @!p0 [hbm4b:s6+s18], $0x40, s2, s18, $0xb8;
	[tilespmem:$0x18480] =	vst v63  }
0x103: {  	p0 =	sne.s32 s29, $0x64  }
.Ltmp3:
0x104: {  	_ = 	snop;
	(pc) =	sbr.rel @p0 .LBB2_2-.Ltmp3, $1  }
0x105: {  	_ =	sdelay $0x3  }
0x106: {  	s28 =	sadd.s32 $0x1, s28  }
0x107: {  	_ =	swait.ge [sflag:s25], $0x4000;
	p0 =	sne.s32 s28, s12  }
.Ltmp4:
0x108: {  	[sflag:s25] =	ssyncset.done $0x0;
	(pc) =	sbr.rel @p0 .LBB2_1-.Ltmp4, $4  }
0x109: {  	[sflag:s25] =	ssyncadd.s32 $0xFFFFC000  }
0x10a: {  	_ =	swait.ge [sflag:s26], $0x4000  }
0x10b: {  	[sflag:s26] =	ssyncset.done $0x0  }
0x10c: {  	[sflag:s26] =	ssyncadd.s32 $0xFFFFC000  }
0x10d: {  	_ =	sfence.sel $0x180000  }
0x10e: {  	[bflag:$0x0] =	sbarrier.arrive $0xFFFF  }
0x10f: {  	_ =	strace $0x9000004A  }
0x110: {  	s0 =	stileid.u32;
	[bflag:$0x2] =	sbarrier.arrive $0xFFFF  }
0x111: {  	p0 =	sne.s32 s0, $0x0;
	s0 =	rddreg [dreg:$0x4]  }
0x112: {  	s0 =	sadd.s32 @!p0 $0x100000, s0  }
0x113: {  	[sflag:s0] =	ssyncadd.tile.s32 @!p0 $0x1;
	_ =	shalt  }
.Lfunc_end2:
_tile_overlayer_lowered:
.L_overlay_start_2:
0x114: {  	(tag) =	ssettag $0x2  }
0x115: {  	s0 =	rddreg [dreg:$0x0];
	s2 =	stileid.u32  }
0x116: {  	s1 =	rddreg [dreg:$0x1];
	p0 =	sne.s32 s2, $0x0  }
0x117: {  	s3 =	rddreg [dreg:$0x2];
	[bflag:$0x3] =	sbarrier.arrive $0xFFFF;
	s2 =	simm.s32 @!p0 $0x1C07  }
0x118: {  	[timem:s3], [sflag:s2] =	dma.local @!p0 [hbm:s0], s1  }
0x119: {  	s0 =	simm.s32 @!p0 $0x7  }
0x11a: {  	_ =	swait.ge @!p0 [sflag:s0], s1  }
0x11b: {  	s1 =	ssub.s32 @!p0 $0x0, s1;
	[sflag:s0] =	ssyncset.done @!p0 $0x0  }
0x11c: {  	[sflag:s0] =	ssyncadd.s32 @!p0 s1  }
0x11d: {  	[bflag:$0x3] =	sbarrier.arrive $0xFFFF  }
0x11e: {  	_ =	shalt  }

// kernel: sparse-core-data-format-call.cloned.1.call-start
scs
called_computation_lowered:
.L_overlay_start_0:
0x0: {  	s2 =	sld [smem:$0x3FD9]  }
0x1: {  	s3 =	sld [smem:$0x3FFE];
	_ =	sdelay $0x1  }
0x2: {  	s1 =	srdreg.scid  }
0x3: {  	s0 =	sand.u32 $0x1, s1  }
0x4: {  	s18 =	sshll.u32 s0, $0xA;
	s2 =	sadd.s32 s3, s2  }
0x5: {  	s2 =	sadd.s32 s2, s18  }
0x6: {  	[smem:$0x3FC4] =	sst s2  }
0x7: {  	_ = 	snop  }
0x8: {  	s2 =	sld [smem:$0x3FD0];
	(tm) =	ssettm $0x1  }
0x9: {  	s19 =	sld [smem:$0x3FFB];
	_ =	sdelay $0x3  }
0xa: {  	_ =	strace s19  }
0xb: {  	s3 =	sld [smem:$0x3FFC];
	_ =	sdelay $0x3  }
0xc: {  	_ =	strace s3  }
0xd: {  	s3 =	sld [smem:$0x3FFD];
	_ =	sdelay $0x3  }
0xe: {  	_ =	strace s3  }
0xf: {  	_ =	strace $0x8FFFFFFF  }
0x10: {  	s20 =	sld [smem:$0x3FDB];
	_ =	sdelay $0x1  }
0x11: {  	s4 =	simm.s32 $_scs_section_size  }
0x12: {  	s5 =	simm.s32 $_size__tile_overlayer_lowered;
	s6 =	simm.s32 $_tile_overlayer_lowered  }
0x13: {  	s23 =	simm.s32 $0x1BFF;
	s22 =	sshll.u32 s6, $0x1;
	s3 =	sadd.s32 s4, s20  }
0x14: {  	s7 =	simm.s32 $0x0;
	s21 =	sshll.u32 s5, $0x1;
	s5 =	sadd.s32 s22, s3  }
0x15: {  	[timem:s7], [sflag:s23] =	dma.local [hbm:s5], s21  }
0x16: {  	_ =	swait.ge [sflag:s23], s21  }
0x17: {  	s4 =	ssub.s32 $0x0, s21;
	[sflag:s23] =	ssyncset.done $0x0  }
0x18: {  	[sflag:s23] =	ssyncadd.s32 s4;
	_ =	sdelay $0x1  }
0x19: {  	s24 =	simm.s32 $0x1B8B  }
0x1a: {  	_ =	swait.ge [sflag:s24], $0x1  }
0x1b: {  	[sflag:s24] =	ssyncset.done $0x0  }
0x1c: {  	s26 =	simm.s32 $0x1B8E;
	s25 =	sld [smem:$0x3FFE];
	[sflag:s24] =	ssyncadd.s32 $0xFFFFFFFF  }
0x1d: {  	s27 =	simm.s32 $execute0_lowered;
	[smem:$0x3FD2] =	sst s26  }
0x1e: {  	s5 =	sshll.u32 s27, $0x1;
	_ =	strace $0x8000004C;
	[dreg:$0x1] =	wrdreg $0xFFFFFFFF  }
0x1f: {  	s28 =	simm.s32 $_size_execute0_lowered;
	s3 =	sadd.s32 s3, s5;
	[dreg:$0x0] =	wrdreg $0x0  }
0x20: {  	s5 =	sshll.u32 s28, $0x1;
	[dreg:$0x2] =	wrdreg s3  }
0x21: {  	[dreg:$0x3] =	wrdreg s5  }
0x22: {  	[dreg:$0x4] =	wrdreg $0xC0  }
0x23: {  	_ =	task [dreg:s7], $0x5FFFF  }
0x24: {  	[dreg:$0x1] =	wrdreg $0xFFFFFFFF  }
0x25: {  	[dreg:$0x0] =	wrdreg $0x60  }
0x26: {  	[dreg:$0x2] =	wrdreg s25  }
0x27: {  	[dreg:$0x3] =	wrdreg s2  }
0x28: {  	[dreg:$0x4] =	wrdreg $0x9  }
0x29: {  	_ =	task.clear_ibuf [dreg:s7], $0x5FFFF;
	_ =	strace $0x9000004C  }
0x2a: {  	s29 =	simm.s32 $0x9;
	_ =	strace $0x8000004E  }
0x2b: {  	_ =	swait.ge [sflag:s29], $0x1  }
0x2c: {  	[sflag:s29] =	ssyncadd.s32 $0xFFFFFFFF  }
0x2d: {  	_ =	strace $0x9000004E  }
0x2e: {  	_ =	sfence  }
0x2f: {  	s30 =	sld [smem:$0x0];
	_ =	sdelay $0x2  }
0x30: {  	s31 =	sshll.u32 s1, $0xD;
	s1 =	sshrl.u32 s1, $0x2  }
0x31: {  	s3 =	sand.u32 $0x4000, s31;
	s1 =	sadd.s32 s1, s30  }
0x32: {  	s0 =	sor.u32 s3, s0;
	s1 =	sshll.u32 s1, $0x11  }
0x33: {  	s0 =	sor.u32 s1, s0  }
0x34: {  	s0 =	sadd.s32 $0x8F2B, s0  }
0x35: {  	[sflag:s0] =	ssyncadd.remote.s32 $0x1  }
0x36: {  	_ =	sfence.sel $0xFFFF  }
0x37: {  	[dreg:$0x0] =	wrdreg $0xFFFFFFFF;
	(pc) =	sbr.abs _section_cstart, $3  }
0x38: {  	[dreg:$0x1] =	wrdreg $0xFFFFFFFF  }
0x39: {  	_ =	task.clear_ibuf [dreg:s7], $0x2FFFF;
	_ =	strace $0x9FFFFFFF  }
0x3a: {  	(tm) =	ssettm $0x7FFFFFFF  }
0x3b: {  	_ =	shalt  }
tec
execute0_lowered:
.L_overlay_start_1:
0x0: {  	(tag) =	ssettag $0x1  }
0x1: {  	s0 =	srdreg.scid  }
0x2: {  	s1 =	sshll.u32 s0, $0x4  }
0x3: {  	s0 =	stileid.u32;
	s1 =	sand.u32 $0x10, s1  }
0x4: {  	s1 =	sor.u32 s0, s1  }
0x5: {  	s6 =	rddreg [dreg:$0x0];
	s4 =	simm.s32 $0x1;
	s2 =	sshll.u32 s1, $0x7  }
0x6: {  	s7 =	simm.s32 $0x2;
	s12 =	simm.s32 $0x0;
	s1 =	ssub.s32 $0x1000, s2  }
0x7: {  	s8 =	simm.s32 $0x8000;
	s13 =	simm.s32 $0x0;
	s3 =	sand.u32 $0xF80, s1  }
0x8: {  	s9 =	simm.s32 $0x0;
	s5 =	sshrl.u32 s1, $0xC;
	p0 =	sne.s32 s3, $0x0  }
.Ltmp0:
0x9: {  	s1 =	rddreg [dreg:$0x2];
	s4 =	simm.s32 @!p0 $0x0;
	(pc) =	sbr.rel .LBB1_1-.Ltmp0, $4  }
0xa: {  	s11 =	simm.s32 $0x0;
	s3 =	rddreg [dreg:$0x1];
	s5 =	sadd.s32 s4, s5  }
0xb: {  	_ =	strace $0x8000004D;
	s4 =	simm.s32 $0x1;
	s5 =	smul.u32 $0xC8, s5  }
0xc: {  	s6 =	sadd.s32 $0x7A2200, s6;
	s10 =	smov.u32 s2;
	[sflag:s4] =	ssyncpa.u1 $0x0  }
0xd: {  	p0 =	por $0x0, $0x0;
	[sflag:s7] =	ssyncpa.u1 $0x0;
	s7 =	sor.u32 $0x1, s5  }
.LBB1_4:
0xe: {  	s16 =	sshll.u32 s13, $0x3;
	s17 =	sand.u32 $0x78, s13  }
0xf: {  	s30 =	sand.u32 $0x7E00, s13;
	s12 =	sshll.u32 s12, $0xF;
	s16 =	sand.u32 $0xC00, s16  }
0x10: {  	[tilespmem:s15+$0x810 ss:$0x81] =	vst.msk $0xffff, v2;
	s31 =	sand.u32 $0x7, s13;
	s16 =	sor.u32 s17, s16;
	s17 =	sadd.s32 s3, s30  }
0x11: {  	[tilespmem:s15+$0x1020 ss:$0x81] =	vst.msk $0xffff, v0;
	s13 =	sshll.u32 s31, $0x12;
	s12 =	sadd.s32 s12, s17;
	s16 =	sshrl.u32 s16, $0x3  }
0x12: {  	[tilespmem:s15+$0x0 ss:$0x81] =	vst.msk $0xffff, v1;
	s13 =	sor.u32 $0x400, s13;
	s12 =	sadd.s32 s16, s12  }
0x13: {  	[hbm4b:s12+s13] =	stream.strided.scatter [tilespmem:s14], [sflag:$0x2], $0x2000, s8, s13, $0x20;
	[tilespmem:$0x8080] =	vst v63  }
.LBB1_5:
0x14: {  	s14 =	sadd.s32 $0x1, s9  }
0x15: {  	s12 =	sadd.s32 $0x1000, s10;
	s16 =	smov.u32 s10;
	p2 =	sgt.s32 s14, $0xC7  }
0x16: {  	s16 =	smov.u32 @p2 s12  }
0x17: {  	s14 =	simm.s32 @p2 $0x0;
	p2 =	sgt.s32 s16, $0xFFF  }
0x18: {  	s16 =	smov.u32 @p2 s2;
	p2 =	sne.s32 s11, s7  }
.Ltmp1:
0x19: {  	p1 =	slt.u32 s11, $0x2;
	(pc) =	sbr.rel @!p2 .LBB1_6-.Ltmp1, $4  }
0x1a: {  	s15 =	simm.s32 @!p1 $0x2  }
0x1b: {  	s13 =	smov.u32 s10;
	p0 =	por !p0, !p0;
	_ =	swait.ge @!p1 [sflag:s15], $0x2000  }
0x1c: {  	s12 =	smov.u32 s9;
	[sflag:s15] =	ssyncset.done @!p1 $0x0;
	s9 =	smov.u32 s14  }
0x1d: {  	s11 =	sadd.s32 $0x1, s11;
	[sflag:s15] =	ssyncadd.s32 @!p1 $0xFFFFE000;
	s10 =	smov.u32 s16  }
.LBB1_1:
0x1e: {  	p1 =	sge.u32 s11, s5  }
0x1f: {  	s14 =	sand.u32 @!p1 $0x1FFFFFF, s9  }
0x20: {  	s15 =	smulhi.u32 @!p1 $0x147AE15, s14;
	_ =	sdelay $0x1  }
0x21: {  	s15 =	smul.u32 @!p1 $0xC8, s15  }
0x22: {  	s16 =	sxor.u32 @!p1 $0xFFFFFFFF, s11;
	s17 =	smul.u32 @!p1 $0xC80, s10  }
0x23: {  	s31 =	sadd.s32 $0xFFFFFFFF, s11;
	s16 =	sshll.u32 @!p1 s16, $0xD;
	s14 =	ssub.s32 @!p1 s14, s15  }
0x24: {  	s15 =	sand.u32 @!p1 $0x2000, s16;
	s16 =	sadd.s32 @!p1 s6, s17;
	s14 =	sshll.u32 @!p1 s14, $0x4  }
0x25: {  	s17 =	simm.s32 @!p1 $0x6400;
	s14 =	sadd.s32 @!p1 s14, s16;
	s16 =	simm.s32 @!p1 $0x40  }
0x26: {  	[tilespmem:s15], [sflag:$0x1] =	stream.strided.gather @!p1 [hbm4b:s14+s16], $0x2000, s17, s16, $0x38;
	[tilespmem:$0x8080] =	vst v63  }
0x27: {  	p1 =	sge.u32 s31, s5  }
.Ltmp2:
0x28: {  	_ = 	snop;
	(pc) =	sbr.rel @p1 .LBB1_5-.Ltmp2, $1  }
0x29: {  	_ =	sdelay $0x3  }
0x2a: {  	s14 =	simm.s32 $0x1  }
0x2b: {  	_ =	swait.ge [sflag:s4], $0x2000;
	s14 =	simm.s32 @!p0 $0x0  }
0x2c: {  	[sflag:s4] =	ssyncset.done $0x0;
	s15 =	sshll.u32 s14, $0xD  }
0x2d: {  	[sflag:s4] =	ssyncadd.s32 $0xFFFFE000;
	s18 =	sor.u32 $0x20, s15  }
0x2e: {  	s14 =	smul.u32 $0x8100, s14;
	v3 =	vld [tilespmem:s18+$0x10]  }
0x2f: {  	s30 =	sand.u32 $0x1, s11;
	v2 =	vld [tilespmem:s18+$0xFFFFFFF0]  }
0x30: {  	s15 =	smul.u32 $0x8100, s30;
	s14 =	sshrl.u32 s14, $0x2;
	v0 =	vld [tilespmem:s18+$0x0]  }
0x31: {  	v1 =	vld [tilespmem:s18+$0xFFFFFFE0];
	s16 =	sor.u32 $0x4000, s14  }
0x32: {  	s31 =	sshrl.u32 s15, $0x2;
	s15 =	sadd.s32 $0x0, s16  }
0x33: {  	s17 =	simm.s32 $0x4;
	s18 =	sadd.s32 $0x40, s18;
	s14 =	sor.u32 $0x4000, s31;
	[tilespmem:s15+$0x1830 ss:$0x81] =	vst.msk $0xffff, v3  }
.LBB1_3:
0x34: {  	v3 =	vld [tilespmem:s18+$0x10];
	p1 =	sne.s32 s17, $0x1FC;
	[tilespmem:s15+$0x810 ss:$0x81] =	vst.msk $0xffff, v2;
	s19 =	smov.u32 s17;
	s17 =	sadd.s32 $0x4, s17  }
.Ltmp3:
0x35: {  	v2 =	vld [tilespmem:s18+$0xFFFFFFF0];
	[tilespmem:s15+$0x1020 ss:$0x81] =	vst.msk $0xffff, v0;
	(pc) =	sbr.rel @p1 .LBB1_3-.Ltmp3, $4  }
0x36: {  	v0 =	vld [tilespmem:s18+$0x0];
	[tilespmem:s15+$0x0 ss:$0x81] =	vst.msk $0xffff, v1  }
0x37: {  	s15 =	sshra.s32 s19, $0x2;
	v1 =	vld [tilespmem:s18+$0xFFFFFFE0]  }
0x38: {  	s15 =	sadd.s32 s15, s16  }
0x39: {  	s18 =	sadd.s32 $0x40, s18;
	[tilespmem:s15+$0x1830 ss:$0x81] =	vst.msk $0xffff, v3  }
.Ltmp4:
0x3a: {  	_ = 	snop;
	(pc) =	sbr.rel .LBB1_4-.Ltmp4, $1  }
0x3b: {  	_ =	sdelay $0x3  }
.LBB1_6:
0x3c: {  	_ =	sfence.sel $0x180000  }
0x3d: {  	s2 =	simm.s32 $0x1;
	[bflag:$0x0] =	sbarrier.arrive $0xFFFF  }
0x3e: {  	s31 =	simm.s32 $0x2;
	[sflag:s2] =	ssyncpa.u1 $0x1  }
0x3f: {  	[sflag:s31] =	ssyncpa.u1 $0x1  }
0x40: {  	p0 =	sne.s32 s0, $0x0;
	_ =	strace $0x9000004D  }
0x41: {  	s0 =	sadd.s32 @!p0 $0x100000, s1;
	[bflag:$0x2] =	sbarrier.arrive $0xFFFF  }
0x42: {  	[sflag:s0] =	ssyncadd.tile.s32 @!p0 $0x1;
	_ =	shalt  }
.Lfunc_end1:
_tile_overlayer_lowered:
.L_overlay_start_2:
0x43: {  	(tag) =	ssettag $0x2  }
0x44: {  	s0 =	rddreg [dreg:$0x0];
	s2 =	stileid.u32  }
0x45: {  	s1 =	rddreg [dreg:$0x1];
	p0 =	sne.s32 s2, $0x0  }
0x46: {  	s3 =	rddreg [dreg:$0x2];
	[bflag:$0x3] =	sbarrier.arrive $0xFFFF;
	s2 =	simm.s32 @!p0 $0x1C01  }
0x47: {  	[timem:s3], [sflag:s2] =	dma.local @!p0 [hbm:s0], s1  }
0x48: {  	s0 =	simm.s32 @!p0 $0x1  }
0x49: {  	_ =	swait.ge @!p0 [sflag:s0], s1  }
0x4a: {  	s1 =	ssub.s32 @!p0 $0x0, s1;
	[sflag:s0] =	ssyncset.done @!p0 $0x0  }
0x4b: {  	[sflag:s0] =	ssyncadd.s32 @!p0 s1  }
0x4c: {  	[bflag:$0x3] =	sbarrier.arrive $0xFFFF  }
0x4d: {  	_ =	shalt  }

</sc_bundles>
